<compile_context>
chip_gen: v7x
topology: tpu7x:2x2x1
jax: 0.10.2.dev20260603
libtpu: 0.0.44.dev20260713+nightly
codegen_flags: <defaults>
</compile_context>

<pallas_src>
import jax
import jax.numpy as jnp
from jax import lax
from jax.experimental import pallas as pl
from jax.experimental.pallas import tpu as pltpu
from jax.experimental.pallas import tpu_sc as plsc

N_NODES = 10000
N_PAD = 10240
DUMP = 10000
NC, NS = 2, 16
NW = NC * NS
B = 64
SA = 160
SB = 160
SEG_STEPS = 32
SEG_ALL = SB // SEG_STEPS
SEG_A = SA // SEG_STEPS
NBUF = 4
LOOK = 2
DEGW = 16
ROWS_PER_TILE = N_PAD // NS
RB = 1024
GRID = N_PAD // RB


def _sc_mesh():
    return plsc.VectorSubcoreMesh(core_axis_name="c", subcore_axis_name="s")


def _deg_body(dst_hbm, deg_out, idx_v, ones_v, zb_v, deg_sh, dsem):
    cid = lax.axis_index("c")
    sid = lax.axis_index("s")
    wid = cid * NS + sid
    row0 = sid * ROWS_PER_TILE

    def fill_ones(t, c):
        ones_v[t, :] = jnp.full((DEGW,), 1.0, jnp.float32)
        return c

    lax.fori_loop(0, B, fill_ones, 0)

    def fill_z(t, c):
        zb_v[t, :] = jnp.zeros((DEGW,), jnp.float32)
        return c

    lax.fori_loop(0, 16, fill_z, 0)

    def zero_cp(t, c):
        pltpu.sync_copy(zb_v, deg_sh.at[pl.ds(row0 + t * 16, 16)])
        return c

    lax.fori_loop(0, ROWS_PER_TILE // 16, zero_cp, 0)
    plsc.subcore_barrier()

    pltpu.sync_copy(dst_hbm.at[wid], idx_v)

    def batch(tb, c):
        def fire(j, c2):
            pltpu.async_copy(ones_v, deg_sh.at[idx_v.at[tb * 8 + j]], dsem,
                             add=True)
            return c2

        lax.fori_loop(0, 8, fire, 0)

        def drain(j, c2):
            pltpu.make_async_copy(ones_v, deg_sh.at[idx_v.at[tb * 8 + j]],
                                  dsem).wait()
            return c2

        lax.fori_loop(0, 8, drain, 0)
        return c

    lax.fori_loop(0, SA // 8, batch, 0)
    plsc.subcore_barrier()

    pltpu.sync_copy(deg_sh.at[pl.ds(row0, ROWS_PER_TILE)],
                    deg_out.at[cid, pl.ds(row0, ROWS_PER_TILE)])


def _deg_call(dst_p):
    return pl.kernel(
        _deg_body,
        out_type=jax.ShapeDtypeStruct((NC, N_PAD, DEGW), jnp.float32),
        mesh=_sc_mesh(),
        scratch_types=[
            pltpu.VMEM((SA, B), jnp.int32),
            pltpu.VMEM((B, DEGW), jnp.float32),
            pltpu.VMEM((16, DEGW), jnp.float32),
            pltpu.VMEM_SHARED((N_PAD, DEGW), jnp.float32),
            pltpu.SemaphoreType.DMA,
        ],
    )(dst_p)


def _edge_body(src_hbm, dst_hbm, g_hbm, acc_out,
               src_v, dst_v, rows_v, zb_v, acc_sh,
               gsem0, gsem1, gsem2, gsem3, ssem0, ssem1, ssem2, ssem3):
    gsem = (gsem0, gsem1, gsem2, gsem3)
    ssem = (ssem0, ssem1, ssem2, ssem3)
    cid = lax.axis_index("c")
    sid = lax.axis_index("s")
    wid = cid * NS + sid
    row0 = sid * ROWS_PER_TILE

    def fill_z(t, c):
        r = t // 8
        col = t % 8
        zb_v[r, pl.ds(col * 16, 16)] = jnp.zeros((16,), jnp.float32)
        return c

    lax.fori_loop(0, 64, fill_z, 0)

    def zero_cp(t, c):
        pltpu.sync_copy(zb_v, acc_sh.at[pl.ds(row0 + t * 8, 8)])
        return c

    lax.fori_loop(0, ROWS_PER_TILE // 8, zero_cp, 0)
    plsc.subcore_barrier()

    def run_segment(s, active):
        def guard(extra, fn):
            def run():
                fn()

            if active is None and extra is None:
                run()
            elif active is None:
                pl.when(extra)(run)
            elif extra is None:
                pl.when(active)(run)
            else:
                pl.when(jnp.logical_and(active, extra))(run)

        guard(None, lambda: pltpu.sync_copy(
            src_hbm.at[wid, pl.ds(s * SEG_STEPS, SEG_STEPS)], src_v))
        guard(None, lambda: pltpu.sync_copy(
            dst_hbm.at[wid, pl.ds(s * SEG_STEPS, SEG_STEPS)], dst_v))

        for b in range(LOOK):
            guard(None, lambda b=b: pltpu.async_copy(
                g_hbm.at[src_v.at[b]], rows_v.at[b], gsem[b]))

        def outer(t, c):
            j0 = t * NBUF
            for b in range(NBUF):
                j = j0 + b
                b2 = (b + LOOK) % NBUF
                guard(None, lambda b=b, j=j: pltpu.make_async_copy(
                    g_hbm.at[src_v.at[j]], rows_v.at[b], gsem[b]).wait())
                guard(None, lambda b=b, j=j: pltpu.async_copy(
                    rows_v.at[b], acc_sh.at[dst_v.at[j]], ssem[b], add=True))
                guard(j >= LOOK, lambda b2=b2, j=j: pltpu.make_async_copy(
                    rows_v.at[b2], acc_sh.at[dst_v.at[j - LOOK]],
                    ssem[b2]).wait())
                guard(j + LOOK < SEG_STEPS, lambda b2=b2, j=j:
                      pltpu.async_copy(g_hbm.at[src_v.at[j + LOOK]],
                                       rows_v.at[b2], gsem[b2]))
            return c

        lax.fori_loop(0, SEG_STEPS // NBUF, outer, 0)
        for j in range(SEG_STEPS - LOOK, SEG_STEPS):
            guard(None, lambda j=j: pltpu.make_async_copy(
                rows_v.at[j % NBUF], acc_sh.at[dst_v.at[j]],
                ssem[j % NBUF]).wait())

    for s in range(SEG_A):
        run_segment(s, None if s < SEG_ALL else (cid == 0))
    plsc.subcore_barrier()

    pltpu.sync_copy(acc_sh.at[pl.ds(row0, ROWS_PER_TILE)],
                    acc_out.at[cid, pl.ds(row0, ROWS_PER_TILE)])


def _edge_call(src_p, dst_p, g):
    h = g.shape[1]
    return pl.kernel(
        _edge_body,
        out_type=jax.ShapeDtypeStruct((NC, N_PAD, h), jnp.float32),
        mesh=_sc_mesh(),
        scratch_types=[
            pltpu.VMEM((SEG_STEPS, B), jnp.int32),
            pltpu.VMEM((SEG_STEPS, B), jnp.int32),
            pltpu.VMEM((NBUF, B, h), jnp.float32),
            pltpu.VMEM((8, h), jnp.float32),
            pltpu.VMEM_SHARED((N_PAD, h), jnp.float32),
            pltpu.SemaphoreType.DMA,
            pltpu.SemaphoreType.DMA,
            pltpu.SemaphoreType.DMA,
            pltpu.SemaphoreType.DMA,
            pltpu.SemaphoreType.DMA,
            pltpu.SemaphoreType.DMA,
            pltpu.SemaphoreType.DMA,
            pltpu.SemaphoreType.DMA,
        ],
    )(src_p, dst_p, g)


def _mm_body(x_ref, w_ref, deg_ref, g_ref):
    deg = deg_ref[0, :, 0] + deg_ref[1, :, 0] + 1.0
    dis = lax.rsqrt(deg)
    h = jnp.dot(x_ref[...], w_ref[...], preferred_element_type=jnp.float32)
    g_ref[...] = h * dis[:, None]


def _mm_call(x_pad, w, deg2):
    c = x_pad.shape[1]
    h = w.shape[1]
    return pl.pallas_call(
        _mm_body,
        grid=(GRID,),
        in_specs=[
            pl.BlockSpec((RB, c), lambda i: (i, 0)),
            pl.BlockSpec((c, h), lambda i: (0, 0)),
            pl.BlockSpec((NC, RB, DEGW), lambda i: (0, i, 0)),
        ],
        out_specs=pl.BlockSpec((RB, h), lambda i: (i, 0)),
        out_shape=jax.ShapeDtypeStruct((N_PAD, h), jnp.float32),
    )(x_pad, w, deg2)


def _comb_body(acc_ref, g_ref, deg_ref, out_ref):
    deg = deg_ref[0, :, 0] + deg_ref[1, :, 0] + 1.0
    dis = lax.rsqrt(deg)
    out_ref[...] = (acc_ref[0] + acc_ref[1] + g_ref[...]) * dis[:, None]


def _comb_call(acc2, g, deg2):
    h = acc2.shape[2]
    return pl.pallas_call(
        _comb_body,
        grid=(GRID,),
        in_specs=[
            pl.BlockSpec((NC, RB, h), lambda i: (0, i, 0)),
            pl.BlockSpec((RB, h), lambda i: (i, 0)),
            pl.BlockSpec((NC, RB, DEGW), lambda i: (0, i, 0)),
        ],
        out_specs=pl.BlockSpec((RB, h), lambda i: (i, 0)),
        out_shape=jax.ShapeDtypeStruct((N_PAD, h), jnp.float32),
    )(acc2, g, deg2)


def kernel(x, edge_index, W):
    n = x.shape[0]
    e = edge_index.shape[1]
    src = edge_index[0].astype(jnp.int32)
    dst = edge_index[1].astype(jnp.int32)

    ep = NS * (SA + SB) * B
    pad = ep - e
    src_p = jnp.concatenate([src, jnp.zeros((pad,), jnp.int32)]).reshape(
        NW, SA, B)
    dst_p = jnp.concatenate([dst, jnp.full((pad,), DUMP, jnp.int32)]).reshape(
        NW, SA, B)
    x_pad = jnp.pad(x, ((0, N_PAD - n), (0, 0)))

    deg2 = _deg_call(dst_p)
    g = _mm_call(x_pad, W, deg2)
    acc2 = _edge_call(src_p, dst_p, g)
    out_pad = _comb_call(acc2, g, deg2)
    return out_pad[:n]

# --- scband reference (transcript-rebuilt; emitter-appended) ---
"""Pipeline reference for scband-gcn-81037442940969 (READ-ONLY COPY).

The authoritative reference and input builder live on the scoring server;
editing this copy changes nothing except your own understanding.
"""

import jax, jax.numpy as jnp
import numpy as np

N_NODES = 10000
N_EDGES = 320000
IN_CH = 128
HID_CH = 128


def setup_inputs(seed: int = 0) -> dict:
    key = jax.random.key(seed)
    k1, k2, k3 = jax.random.split(key, 3)
    x = jax.random.normal(k1, (N_NODES, IN_CH), dtype=jnp.float32)
    edge_index = jax.random.randint(k2, (2, N_EDGES), 0, N_NODES, dtype=jnp.int64)
    # GCNConv weight (bias=False), glorot-style init
    limit = float(np.sqrt(6.0 / (IN_CH + HID_CH)))
    W = jax.random.uniform(k3, (IN_CH, HID_CH), dtype=jnp.float32, minval=-limit, maxval=limit)
    return {"x": x, "edge_index": edge_index, "W": W}


def reference(x, edge_index, W):
    # Faithful PyG GCNConv: add self-loops, symmetric normalization, linear (no bias), scatter-add aggregation.
    N = x.shape[0]
    src = edge_index[0]
    dst = edge_index[1]
    loop = jnp.arange(N, dtype=edge_index.dtype)
    src = jnp.concatenate([src, loop])
    dst = jnp.concatenate([dst, loop])
    # linear transform first (PyG applies lin before propagate)
    h = x @ W
    # degree computed on destination nodes (incl. self loops)
    deg = jnp.zeros((N,), dtype=h.dtype).at[dst].add(1.0)
    deg_inv_sqrt = jnp.where(deg > 0, jax.lax.rsqrt(deg), 0.0)
    norm = deg_inv_sqrt[src] * deg_inv_sqrt[dst]
    # gather messages from source nodes, scale, scatter-add to destination
    msg = h[src] * norm[:, None]
    out = jnp.zeros((N, h.shape[1]), dtype=h.dtype).at[dst].add(msg)
    return out

if __name__ == "__main__":
    import jax
    _d = setup_inputs()
    print(jax.jit(kernel)(*tuple(_d.values())))

</pallas_src>

<mosaic_0001>
#map = affine_map<(d0, d1) -> (0, 0, 0)>
module attributes {stable_mosaic.version = 14 : i64} {
  func.func @_deg_body(%arg0: i32, %arg1: i32, %arg2: memref<32x160x64xi32, #tpu.memory_space<hbm>>, %arg3: memref<2x10240x16xf32, #tpu.memory_space<hbm>>, %arg4: memref<160x64xi32, #tpu.memory_space<vmem>>, %arg5: memref<64x16xf32, #tpu.memory_space<vmem>>, %arg6: memref<16x16xf32, #tpu.memory_space<vmem>>, %arg7: memref<10240x16xf32, #tpu.memory_space<vmem_shared>>, %arg8: memref<!tpu.dma_semaphore, #tpu.memory_space<semaphore_mem>>) attributes {dimension_semantics = [#tpu.dimension_semantics<core_parallel>, #tpu.dimension_semantics<subcore_parallel>], iteration_bounds = array<i64: 2, 16>, scalar_prefetch = 0 : i64, scratch_operands = 5 : i64, tpu.core_type = #tpu.core_type<sc_vector_subcore>, window_params = [{transform_indices = #map}, {transform_indices = #map}]} {
    %mul3A = arith.constant 16 : i32
    %mul3A_0 = arith.muli %arg0, %mul3A : i32
    %add3A = arith.addi %mul3A_0, %arg1 : i32
    %mul3A_1 = arith.constant 640 : i32
    %mul3A_2 = arith.muli %arg1, %mul3A_1 : i32
    %scan3A = arith.constant 0 : i32
    %scan3A_3 = arith.constant 0 : i32
    %scan3A_4 = arith.constant 64 : i32
    %scan3A_5 = arith.addi %scan3A_3, %scan3A_4 : i32
    %scan3A_6 = arith.constant 1 : i32
    scf.for %scan3A_27 = %scan3A_3 to %scan3A_5 step %scan3A_6  : i32 {
      %broadcast_in_dim3A = arith.constant 1.000000e+00 : f32
      %broadcast_in_dim3A_28 = vector.broadcast %broadcast_in_dim3A : f32 to vector<16xf32>
      %swap3A = arith.index_cast %scan3A_27 : i32 to index
      %swap3A_29 = arith.constant 0 : index
      %swap3A_30 = tpu.vector_load %arg5[%swap3A, %swap3A_29] {strides = array<i32>} : memref<64x16xf32, #tpu.memory_space<vmem>>, vector<1x16xf32>,
      %swap3A_31 = vector.shape_cast %swap3A_30 : vector<1x16xf32> to vector<16xf32>
      %swap3A_32 = vector.shape_cast %broadcast_in_dim3A_28 : vector<16xf32> to vector<1x16xf32>
      tpu.vector_store %arg5[%swap3A, %swap3A_29], %swap3A_32 {strides = array<i32>} : memref<64x16xf32, #tpu.memory_space<vmem>>, vector<1x16xf32>,
    }
    %scan3A_7 = arith.constant 64 : i32
    %scan3A_8 = arith.constant 0 : i32
    %scan3A_9 = arith.constant 0 : i32
    %scan3A_10 = arith.constant 16 : i32
    %scan3A_11 = arith.addi %scan3A_9, %scan3A_10 : i32
    %scan3A_12 = arith.constant 1 : i32
    scf.for %scan3A_27 = %scan3A_9 to %scan3A_11 step %scan3A_12  : i32 {
      %broadcast_in_dim3A = arith.constant 0.000000e+00 : f32
      %broadcast_in_dim3A_28 = vector.broadcast %broadcast_in_dim3A : f32 to vector<16xf32>
      %swap3A = arith.index_cast %scan3A_27 : i32 to index
      %swap3A_29 = arith.constant 0 : index
      %swap3A_30 = tpu.vector_load %arg6[%swap3A, %swap3A_29] {strides = array<i32>} : memref<16x16xf32, #tpu.memory_space<vmem>>, vector<1x16xf32>,
      %swap3A_31 = vector.shape_cast %swap3A_30 : vector<1x16xf32> to vector<16xf32>
      %swap3A_32 = vector.shape_cast %broadcast_in_dim3A_28 : vector<16xf32> to vector<1x16xf32>
      tpu.vector_store %arg6[%swap3A, %swap3A_29], %swap3A_32 {strides = array<i32>} : memref<16x16xf32, #tpu.memory_space<vmem>>, vector<1x16xf32>,
    }
    %scan3A_13 = arith.constant 16 : i32
    %scan3A_14 = arith.constant 0 : i32
    %scan3A_15 = arith.constant 0 : i32
    %scan3A_16 = arith.constant 40 : i32
    %scan3A_17 = arith.addi %scan3A_15, %scan3A_16 : i32
    %scan3A_18 = arith.constant 1 : i32
    scf.for %scan3A_27 = %scan3A_15 to %scan3A_17 step %scan3A_18  : i32 {
      %mul3A_28 = arith.constant 16 : i32
      %mul3A_29 = arith.muli %scan3A_27, %mul3A_28 : i32
      %add3A_30 = arith.addi %mul3A_2, %mul3A_29 : i32
      "tpu.region"() ({
        %run_scoped3A = tpu.sem_alloc : memref<!tpu.dma_semaphore, #tpu.memory_space<semaphore_mem>>
        %dma_start3A = arith.constant 0 : i32
        %dma_start3A_31 = tpu.memref_slice %arg7[%add3A_30, %dma_start3A] : memref<10240x16xf32, #tpu.memory_space<vmem_shared>> -> memref<16x16xf32, #tpu.memory_space<vmem_shared>>
        %dma_start3A_32 = arith.constant 0 : i32
        %dma_start3A_33 = tpu.memref_slice %arg7[%add3A_30, %dma_start3A_32] : memref<10240x16xf32, #tpu.memory_space<vmem_shared>> -> memref<16x16xf32, #tpu.memory_space<vmem_shared>>
        tpu.enqueue_dma source(%arg6 : memref<16x16xf32, #tpu.memory_space<vmem>>) target(%dma_start3A_33 : memref<16x16xf32, #tpu.memory_space<vmem_shared>>) target_semaphore(%run_scoped3A : memref<!tpu.dma_semaphore, #tpu.memory_space<semaphore_mem>>)
        %dma_wait3A = arith.constant 0 : i32
        %dma_wait3A_34 = tpu.memref_slice %arg7[%add3A_30, %dma_wait3A] : memref<10240x16xf32, #tpu.memory_space<vmem_shared>> -> memref<16x16xf32, #tpu.memory_space<vmem_shared>>
        %dma_wait3A_35 = arith.constant 0 : i32
        %dma_wait3A_36 = tpu.memref_slice %arg7[%add3A_30, %dma_wait3A_35] : memref<10240x16xf32, #tpu.memory_space<vmem_shared>> -> memref<16x16xf32, #tpu.memory_space<vmem_shared>>
        tpu.wait_dma2 semaphore(%run_scoped3A : memref<!tpu.dma_semaphore, #tpu.memory_space<semaphore_mem>>) src(%arg6 : memref<16x16xf32, #tpu.memory_space<vmem>>) dst(%dma_wait3A_36 : memref<16x16xf32, #tpu.memory_space<vmem_shared>>)
        tpu.yield
      }) : () -> ()
    }
    %scan3A_19 = arith.constant 40 : i32
    %barrier3A = arith.constant 0 : index
    tpu.barrier barrier_id(%barrier3A)
    "tpu.region"() ({
      %run_scoped3A = tpu.sem_alloc : memref<!tpu.dma_semaphore, #tpu.memory_space<semaphore_mem>>
      %dma_start3A = arith.constant 0 : i32
      %dma_start3A_27 = arith.constant 0 : i32
      %dma_start3A_28 = tpu.memref_slice %arg2[%add3A, %dma_start3A, %dma_start3A_27] : memref<32x160x64xi32, #tpu.memory_space<hbm>> -> memref<1x160x64xi32, #tpu.memory_space<hbm>>
      %dma_start3A_29 = tpu.memref_squeeze %dma_start3A_28 : memref<1x160x64xi32, #tpu.memory_space<hbm>> -> memref<160x64xi32, #tpu.memory_space<hbm>>
      %dma_start3A_30 = arith.constant 0 : i32
      %dma_start3A_31 = arith.constant 0 : i32
      %dma_start3A_32 = tpu.memref_slice %arg2[%add3A, %dma_start3A_30, %dma_start3A_31] : memref<32x160x64xi32, #tpu.memory_space<hbm>> -> memref<1x160x64xi32, #tpu.memory_space<hbm>>
      %dma_start3A_33 = tpu.memref_squeeze %dma_start3A_32 : memref<1x160x64xi32, #tpu.memory_space<hbm>> -> memref<160x64xi32, #tpu.memory_space<hbm>>
      tpu.enqueue_dma source(%dma_start3A_33 : memref<160x64xi32, #tpu.memory_space<hbm>>) target(%arg4 : memref<160x64xi32, #tpu.memory_space<vmem>>) target_semaphore(%run_scoped3A : memref<!tpu.dma_semaphore, #tpu.memory_space<semaphore_mem>>)
      %dma_wait3A = arith.constant 0 : i32
      %dma_wait3A_34 = arith.constant 0 : i32
      %dma_wait3A_35 = tpu.memref_slice %arg2[%add3A, %dma_wait3A, %dma_wait3A_34] : memref<32x160x64xi32, #tpu.memory_space<hbm>> -> memref<1x160x64xi32, #tpu.memory_space<hbm>>
      %dma_wait3A_36 = tpu.memref_squeeze %dma_wait3A_35 : memref<1x160x64xi32, #tpu.memory_space<hbm>> -> memref<160x64xi32, #tpu.memory_space<hbm>>
      %dma_wait3A_37 = arith.constant 0 : i32
      %dma_wait3A_38 = arith.constant 0 : i32
      %dma_wait3A_39 = tpu.memref_slice %arg2[%add3A, %dma_wait3A_37, %dma_wait3A_38] : memref<32x160x64xi32, #tpu.memory_space<hbm>> -> memref<1x160x64xi32, #tpu.memory_space<hbm>>
      %dma_wait3A_40 = tpu.memref_squeeze %dma_wait3A_39 : memref<1x160x64xi32, #tpu.memory_space<hbm>> -> memref<160x64xi32, #tpu.memory_space<hbm>>
      tpu.wait_dma2 semaphore(%run_scoped3A : memref<!tpu.dma_semaphore, #tpu.memory_space<semaphore_mem>>) src(%dma_wait3A_40 : memref<160x64xi32, #tpu.memory_space<hbm>>) dst(%arg4 : memref<160x64xi32, #tpu.memory_space<vmem>>)
      tpu.yield
    }) : () -> ()
    %scan3A_20 = arith.constant 0 : i32
    %scan3A_21 = arith.constant 0 : i32
    %scan3A_22 = arith.constant 20 : i32
    %scan3A_23 = arith.addi %scan3A_21, %scan3A_22 : i32
    %scan3A_24 = arith.constant 1 : i32
    scf.for %scan3A_27 = %scan3A_21 to %scan3A_23 step %scan3A_24  : i32 {
      %scan3A_28 = arith.constant 0 : i32
      %scan3A_29 = arith.constant 0 : i32
      %scan3A_30 = arith.constant 8 : i32
      %scan3A_31 = arith.addi %scan3A_29, %scan3A_30 : i32
      %scan3A_32 = arith.constant 1 : i32
      scf.for %scan3A_40 = %scan3A_29 to %scan3A_31 step %scan3A_32  : i32 {
        %mul3A_41 = arith.constant 8 : i32
        %mul3A_42 = arith.muli %scan3A_27, %mul3A_41 : i32
        %add3A_43 = arith.addi %mul3A_42, %scan3A_40 : i32
        %dma_start3A = arith.constant 0 : i32
        %dma_start3A_44 = tpu.memref_slice %arg4[%add3A_43, %dma_start3A] : memref<160x64xi32, #tpu.memory_space<vmem>> -> memref<1x64xi32, #tpu.memory_space<vmem>>
        %dma_start3A_45 = tpu.memref_squeeze %dma_start3A_44 : memref<1x64xi32, #tpu.memory_space<vmem>> -> memref<64xi32, #tpu.memory_space<vmem>>
        %dma_start3A_46 = arith.constant 0 : i32
        %dma_start3A_47 = arith.constant 0 : i32
        %dma_start3A_48 = tpu.memref_slice %arg7[%dma_start3A_46, %dma_start3A_47] : memref<10240x16xf32, #tpu.memory_space<vmem_shared>> -> memref<10240x16xf32, #tpu.memory_space<vmem_shared>>
        tpu.enqueue_indirect_dma source(%arg5 : memref<64x16xf32, #tpu.memory_space<vmem>>) target(%dma_start3A_48 : memref<10240x16xf32, #tpu.memory_space<vmem_shared>>) offsets(%dma_start3A_45 : memref<64xi32, #tpu.memory_space<vmem>>) semaphore(%arg8 : memref<!tpu.dma_semaphore, #tpu.memory_space<semaphore_mem>>) {add = true}
      }
      %scan3A_33 = arith.constant 8 : i32
      %scan3A_34 = arith.constant 0 : i32
      %scan3A_35 = arith.constant 0 : i32
      %scan3A_36 = arith.constant 8 : i32
      %scan3A_37 = arith.addi %scan3A_35, %scan3A_36 : i32
      %scan3A_38 = arith.constant 1 : i32
      scf.for %scan3A_40 = %scan3A_35 to %scan3A_37 step %scan3A_38  : i32 {
        %mul3A_41 = arith.constant 8 : i32
        %mul3A_42 = arith.muli %scan3A_27, %mul3A_41 : i32
        %add3A_43 = arith.addi %mul3A_42, %scan3A_40 : i32
        %dma_wait3A = arith.constant 0 : i32
        %dma_wait3A_44 = tpu.memref_slice %arg4[%add3A_43, %dma_wait3A] : memref<160x64xi32, #tpu.memory_space<vmem>> -> memref<1x64xi32, #tpu.memory_space<vmem>>
        %dma_wait3A_45 = tpu.memref_squeeze %dma_wait3A_44 : memref<1x64xi32, #tpu.memory_space<vmem>> -> memref<64xi32, #tpu.memory_space<vmem>>
        %dma_wait3A_46 = arith.constant 0 : i32
        %dma_wait3A_47 = arith.constant 0 : i32
        %dma_wait3A_48 = tpu.memref_slice %arg7[%dma_wait3A_46, %dma_wait3A_47] : memref<10240x16xf32, #tpu.memory_space<vmem_shared>> -> memref<10240x16xf32, #tpu.memory_space<vmem_shared>>
        tpu.wait_indirect_dma semaphore(%arg8 : memref<!tpu.dma_semaphore, #tpu.memory_space<semaphore_mem>>) src(%arg5 : memref<64x16xf32, #tpu.memory_space<vmem>>) dst(%dma_wait3A_48 : memref<10240x16xf32, #tpu.memory_space<vmem_shared>>)
      }
      %scan3A_39 = arith.constant 8 : i32
    }
    %scan3A_25 = arith.constant 20 : i32
    %barrier3A_26 = arith.constant 0 : index
    tpu.barrier barrier_id(%barrier3A_26)
    "tpu.region"() ({
      %run_scoped3A = tpu.sem_alloc : memref<!tpu.dma_semaphore, #tpu.memory_space<semaphore_mem>>
      %dma_start3A = arith.constant 0 : i32
      %dma_start3A_27 = tpu.memref_slice %arg3[%arg0, %mul3A_2, %dma_start3A] : memref<2x10240x16xf32, #tpu.memory_space<hbm>> -> memref<1x640x16xf32, #tpu.memory_space<hbm>>
      %dma_start3A_28 = tpu.memref_squeeze %dma_start3A_27 : memref<1x640x16xf32, #tpu.memory_space<hbm>> -> memref<640x16xf32, #tpu.memory_space<hbm>>
      %dma_start3A_29 = arith.constant 0 : i32
      %dma_start3A_30 = tpu.memref_slice %arg7[%mul3A_2, %dma_start3A_29] : memref<10240x16xf32, #tpu.memory_space<vmem_shared>> -> memref<640x16xf32, #tpu.memory_space<vmem_shared>>
      tpu.enqueue_dma source(%dma_start3A_30 : memref<640x16xf32, #tpu.memory_space<vmem_shared>>) target(%dma_start3A_28 : memref<640x16xf32, #tpu.memory_space<hbm>>) target_semaphore(%run_scoped3A : memref<!tpu.dma_semaphore, #tpu.memory_space<semaphore_mem>>)
      %dma_wait3A = arith.constant 0 : i32
      %dma_wait3A_31 = tpu.memref_slice %arg3[%arg0, %mul3A_2, %dma_wait3A] : memref<2x10240x16xf32, #tpu.memory_space<hbm>> -> memref<1x640x16xf32, #tpu.memory_space<hbm>>
      %dma_wait3A_32 = tpu.memref_squeeze %dma_wait3A_31 : memref<1x640x16xf32, #tpu.memory_space<hbm>> -> memref<640x16xf32, #tpu.memory_space<hbm>>
      %dma_wait3A_33 = arith.constant 0 : i32
      %dma_wait3A_34 = tpu.memref_slice %arg7[%mul3A_2, %dma_wait3A_33] : memref<10240x16xf32, #tpu.memory_space<vmem_shared>> -> memref<640x16xf32, #tpu.memory_space<vmem_shared>>
      tpu.wait_dma2 semaphore(%run_scoped3A : memref<!tpu.dma_semaphore, #tpu.memory_space<semaphore_mem>>) src(%dma_wait3A_34 : memref<640x16xf32, #tpu.memory_space<vmem_shared>>) dst(%dma_wait3A_32 : memref<640x16xf32, #tpu.memory_space<hbm>>)
      tpu.yield
    }) : () -> ()
    return
  }
}

#map = affine_map<(d0, d1) -> (0, 0, 0)>
#map1 = affine_map<(d0, d1) -> (0, 0)>
module attributes {stable_mosaic.version = 14 : i64} {
  func.func @_edge_body(%arg0: i32, %arg1: i32, %arg2: memref<32x160x64xi32, #tpu.memory_space<hbm>>, %arg3: memref<32x160x64xi32, #tpu.memory_space<hbm>>, %arg4: memref<10240x128xf32, #tpu.memory_space<hbm>>, %arg5: memref<2x10240x128xf32, #tpu.memory_space<hbm>>, %arg6: memref<32x64xi32, #tpu.memory_space<vmem>>, %arg7: memref<32x64xi32, #tpu.memory_space<vmem>>, %arg8: memref<4x64x128xf32, #tpu.memory_space<vmem>>, %arg9: memref<8x128xf32, #tpu.memory_space<vmem>>, %arg10: memref<10240x128xf32, #tpu.memory_space<vmem_shared>>, %arg11: memref<!tpu.dma_semaphore, #tpu.memory_space<semaphore_mem>>, %arg12: memref<!tpu.dma_semaphore, #tpu.memory_space<semaphore_mem>>, %arg13: memref<!tpu.dma_semaphore, #tpu.memory_space<semaphore_mem>>, %arg14: memref<!tpu.dma_semaphore, #tpu.memory_space<semaphore_mem>>, %arg15: memref<!tpu.dma_semaphore, #tpu.memory_space<semaphore_mem>>, %arg16: memref<!tpu.dma_semaphore, #tpu.memory_space<semaphore_mem>>, %arg17: memref<!tpu.dma_semaphore, #tpu.memory_space<semaphore_mem>>, %arg18: memref<!tpu.dma_semaphore, #tpu.memory_space<semaphore_mem>>) attributes {dimension_semantics = [#tpu.dimension_semantics<core_parallel>, #tpu.dimension_semantics<subcore_parallel>], iteration_bounds = array<i64: 2, 16>, scalar_prefetch = 0 : i64, scratch_operands = 13 : i64, tpu.core_type = #tpu.core_type<sc_vector_subcore>, window_params = [{transform_indices = #map}, {transform_indices = #map}, {transform_indices = #map1}, {transform_indices = #map}]} {
    %mul3A = arith.constant 16 : i32
    %mul3A_0 = arith.muli %arg0, %mul3A : i32
    %add3A = arith.addi %mul3A_0, %arg1 : i32
    %mul3A_1 = arith.constant 640 : i32
    %mul3A_2 = arith.muli %arg1, %mul3A_1 : i32
    %scan3A = arith.constant 0 : i32
    %scan3A_3 = arith.constant 0 : i32
    %scan3A_4 = arith.constant 64 : i32
    %scan3A_5 = arith.addi %scan3A_3, %scan3A_4 : i32
    %scan3A_6 = arith.constant 1 : i32
    scf.for %scan3A_283 = %scan3A_3 to %scan3A_5 step %scan3A_6  : i32 {
      %jit3A = arith.constant 8 : i32
      %div3A = arith.divsi %scan3A_283, %jit3A : i32
      %sign3A = arith.constant 0 : i32
      %sign3A_284 = arith.cmpi sgt, %scan3A_283, %sign3A : i32
      %sign3A_285 = arith.extui %sign3A_284 : i1 to i32
      %sign3A_286 = arith.constant 0 : i32
      %sign3A_287 = arith.cmpi slt, %scan3A_283, %sign3A_286 : i32
      %sign3A_288 = arith.extui %sign3A_287 : i1 to i32
      %sign3A_289 = arith.subi %sign3A_285, %sign3A_288 : i32
      %sign3A_290 = arith.constant 0 : i32
      %sign3A_291 = arith.cmpi sgt, %jit3A, %sign3A_290 : i32
      %sign3A_292 = arith.extui %sign3A_291 : i1 to i32
      %sign3A_293 = arith.constant 0 : i32
      %sign3A_294 = arith.cmpi slt, %jit3A, %sign3A_293 : i32
      %sign3A_295 = arith.extui %sign3A_294 : i1 to i32
      %sign3A_296 = arith.subi %sign3A_292, %sign3A_295 : i32
      %ne3A = arith.cmpi ne, %sign3A_289, %sign3A_296 : i32
      %rem3A = arith.remsi %scan3A_283, %jit3A : i32
      %ne3A_297 = arith.constant 0 : i32
      %ne3A_298 = arith.cmpi ne, %rem3A, %ne3A_297 : i32
      %and3A = arith.andi %ne3A, %ne3A_298 : i1
      %sub3A = arith.constant 1 : i32
      %sub3A_299 = arith.subi %div3A, %sub3A : i32
      %select_n3A = arith.select %and3A, %sub3A_299, %div3A : i32
      %jit3A_300 = arith.constant 8 : i32
      %eq3A = arith.constant 0 : i32
      %eq3A_301 = arith.cmpi eq, %jit3A_300, %eq3A : i32
      %jit3A_302 = arith.constant 1 : i32
      %select_n3A_303 = arith.select %eq3A_301, %jit3A_302, %jit3A_300 : i32
      %rem3A_304 = arith.remsi %scan3A_283, %select_n3A_303 : i32
      %ne3A_305 = arith.constant 0 : i32
      %ne3A_306 = arith.cmpi ne, %rem3A_304, %ne3A_305 : i32
      %lt3A = arith.constant 0 : i32
      %lt3A_307 = arith.cmpi slt, %rem3A_304, %lt3A : i32
      %lt3A_308 = arith.constant 0 : i32
      %lt3A_309 = arith.cmpi slt, %select_n3A_303, %lt3A_308 : i32
      %ne3A_310 = arith.xori %lt3A_307, %lt3A_309 : i1
      %and3A_311 = arith.andi %ne3A_310, %ne3A_306 : i1
      %add3A_312 = arith.addi %rem3A_304, %select_n3A_303 : i32
      %select_n3A_313 = arith.select %and3A_311, %add3A_312, %rem3A_304 : i32
      %broadcast_in_dim3A = arith.constant 0.000000e+00 : f32
      %broadcast_in_dim3A_314 = vector.broadcast %broadcast_in_dim3A : f32 to vector<16xf32>
      %mul3A_315 = arith.constant 16 : i32
      %mul3A_316 = arith.muli %select_n3A_313, %mul3A_315 : i32
      %swap3A = arith.index_cast %select_n3A : i32 to index
      %swap3A_317 = arith.index_cast %mul3A_316 : i32 to index
      %swap3A_318 = tpu.vector_load %arg9[%swap3A, %swap3A_317] {strides = array<i32>} : memref<8x128xf32, #tpu.memory_space<vmem>>, vector<1x16xf32>,
      %swap3A_319 = vector.shape_cast %swap3A_318 : vector<1x16xf32> to vector<16xf32>
      %swap3A_320 = vector.shape_cast %broadcast_in_dim3A_314 : vector<16xf32> to vector<1x16xf32>
      tpu.vector_store %arg9[%swap3A, %swap3A_317], %swap3A_320 {strides = array<i32>} : memref<8x128xf32, #tpu.memory_space<vmem>>, vector<1x16xf32>,
    }
    %scan3A_7 = arith.constant 64 : i32
    %scan3A_8 = arith.constant 0 : i32
    %scan3A_9 = arith.constant 0 : i32
    %scan3A_10 = arith.constant 80 : i32
    %scan3A_11 = arith.addi %scan3A_9, %scan3A_10 : i32
    %scan3A_12 = arith.constant 1 : i32
    scf.for %scan3A_283 = %scan3A_9 to %scan3A_11 step %scan3A_12  : i32 {
      %mul3A_284 = arith.constant 8 : i32
      %mul3A_285 = arith.muli %scan3A_283, %mul3A_284 : i32
      %add3A_286 = arith.addi %mul3A_2, %mul3A_285 : i32
      "tpu.region"() ({
        %run_scoped3A = tpu.sem_alloc : memref<!tpu.dma_semaphore, #tpu.memory_space<semaphore_mem>>
        %dma_start3A_287 = arith.constant 0 : i32
        %dma_start3A_288 = tpu.memref_slice %arg10[%add3A_286, %dma_start3A_287] : memref<10240x128xf32, #tpu.memory_space<vmem_shared>> -> memref<8x128xf32, #tpu.memory_space<vmem_shared>>
        %dma_start3A_289 = arith.constant 0 : i32
        %dma_start3A_290 = tpu.memref_slice %arg10[%add3A_286, %dma_start3A_289] : memref<10240x128xf32, #tpu.memory_space<vmem_shared>> -> memref<8x128xf32, #tpu.memory_space<vmem_shared>>
        tpu.enqueue_dma source(%arg9 : memref<8x128xf32, #tpu.memory_space<vmem>>) target(%dma_start3A_290 : memref<8x128xf32, #tpu.memory_space<vmem_shared>>) target_semaphore(%run_scoped3A : memref<!tpu.dma_semaphore, #tpu.memory_space<semaphore_mem>>)
        %dma_wait3A_291 = arith.constant 0 : i32
        %dma_wait3A_292 = tpu.memref_slice %arg10[%add3A_286, %dma_wait3A_291] : memref<10240x128xf32, #tpu.memory_space<vmem_shared>> -> memref<8x128xf32, #tpu.memory_space<vmem_shared>>
        %dma_wait3A_293 = arith.constant 0 : i32
        %dma_wait3A_294 = tpu.memref_slice %arg10[%add3A_286, %dma_wait3A_293] : memref<10240x128xf32, #tpu.memory_space<vmem_shared>> -> memref<8x128xf32, #tpu.memory_space<vmem_shared>>
        tpu.wait_dma2 semaphore(%run_scoped3A : memref<!tpu.dma_semaphore, #tpu.memory_space<semaphore_mem>>) src(%arg9 : memref<8x128xf32, #tpu.memory_space<vmem>>) dst(%dma_wait3A_294 : memref<8x128xf32, #tpu.memory_space<vmem_shared>>)
        tpu.yield
      }) : () -> ()
    }
    %scan3A_13 = arith.constant 80 : i32
    %barrier3A = arith.constant 0 : index
    tpu.barrier barrier_id(%barrier3A)
    "tpu.region"() ({
      %run_scoped3A = tpu.sem_alloc : memref<!tpu.dma_semaphore, #tpu.memory_space<semaphore_mem>>
      %dma_start3A_283 = arith.constant 0 : i32
      %dma_start3A_284 = arith.constant 0 : i32
      %dma_start3A_285 = tpu.memref_slice %arg2[%add3A, %dma_start3A_283, %dma_start3A_284] : memref<32x160x64xi32, #tpu.memory_space<hbm>> -> memref<1x32x64xi32, #tpu.memory_space<hbm>>
      %dma_start3A_286 = tpu.memref_squeeze %dma_start3A_285 : memref<1x32x64xi32, #tpu.memory_space<hbm>> -> memref<32x64xi32, #tpu.memory_space<hbm>>
      %dma_start3A_287 = arith.constant 0 : i32
      %dma_start3A_288 = arith.constant 0 : i32
      %dma_start3A_289 = tpu.memref_slice %arg2[%add3A, %dma_start3A_287, %dma_start3A_288] : memref<32x160x64xi32, #tpu.memory_space<hbm>> -> memref<1x32x64xi32, #tpu.memory_space<hbm>>
      %dma_start3A_290 = tpu.memref_squeeze %dma_start3A_289 : memref<1x32x64xi32, #tpu.memory_space<hbm>> -> memref<32x64xi32, #tpu.memory_space<hbm>>
      tpu.enqueue_dma source(%dma_start3A_290 : memref<32x64xi32, #tpu.memory_space<hbm>>) target(%arg6 : memref<32x64xi32, #tpu.memory_space<vmem>>) target_semaphore(%run_scoped3A : memref<!tpu.dma_semaphore, #tpu.memory_space<semaphore_mem>>)
      %dma_wait3A_291 = arith.constant 0 : i32
      %dma_wait3A_292 = arith.constant 0 : i32
      %dma_wait3A_293 = tpu.memref_slice %arg2[%add3A, %dma_wait3A_291, %dma_wait3A_292] : memref<32x160x64xi32, #tpu.memory_space<hbm>> -> memref<1x32x64xi32, #tpu.memory_space<hbm>>
      %dma_wait3A_294 = tpu.memref_squeeze %dma_wait3A_293 : memref<1x32x64xi32, #tpu.memory_space<hbm>> -> memref<32x64xi32, #tpu.memory_space<hbm>>
      %dma_wait3A_295 = arith.constant 0 : i32
      %dma_wait3A_296 = arith.constant 0 : i32
      %dma_wait3A_297 = tpu.memref_slice %arg2[%add3A, %dma_wait3A_295, %dma_wait3A_296] : memref<32x160x64xi32, #tpu.memory_space<hbm>> -> memref<1x32x64xi32, #tpu.memory_space<hbm>>
      %dma_wait3A_298 = tpu.memref_squeeze %dma_wait3A_297 : memref<1x32x64xi32, #tpu.memory_space<hbm>> -> memref<32x64xi32, #tpu.memory_space<hbm>>
      tpu.wait_dma2 semaphore(%run_scoped3A : memref<!tpu.dma_semaphore, #tpu.memory_space<semaphore_mem>>) src(%dma_wait3A_298 : memref<32x64xi32, #tpu.memory_space<hbm>>) dst(%arg6 : memref<32x64xi32, #tpu.memory_space<vmem>>)
      tpu.yield
    }) : () -> ()
    "tpu.region"() ({
      %run_scoped3A = tpu.sem_alloc : memref<!tpu.dma_semaphore, #tpu.memory_space<semaphore_mem>>
      %dma_start3A_283 = arith.constant 0 : i32
      %dma_start3A_284 = arith.constant 0 : i32
      %dma_start3A_285 = tpu.memref_slice %arg3[%add3A, %dma_start3A_283, %dma_start3A_284] : memref<32x160x64xi32, #tpu.memory_space<hbm>> -> memref<1x32x64xi32, #tpu.memory_space<hbm>>
      %dma_start3A_286 = tpu.memref_squeeze %dma_start3A_285 : memref<1x32x64xi32, #tpu.memory_space<hbm>> -> memref<32x64xi32, #tpu.memory_space<hbm>>
      %dma_start3A_287 = arith.constant 0 : i32
      %dma_start3A_288 = arith.constant 0 : i32
      %dma_start3A_289 = tpu.memref_slice %arg3[%add3A, %dma_start3A_287, %dma_start3A_288] : memref<32x160x64xi32, #tpu.memory_space<hbm>> -> memref<1x32x64xi32, #tpu.memory_space<hbm>>
      %dma_start3A_290 = tpu.memref_squeeze %dma_start3A_289 : memref<1x32x64xi32, #tpu.memory_space<hbm>> -> memref<32x64xi32, #tpu.memory_space<hbm>>
      tpu.enqueue_dma source(%dma_start3A_290 : memref<32x64xi32, #tpu.memory_space<hbm>>) target(%arg7 : memref<32x64xi32, #tpu.memory_space<vmem>>) target_semaphore(%run_scoped3A : memref<!tpu.dma_semaphore, #tpu.memory_space<semaphore_mem>>)
      %dma_wait3A_291 = arith.constant 0 : i32
      %dma_wait3A_292 = arith.constant 0 : i32
      %dma_wait3A_293 = tpu.memref_slice %arg3[%add3A, %dma_wait3A_291, %dma_wait3A_292] : memref<32x160x64xi32, #tpu.memory_space<hbm>> -> memref<1x32x64xi32, #tpu.memory_space<hbm>>
      %dma_wait3A_294 = tpu.memref_squeeze %dma_wait3A_293 : memref<1x32x64xi32, #tpu.memory_space<hbm>> -> memref<32x64xi32, #tpu.memory_space<hbm>>
      %dma_wait3A_295 = arith.constant 0 : i32
      %dma_wait3A_296 = arith.constant 0 : i32
      %dma_wait3A_297 = tpu.memref_slice %arg3[%add3A, %dma_wait3A_295, %dma_wait3A_296] : memref<32x160x64xi32, #tpu.memory_space<hbm>> -> memref<1x32x64xi32, #tpu.memory_space<hbm>>
      %dma_wait3A_298 = tpu.memref_squeeze %dma_wait3A_297 : memref<1x32x64xi32, #tpu.memory_space<hbm>> -> memref<32x64xi32, #tpu.memory_space<hbm>>
      tpu.wait_dma2 semaphore(%run_scoped3A : memref<!tpu.dma_semaphore, #tpu.memory_space<semaphore_mem>>) src(%dma_wait3A_298 : memref<32x64xi32, #tpu.memory_space<hbm>>) dst(%arg7 : memref<32x64xi32, #tpu.memory_space<vmem>>)
      tpu.yield
    }) : () -> ()
    %dma_start3A = arith.constant 0 : i32
    %dma_start3A_14 = arith.constant 0 : i32
    %dma_start3A_15 = arith.constant 0 : i32
    %dma_start3A_16 = arith.constant 0 : i32
    %dma_start3A_17 = tpu.memref_slice %arg8[%dma_start3A_14, %dma_start3A_15, %dma_start3A_16] : memref<4x64x128xf32, #tpu.memory_space<vmem>> -> memref<1x64x128xf32, #tpu.memory_space<vmem>>
    %dma_start3A_18 = tpu.memref_squeeze %dma_start3A_17 : memref<1x64x128xf32, #tpu.memory_space<vmem>> -> memref<64x128xf32, #tpu.memory_space<vmem>>
    %dma_start3A_19 = arith.constant 0 : i32
    %dma_start3A_20 = tpu.memref_slice %arg6[%dma_start3A, %dma_start3A_19] : memref<32x64xi32, #tpu.memory_space<vmem>> -> memref<1x64xi32, #tpu.memory_space<vmem>>
    %dma_start3A_21 = tpu.memref_squeeze %dma_start3A_20 : memref<1x64xi32, #tpu.memory_space<vmem>> -> memref<64xi32, #tpu.memory_space<vmem>>
    %dma_start3A_22 = arith.constant 0 : i32
    %dma_start3A_23 = arith.constant 0 : i32
    %dma_start3A_24 = tpu.memref_slice %arg4[%dma_start3A_22, %dma_start3A_23] : memref<10240x128xf32, #tpu.memory_space<hbm>> -> memref<10240x128xf32, #tpu.memory_space<hbm>>
    tpu.enqueue_indirect_dma source(%dma_start3A_24 : memref<10240x128xf32, #tpu.memory_space<hbm>>) target(%dma_start3A_18 : memref<64x128xf32, #tpu.memory_space<vmem>>) offsets(%dma_start3A_21 : memref<64xi32, #tpu.memory_space<vmem>>) semaphore(%arg11 : memref<!tpu.dma_semaphore, #tpu.memory_space<semaphore_mem>>)
    %dma_start3A_25 = arith.constant 1 : i32
    %dma_start3A_26 = arith.constant 1 : i32
    %dma_start3A_27 = arith.constant 0 : i32
    %dma_start3A_28 = arith.constant 0 : i32
    %dma_start3A_29 = tpu.memref_slice %arg8[%dma_start3A_26, %dma_start3A_27, %dma_start3A_28] : memref<4x64x128xf32, #tpu.memory_space<vmem>> -> memref<1x64x128xf32, #tpu.memory_space<vmem>>
    %dma_start3A_30 = tpu.memref_squeeze %dma_start3A_29 : memref<1x64x128xf32, #tpu.memory_space<vmem>> -> memref<64x128xf32, #tpu.memory_space<vmem>>
    %dma_start3A_31 = arith.constant 0 : i32
    %dma_start3A_32 = tpu.memref_slice %arg6[%dma_start3A_25, %dma_start3A_31] : memref<32x64xi32, #tpu.memory_space<vmem>> -> memref<1x64xi32, #tpu.memory_space<vmem>>
    %dma_start3A_33 = tpu.memref_squeeze %dma_start3A_32 : memref<1x64xi32, #tpu.memory_space<vmem>> -> memref<64xi32, #tpu.memory_space<vmem>>
    %dma_start3A_34 = arith.constant 0 : i32
    %dma_start3A_35 = arith.constant 0 : i32
    %dma_start3A_36 = tpu.memref_slice %arg4[%dma_start3A_34, %dma_start3A_35] : memref<10240x128xf32, #tpu.memory_space<hbm>> -> memref<10240x128xf32, #tpu.memory_space<hbm>>
    tpu.enqueue_indirect_dma source(%dma_start3A_36 : memref<10240x128xf32, #tpu.memory_space<hbm>>) target(%dma_start3A_30 : memref<64x128xf32, #tpu.memory_space<vmem>>) offsets(%dma_start3A_33 : memref<64xi32, #tpu.memory_space<vmem>>) semaphore(%arg12 : memref<!tpu.dma_semaphore, #tpu.memory_space<semaphore_mem>>)
    %scan3A_37 = arith.constant 0 : i32
    %scan3A_38 = arith.constant 0 : i32
    %scan3A_39 = arith.constant 8 : i32
    %scan3A_40 = arith.addi %scan3A_38, %scan3A_39 : i32
    %scan3A_41 = arith.constant 1 : i32
    scf.for %scan3A_283 = %scan3A_38 to %scan3A_40 step %scan3A_41  : i32 {
      %mul3A_284 = arith.constant 4 : i32
      %mul3A_285 = arith.muli %scan3A_283, %mul3A_284 : i32
      %add3A_286 = arith.constant 0 : i32
      %add3A_287 = arith.addi %mul3A_285, %add3A_286 : i32
      %dma_wait3A_288 = arith.constant 0 : i32
      %dma_wait3A_289 = arith.constant 0 : i32
      %dma_wait3A_290 = arith.constant 0 : i32
      %dma_wait3A_291 = tpu.memref_slice %arg8[%dma_wait3A_288, %dma_wait3A_289, %dma_wait3A_290] : memref<4x64x128xf32, #tpu.memory_space<vmem>> -> memref<1x64x128xf32, #tpu.memory_space<vmem>>
      %dma_wait3A_292 = tpu.memref_squeeze %dma_wait3A_291 : memref<1x64x128xf32, #tpu.memory_space<vmem>> -> memref<64x128xf32, #tpu.memory_space<vmem>>
      %dma_wait3A_293 = arith.constant 0 : i32
      %dma_wait3A_294 = tpu.memref_slice %arg6[%add3A_287, %dma_wait3A_293] : memref<32x64xi32, #tpu.memory_space<vmem>> -> memref<1x64xi32, #tpu.memory_space<vmem>>
      %dma_wait3A_295 = tpu.memref_squeeze %dma_wait3A_294 : memref<1x64xi32, #tpu.memory_space<vmem>> -> memref<64xi32, #tpu.memory_space<vmem>>
      %dma_wait3A_296 = arith.constant 0 : i32
      %dma_wait3A_297 = arith.constant 0 : i32
      %dma_wait3A_298 = tpu.memref_slice %arg4[%dma_wait3A_296, %dma_wait3A_297] : memref<10240x128xf32, #tpu.memory_space<hbm>> -> memref<10240x128xf32, #tpu.memory_space<hbm>>
      tpu.wait_indirect_dma semaphore(%arg11 : memref<!tpu.dma_semaphore, #tpu.memory_space<semaphore_mem>>) src(%dma_wait3A_298 : memref<10240x128xf32, #tpu.memory_space<hbm>>) dst(%dma_wait3A_292 : memref<64x128xf32, #tpu.memory_space<vmem>>)
      %dma_start3A_299 = arith.constant 0 : i32
      %dma_start3A_300 = arith.constant 0 : i32
      %dma_start3A_301 = arith.constant 0 : i32
      %dma_start3A_302 = tpu.memref_slice %arg8[%dma_start3A_299, %dma_start3A_300, %dma_start3A_301] : memref<4x64x128xf32, #tpu.memory_space<vmem>> -> memref<1x64x128xf32, #tpu.memory_space<vmem>>
      %dma_start3A_303 = tpu.memref_squeeze %dma_start3A_302 : memref<1x64x128xf32, #tpu.memory_space<vmem>> -> memref<64x128xf32, #tpu.memory_space<vmem>>
      %dma_start3A_304 = arith.constant 0 : i32
      %dma_start3A_305 = tpu.memref_slice %arg7[%add3A_287, %dma_start3A_304] : memref<32x64xi32, #tpu.memory_space<vmem>> -> memref<1x64xi32, #tpu.memory_space<vmem>>
      %dma_start3A_306 = tpu.memref_squeeze %dma_start3A_305 : memref<1x64xi32, #tpu.memory_space<vmem>> -> memref<64xi32, #tpu.memory_space<vmem>>
      %dma_start3A_307 = arith.constant 0 : i32
      %dma_start3A_308 = arith.constant 0 : i32
      %dma_start3A_309 = tpu.memref_slice %arg10[%dma_start3A_307, %dma_start3A_308] : memref<10240x128xf32, #tpu.memory_space<vmem_shared>> -> memref<10240x128xf32, #tpu.memory_space<vmem_shared>>
      tpu.enqueue_indirect_dma source(%dma_start3A_303 : memref<64x128xf32, #tpu.memory_space<vmem>>) target(%dma_start3A_309 : memref<10240x128xf32, #tpu.memory_space<vmem_shared>>) offsets(%dma_start3A_306 : memref<64xi32, #tpu.memory_space<vmem>>) semaphore(%arg15 : memref<!tpu.dma_semaphore, #tpu.memory_space<semaphore_mem>>) {add = true}
      %ge3A = arith.constant 2 : i32
      %ge3A_310 = arith.cmpi sge, %add3A_287, %ge3A : i32
      %convert_element_type3A = arith.extui %ge3A_310 : i1 to i32
      %cond3A = arith.constant 0 : i32
      %cond3A_311 = arith.cmpi ne, %convert_element_type3A, %cond3A : i32
      scf.if %cond3A_311 {
        %sub3A = arith.constant 2 : i32
        %sub3A_426 = arith.subi %add3A_287, %sub3A : i32
        %dma_wait3A_427 = arith.constant 2 : i32
        %dma_wait3A_428 = arith.constant 0 : i32
        %dma_wait3A_429 = arith.constant 0 : i32
        %dma_wait3A_430 = tpu.memref_slice %arg8[%dma_wait3A_427, %dma_wait3A_428, %dma_wait3A_429] : memref<4x64x128xf32, #tpu.memory_space<vmem>> -> memref<1x64x128xf32, #tpu.memory_space<vmem>>
        %dma_wait3A_431 = tpu.memref_squeeze %dma_wait3A_430 : memref<1x64x128xf32, #tpu.memory_space<vmem>> -> memref<64x128xf32, #tpu.memory_space<vmem>>
        %dma_wait3A_432 = arith.constant 0 : i32
        %dma_wait3A_433 = tpu.memref_slice %arg7[%sub3A_426, %dma_wait3A_432] : memref<32x64xi32, #tpu.memory_space<vmem>> -> memref<1x64xi32, #tpu.memory_space<vmem>>
        %dma_wait3A_434 = tpu.memref_squeeze %dma_wait3A_433 : memref<1x64xi32, #tpu.memory_space<vmem>> -> memref<64xi32, #tpu.memory_space<vmem>>
        %dma_wait3A_435 = arith.constant 0 : i32
        %dma_wait3A_436 = arith.constant 0 : i32
        %dma_wait3A_437 = tpu.memref_slice %arg10[%dma_wait3A_435, %dma_wait3A_436] : memref<10240x128xf32, #tpu.memory_space<vmem_shared>> -> memref<10240x128xf32, #tpu.memory_space<vmem_shared>>
        tpu.wait_indirect_dma semaphore(%arg17 : memref<!tpu.dma_semaphore, #tpu.memory_space<semaphore_mem>>) src(%dma_wait3A_431 : memref<64x128xf32, #tpu.memory_space<vmem>>) dst(%dma_wait3A_437 : memref<10240x128xf32, #tpu.memory_space<vmem_shared>>)
      } else {
      }
      %add3A_312 = arith.constant 2 : i32
      %add3A_313 = arith.addi %add3A_287, %add3A_312 : i32
      %lt3A = arith.constant 32 : i32
      %lt3A_314 = arith.cmpi slt, %add3A_313, %lt3A : i32
      %convert_element_type3A_315 = arith.extui %lt3A_314 : i1 to i32
      %cond3A_316 = arith.constant 0 : i32
      %cond3A_317 = arith.cmpi ne, %convert_element_type3A_315, %cond3A_316 : i32
      scf.if %cond3A_317 {
        %add3A_426 = arith.constant 2 : i32
        %add3A_427 = arith.addi %add3A_287, %add3A_426 : i32
        %dma_start3A_428 = arith.constant 2 : i32
        %dma_start3A_429 = arith.constant 0 : i32
        %dma_start3A_430 = arith.constant 0 : i32
        %dma_start3A_431 = tpu.memref_slice %arg8[%dma_start3A_428, %dma_start3A_429, %dma_start3A_430] : memref<4x64x128xf32, #tpu.memory_space<vmem>> -> memref<1x64x128xf32, #tpu.memory_space<vmem>>
        %dma_start3A_432 = tpu.memref_squeeze %dma_start3A_431 : memref<1x64x128xf32, #tpu.memory_space<vmem>> -> memref<64x128xf32, #tpu.memory_space<vmem>>
        %dma_start3A_433 = arith.constant 0 : i32
        %dma_start3A_434 = tpu.memref_slice %arg6[%add3A_427, %dma_start3A_433] : memref<32x64xi32, #tpu.memory_space<vmem>> -> memref<1x64xi32, #tpu.memory_space<vmem>>
        %dma_start3A_435 = tpu.memref_squeeze %dma_start3A_434 : memref<1x64xi32, #tpu.memory_space<vmem>> -> memref<64xi32, #tpu.memory_space<vmem>>
        %dma_start3A_436 = arith.constant 0 : i32
        %dma_start3A_437 = arith.constant 0 : i32
        %dma_start3A_438 = tpu.memref_slice %arg4[%dma_start3A_436, %dma_start3A_437] : memref<10240x128xf32, #tpu.memory_space<hbm>> -> memref<10240x128xf32, #tpu.memory_space<hbm>>
        tpu.enqueue_indirect_dma source(%dma_start3A_438 : memref<10240x128xf32, #tpu.memory_space<hbm>>) target(%dma_start3A_432 : memref<64x128xf32, #tpu.memory_space<vmem>>) offsets(%dma_start3A_435 : memref<64xi32, #tpu.memory_space<vmem>>) semaphore(%arg13 : memref<!tpu.dma_semaphore, #tpu.memory_space<semaphore_mem>>)
      } else {
      }
      %add3A_318 = arith.constant 1 : i32
      %add3A_319 = arith.addi %mul3A_285, %add3A_318 : i32
      %dma_wait3A_320 = arith.constant 1 : i32
      %dma_wait3A_321 = arith.constant 0 : i32
      %dma_wait3A_322 = arith.constant 0 : i32
      %dma_wait3A_323 = tpu.memref_slice %arg8[%dma_wait3A_320, %dma_wait3A_321, %dma_wait3A_322] : memref<4x64x128xf32, #tpu.memory_space<vmem>> -> memref<1x64x128xf32, #tpu.memory_space<vmem>>
      %dma_wait3A_324 = tpu.memref_squeeze %dma_wait3A_323 : memref<1x64x128xf32, #tpu.memory_space<vmem>> -> memref<64x128xf32, #tpu.memory_space<vmem>>
      %dma_wait3A_325 = arith.constant 0 : i32
      %dma_wait3A_326 = tpu.memref_slice %arg6[%add3A_319, %dma_wait3A_325] : memref<32x64xi32, #tpu.memory_space<vmem>> -> memref<1x64xi32, #tpu.memory_space<vmem>>
      %dma_wait3A_327 = tpu.memref_squeeze %dma_wait3A_326 : memref<1x64xi32, #tpu.memory_space<vmem>> -> memref<64xi32, #tpu.memory_space<vmem>>
      %dma_wait3A_328 = arith.constant 0 : i32
      %dma_wait3A_329 = arith.constant 0 : i32
      %dma_wait3A_330 = tpu.memref_slice %arg4[%dma_wait3A_328, %dma_wait3A_329] : memref<10240x128xf32, #tpu.memory_space<hbm>> -> memref<10240x128xf32, #tpu.memory_space<hbm>>
      tpu.wait_indirect_dma semaphore(%arg12 : memref<!tpu.dma_semaphore, #tpu.memory_space<semaphore_mem>>) src(%dma_wait3A_330 : memref<10240x128xf32, #tpu.memory_space<hbm>>) dst(%dma_wait3A_324 : memref<64x128xf32, #tpu.memory_space<vmem>>)
      %dma_start3A_331 = arith.constant 1 : i32
      %dma_start3A_332 = arith.constant 0 : i32
      %dma_start3A_333 = arith.constant 0 : i32
      %dma_start3A_334 = tpu.memref_slice %arg8[%dma_start3A_331, %dma_start3A_332, %dma_start3A_333] : memref<4x64x128xf32, #tpu.memory_space<vmem>> -> memref<1x64x128xf32, #tpu.memory_space<vmem>>
      %dma_start3A_335 = tpu.memref_squeeze %dma_start3A_334 : memref<1x64x128xf32, #tpu.memory_space<vmem>> -> memref<64x128xf32, #tpu.memory_space<vmem>>
      %dma_start3A_336 = arith.constant 0 : i32
      %dma_start3A_337 = tpu.memref_slice %arg7[%add3A_319, %dma_start3A_336] : memref<32x64xi32, #tpu.memory_space<vmem>> -> memref<1x64xi32, #tpu.memory_space<vmem>>
      %dma_start3A_338 = tpu.memref_squeeze %dma_start3A_337 : memref<1x64xi32, #tpu.memory_space<vmem>> -> memref<64xi32, #tpu.memory_space<vmem>>
      %dma_start3A_339 = arith.constant 0 : i32
      %dma_start3A_340 = arith.constant 0 : i32
      %dma_start3A_341 = tpu.memref_slice %arg10[%dma_start3A_339, %dma_start3A_340] : memref<10240x128xf32, #tpu.memory_space<vmem_shared>> -> memref<10240x128xf32, #tpu.memory_space<vmem_shared>>
      tpu.enqueue_indirect_dma source(%dma_start3A_335 : memref<64x128xf32, #tpu.memory_space<vmem>>) target(%dma_start3A_341 : memref<10240x128xf32, #tpu.memory_space<vmem_shared>>) offsets(%dma_start3A_338 : memref<64xi32, #tpu.memory_space<vmem>>) semaphore(%arg16 : memref<!tpu.dma_semaphore, #tpu.memory_space<semaphore_mem>>) {add = true}
      %ge3A_342 = arith.constant 2 : i32
      %ge3A_343 = arith.cmpi sge, %add3A_319, %ge3A_342 : i32
      %convert_element_type3A_344 = arith.extui %ge3A_343 : i1 to i32
      %cond3A_345 = arith.constant 0 : i32
      %cond3A_346 = arith.cmpi ne, %convert_element_type3A_344, %cond3A_345 : i32
      scf.if %cond3A_346 {
        %sub3A = arith.constant 2 : i32
        %sub3A_426 = arith.subi %add3A_319, %sub3A : i32
        %dma_wait3A_427 = arith.constant 3 : i32
        %dma_wait3A_428 = arith.constant 0 : i32
        %dma_wait3A_429 = arith.constant 0 : i32
        %dma_wait3A_430 = tpu.memref_slice %arg8[%dma_wait3A_427, %dma_wait3A_428, %dma_wait3A_429] : memref<4x64x128xf32, #tpu.memory_space<vmem>> -> memref<1x64x128xf32, #tpu.memory_space<vmem>>
        %dma_wait3A_431 = tpu.memref_squeeze %dma_wait3A_430 : memref<1x64x128xf32, #tpu.memory_space<vmem>> -> memref<64x128xf32, #tpu.memory_space<vmem>>
        %dma_wait3A_432 = arith.constant 0 : i32
        %dma_wait3A_433 = tpu.memref_slice %arg7[%sub3A_426, %dma_wait3A_432] : memref<32x64xi32, #tpu.memory_space<vmem>> -> memref<1x64xi32, #tpu.memory_space<vmem>>
        %dma_wait3A_434 = tpu.memref_squeeze %dma_wait3A_433 : memref<1x64xi32, #tpu.memory_space<vmem>> -> memref<64xi32, #tpu.memory_space<vmem>>
        %dma_wait3A_435 = arith.constant 0 : i32
        %dma_wait3A_436 = arith.constant 0 : i32
        %dma_wait3A_437 = tpu.memref_slice %arg10[%dma_wait3A_435, %dma_wait3A_436] : memref<10240x128xf32, #tpu.memory_space<vmem_shared>> -> memref<10240x128xf32, #tpu.memory_space<vmem_shared>>
        tpu.wait_indirect_dma semaphore(%arg18 : memref<!tpu.dma_semaphore, #tpu.memory_space<semaphore_mem>>) src(%dma_wait3A_431 : memref<64x128xf32, #tpu.memory_space<vmem>>) dst(%dma_wait3A_437 : memref<10240x128xf32, #tpu.memory_space<vmem_shared>>)
      } else {
      }
      %add3A_347 = arith.constant 2 : i32
      %add3A_348 = arith.addi %add3A_319, %add3A_347 : i32
      %lt3A_349 = arith.constant 32 : i32
      %lt3A_350 = arith.cmpi slt, %add3A_348, %lt3A_349 : i32
      %convert_element_type3A_351 = arith.extui %lt3A_350 : i1 to i32
      %cond3A_352 = arith.constant 0 : i32
      %cond3A_353 = arith.cmpi ne, %convert_element_type3A_351, %cond3A_352 : i32
      scf.if %cond3A_353 {
        %add3A_426 = arith.constant 2 : i32
        %add3A_427 = arith.addi %add3A_319, %add3A_426 : i32
        %dma_start3A_428 = arith.constant 3 : i32
        %dma_start3A_429 = arith.constant 0 : i32
        %dma_start3A_430 = arith.constant 0 : i32
        %dma_start3A_431 = tpu.memref_slice %arg8[%dma_start3A_428, %dma_start3A_429, %dma_start3A_430] : memref<4x64x128xf32, #tpu.memory_space<vmem>> -> memref<1x64x128xf32, #tpu.memory_space<vmem>>
        %dma_start3A_432 = tpu.memref_squeeze %dma_start3A_431 : memref<1x64x128xf32, #tpu.memory_space<vmem>> -> memref<64x128xf32, #tpu.memory_space<vmem>>
        %dma_start3A_433 = arith.constant 0 : i32
        %dma_start3A_434 = tpu.memref_slice %arg6[%add3A_427, %dma_start3A_433] : memref<32x64xi32, #tpu.memory_space<vmem>> -> memref<1x64xi32, #tpu.memory_space<vmem>>
        %dma_start3A_435 = tpu.memref_squeeze %dma_start3A_434 : memref<1x64xi32, #tpu.memory_space<vmem>> -> memref<64xi32, #tpu.memory_space<vmem>>
        %dma_start3A_436 = arith.constant 0 : i32
        %dma_start3A_437 = arith.constant 0 : i32
        %dma_start3A_438 = tpu.memref_slice %arg4[%dma_start3A_436, %dma_start3A_437] : memref<10240x128xf32, #tpu.memory_space<hbm>> -> memref<10240x128xf32, #tpu.memory_space<hbm>>
        tpu.enqueue_indirect_dma source(%dma_start3A_438 : memref<10240x128xf32, #tpu.memory_space<hbm>>) target(%dma_start3A_432 : memref<64x128xf32, #tpu.memory_space<vmem>>) offsets(%dma_start3A_435 : memref<64xi32, #tpu.memory_space<vmem>>) semaphore(%arg14 : memref<!tpu.dma_semaphore, #tpu.memory_space<semaphore_mem>>)
      } else {
      }
      %add3A_354 = arith.constant 2 : i32
      %add3A_355 = arith.addi %mul3A_285, %add3A_354 : i32
      %dma_wait3A_356 = arith.constant 2 : i32
      %dma_wait3A_357 = arith.constant 0 : i32
      %dma_wait3A_358 = arith.constant 0 : i32
      %dma_wait3A_359 = tpu.memref_slice %arg8[%dma_wait3A_356, %dma_wait3A_357, %dma_wait3A_358] : memref<4x64x128xf32, #tpu.memory_space<vmem>> -> memref<1x64x128xf32, #tpu.memory_space<vmem>>
      %dma_wait3A_360 = tpu.memref_squeeze %dma_wait3A_359 : memref<1x64x128xf32, #tpu.memory_space<vmem>> -> memref<64x128xf32, #tpu.memory_space<vmem>>
      %dma_wait3A_361 = arith.constant 0 : i32
      %dma_wait3A_362 = tpu.memref_slice %arg6[%add3A_355, %dma_wait3A_361] : memref<32x64xi32, #tpu.memory_space<vmem>> -> memref<1x64xi32, #tpu.memory_space<vmem>>
      %dma_wait3A_363 = tpu.memref_squeeze %dma_wait3A_362 : memref<1x64xi32, #tpu.memory_space<vmem>> -> memref<64xi32, #tpu.memory_space<vmem>>
      %dma_wait3A_364 = arith.constant 0 : i32
      %dma_wait3A_365 = arith.constant 0 : i32
      %dma_wait3A_366 = tpu.memref_slice %arg4[%dma_wait3A_364, %dma_wait3A_365] : memref<10240x128xf32, #tpu.memory_space<hbm>> -> memref<10240x128xf32, #tpu.memory_space<hbm>>
      tpu.wait_indirect_dma semaphore(%arg13 : memref<!tpu.dma_semaphore, #tpu.memory_space<semaphore_mem>>) src(%dma_wait3A_366 : memref<10240x128xf32, #tpu.memory_space<hbm>>) dst(%dma_wait3A_360 : memref<64x128xf32, #tpu.memory_space<vmem>>)
      %dma_start3A_367 = arith.constant 2 : i32
      %dma_start3A_368 = arith.constant 0 : i32
      %dma_start3A_369 = arith.constant 0 : i32
      %dma_start3A_370 = tpu.memref_slice %arg8[%dma_start3A_367, %dma_start3A_368, %dma_start3A_369] : memref<4x64x128xf32, #tpu.memory_space<vmem>> -> memref<1x64x128xf32, #tpu.memory_space<vmem>>
      %dma_start3A_371 = tpu.memref_squeeze %dma_start3A_370 : memref<1x64x128xf32, #tpu.memory_space<vmem>> -> memref<64x128xf32, #tpu.memory_space<vmem>>
      %dma_start3A_372 = arith.constant 0 : i32
      %dma_start3A_373 = tpu.memref_slice %arg7[%add3A_355, %dma_start3A_372] : memref<32x64xi32, #tpu.memory_space<vmem>> -> memref<1x64xi32, #tpu.memory_space<vmem>>
      %dma_start3A_374 = tpu.memref_squeeze %dma_start3A_373 : memref<1x64xi32, #tpu.memory_space<vmem>> -> memref<64xi32, #tpu.memory_space<vmem>>
      %dma_start3A_375 = arith.constant 0 : i32
      %dma_start3A_376 = arith.constant 0 : i32
      %dma_start3A_377 = tpu.memref_slice %arg10[%dma_start3A_375, %dma_start3A_376] : memref<10240x128xf32, #tpu.memory_space<vmem_shared>> -> memref<10240x128xf32, #tpu.memory_space<vmem_shared>>
      tpu.enqueue_indirect_dma source(%dma_start3A_371 : memref<64x128xf32, #tpu.memory_space<vmem>>) target(%dma_start3A_377 : memref<10240x128xf32, #tpu.memory_space<vmem_shared>>) offsets(%dma_start3A_374 : memref<64xi32, #tpu.memory_space<vmem>>) semaphore(%arg17 : memref<!tpu.dma_semaphore, #tpu.memory_space<semaphore_mem>>) {add = true}
      %ge3A_378 = arith.constant 2 : i32
      %ge3A_379 = arith.cmpi sge, %add3A_355, %ge3A_378 : i32
      %convert_element_type3A_380 = arith.extui %ge3A_379 : i1 to i32
      %cond3A_381 = arith.constant 0 : i32
      %cond3A_382 = arith.cmpi ne, %convert_element_type3A_380, %cond3A_381 : i32
      scf.if %cond3A_382 {
        %sub3A = arith.constant 2 : i32
        %sub3A_426 = arith.subi %add3A_355, %sub3A : i32
        %dma_wait3A_427 = arith.constant 0 : i32
        %dma_wait3A_428 = arith.constant 0 : i32
        %dma_wait3A_429 = arith.constant 0 : i32
        %dma_wait3A_430 = tpu.memref_slice %arg8[%dma_wait3A_427, %dma_wait3A_428, %dma_wait3A_429] : memref<4x64x128xf32, #tpu.memory_space<vmem>> -> memref<1x64x128xf32, #tpu.memory_space<vmem>>
        %dma_wait3A_431 = tpu.memref_squeeze %dma_wait3A_430 : memref<1x64x128xf32, #tpu.memory_space<vmem>> -> memref<64x128xf32, #tpu.memory_space<vmem>>
        %dma_wait3A_432 = arith.constant 0 : i32
        %dma_wait3A_433 = tpu.memref_slice %arg7[%sub3A_426, %dma_wait3A_432] : memref<32x64xi32, #tpu.memory_space<vmem>> -> memref<1x64xi32, #tpu.memory_space<vmem>>
        %dma_wait3A_434 = tpu.memref_squeeze %dma_wait3A_433 : memref<1x64xi32, #tpu.memory_space<vmem>> -> memref<64xi32, #tpu.memory_space<vmem>>
        %dma_wait3A_435 = arith.constant 0 : i32
        %dma_wait3A_436 = arith.constant 0 : i32
        %dma_wait3A_437 = tpu.memref_slice %arg10[%dma_wait3A_435, %dma_wait3A_436] : memref<10240x128xf32, #tpu.memory_space<vmem_shared>> -> memref<10240x128xf32, #tpu.memory_space<vmem_shared>>
        tpu.wait_indirect_dma semaphore(%arg15 : memref<!tpu.dma_semaphore, #tpu.memory_space<semaphore_mem>>) src(%dma_wait3A_431 : memref<64x128xf32, #tpu.memory_space<vmem>>) dst(%dma_wait3A_437 : memref<10240x128xf32, #tpu.memory_space<vmem_shared>>)
      } else {
      }
      %add3A_383 = arith.constant 2 : i32
      %add3A_384 = arith.addi %add3A_355, %add3A_383 : i32
      %lt3A_385 = arith.constant 32 : i32
      %lt3A_386 = arith.cmpi slt, %add3A_384, %lt3A_385 : i32
      %convert_element_type3A_387 = arith.extui %lt3A_386 : i1 to i32
      %cond3A_388 = arith.constant 0 : i32
      %cond3A_389 = arith.cmpi ne, %convert_element_type3A_387, %cond3A_388 : i32
      scf.if %cond3A_389 {
        %add3A_426 = arith.constant 2 : i32
        %add3A_427 = arith.addi %add3A_355, %add3A_426 : i32
        %dma_start3A_428 = arith.constant 0 : i32
        %dma_start3A_429 = arith.constant 0 : i32
        %dma_start3A_430 = arith.constant 0 : i32
        %dma_start3A_431 = tpu.memref_slice %arg8[%dma_start3A_428, %dma_start3A_429, %dma_start3A_430] : memref<4x64x128xf32, #tpu.memory_space<vmem>> -> memref<1x64x128xf32, #tpu.memory_space<vmem>>
        %dma_start3A_432 = tpu.memref_squeeze %dma_start3A_431 : memref<1x64x128xf32, #tpu.memory_space<vmem>> -> memref<64x128xf32, #tpu.memory_space<vmem>>
        %dma_start3A_433 = arith.constant 0 : i32
        %dma_start3A_434 = tpu.memref_slice %arg6[%add3A_427, %dma_start3A_433] : memref<32x64xi32, #tpu.memory_space<vmem>> -> memref<1x64xi32, #tpu.memory_space<vmem>>
        %dma_start3A_435 = tpu.memref_squeeze %dma_start3A_434 : memref<1x64xi32, #tpu.memory_space<vmem>> -> memref<64xi32, #tpu.memory_space<vmem>>
        %dma_start3A_436 = arith.constant 0 : i32
        %dma_start3A_437 = arith.constant 0 : i32
        %dma_start3A_438 = tpu.memref_slice %arg4[%dma_start3A_436, %dma_start3A_437] : memref<10240x128xf32, #tpu.memory_space<hbm>> -> memref<10240x128xf32, #tpu.memory_space<hbm>>
        tpu.enqueue_indirect_dma source(%dma_start3A_438 : memref<10240x128xf32, #tpu.memory_space<hbm>>) target(%dma_start3A_432 : memref<64x128xf32, #tpu.memory_space<vmem>>) offsets(%dma_start3A_435 : memref<64xi32, #tpu.memory_space<vmem>>) semaphore(%arg11 : memref<!tpu.dma_semaphore, #tpu.memory_space<semaphore_mem>>)
      } else {
      }
      %add3A_390 = arith.constant 3 : i32
      %add3A_391 = arith.addi %mul3A_285, %add3A_390 : i32
      %dma_wait3A_392 = arith.constant 3 : i32
      %dma_wait3A_393 = arith.constant 0 : i32
      %dma_wait3A_394 = arith.constant 0 : i32
      %dma_wait3A_395 = tpu.memref_slice %arg8[%dma_wait3A_392, %dma_wait3A_393, %dma_wait3A_394] : memref<4x64x128xf32, #tpu.memory_space<vmem>> -> memref<1x64x128xf32, #tpu.memory_space<vmem>>
      %dma_wait3A_396 = tpu.memref_squeeze %dma_wait3A_395 : memref<1x64x128xf32, #tpu.memory_space<vmem>> -> memref<64x128xf32, #tpu.memory_space<vmem>>
      %dma_wait3A_397 = arith.constant 0 : i32
      %dma_wait3A_398 = tpu.memref_slice %arg6[%add3A_391, %dma_wait3A_397] : memref<32x64xi32, #tpu.memory_space<vmem>> -> memref<1x64xi32, #tpu.memory_space<vmem>>
      %dma_wait3A_399 = tpu.memref_squeeze %dma_wait3A_398 : memref<1x64xi32, #tpu.memory_space<vmem>> -> memref<64xi32, #tpu.memory_space<vmem>>
      %dma_wait3A_400 = arith.constant 0 : i32
      %dma_wait3A_401 = arith.constant 0 : i32
      %dma_wait3A_402 = tpu.memref_slice %arg4[%dma_wait3A_400, %dma_wait3A_401] : memref<10240x128xf32, #tpu.memory_space<hbm>> -> memref<10240x128xf32, #tpu.memory_space<hbm>>
      tpu.wait_indirect_dma semaphore(%arg14 : memref<!tpu.dma_semaphore, #tpu.memory_space<semaphore_mem>>) src(%dma_wait3A_402 : memref<10240x128xf32, #tpu.memory_space<hbm>>) dst(%dma_wait3A_396 : memref<64x128xf32, #tpu.memory_space<vmem>>)
      %dma_start3A_403 = arith.constant 3 : i32
      %dma_start3A_404 = arith.constant 0 : i32
      %dma_start3A_405 = arith.constant 0 : i32
      %dma_start3A_406 = tpu.memref_slice %arg8[%dma_start3A_403, %dma_start3A_404, %dma_start3A_405] : memref<4x64x128xf32, #tpu.memory_space<vmem>> -> memref<1x64x128xf32, #tpu.memory_space<vmem>>
      %dma_start3A_407 = tpu.memref_squeeze %dma_start3A_406 : memref<1x64x128xf32, #tpu.memory_space<vmem>> -> memref<64x128xf32, #tpu.memory_space<vmem>>
      %dma_start3A_408 = arith.constant 0 : i32
      %dma_start3A_409 = tpu.memref_slice %arg7[%add3A_391, %dma_start3A_408] : memref<32x64xi32, #tpu.memory_space<vmem>> -> memref<1x64xi32, #tpu.memory_space<vmem>>
      %dma_start3A_410 = tpu.memref_squeeze %dma_start3A_409 : memref<1x64xi32, #tpu.memory_space<vmem>> -> memref<64xi32, #tpu.memory_space<vmem>>
      %dma_start3A_411 = arith.constant 0 : i32
      %dma_start3A_412 = arith.constant 0 : i32
      %dma_start3A_413 = tpu.memref_slice %arg10[%dma_start3A_411, %dma_start3A_412] : memref<10240x128xf32, #tpu.memory_space<vmem_shared>> -> memref<10240x128xf32, #tpu.memory_space<vmem_shared>>
      tpu.enqueue_indirect_dma source(%dma_start3A_407 : memref<64x128xf32, #tpu.memory_space<vmem>>) target(%dma_start3A_413 : memref<10240x128xf32, #tpu.memory_space<vmem_shared>>) offsets(%dma_start3A_410 : memref<64xi32, #tpu.memory_space<vmem>>) semaphore(%arg18 : memref<!tpu.dma_semaphore, #tpu.memory_space<semaphore_mem>>) {add = true}
      %ge3A_414 = arith.constant 2 : i32
      %ge3A_415 = arith.cmpi sge, %add3A_391, %ge3A_414 : i32
      %convert_element_type3A_416 = arith.extui %ge3A_415 : i1 to i32
      %cond3A_417 = arith.constant 0 : i32
      %cond3A_418 = arith.cmpi ne, %convert_element_type3A_416, %cond3A_417 : i32
      scf.if %cond3A_418 {
        %sub3A = arith.constant 2 : i32
        %sub3A_426 = arith.subi %add3A_391, %sub3A : i32
        %dma_wait3A_427 = arith.constant 1 : i32
        %dma_wait3A_428 = arith.constant 0 : i32
        %dma_wait3A_429 = arith.constant 0 : i32
        %dma_wait3A_430 = tpu.memref_slice %arg8[%dma_wait3A_427, %dma_wait3A_428, %dma_wait3A_429] : memref<4x64x128xf32, #tpu.memory_space<vmem>> -> memref<1x64x128xf32, #tpu.memory_space<vmem>>
        %dma_wait3A_431 = tpu.memref_squeeze %dma_wait3A_430 : memref<1x64x128xf32, #tpu.memory_space<vmem>> -> memref<64x128xf32, #tpu.memory_space<vmem>>
        %dma_wait3A_432 = arith.constant 0 : i32
        %dma_wait3A_433 = tpu.memref_slice %arg7[%sub3A_426, %dma_wait3A_432] : memref<32x64xi32, #tpu.memory_space<vmem>> -> memref<1x64xi32, #tpu.memory_space<vmem>>
        %dma_wait3A_434 = tpu.memref_squeeze %dma_wait3A_433 : memref<1x64xi32, #tpu.memory_space<vmem>> -> memref<64xi32, #tpu.memory_space<vmem>>
        %dma_wait3A_435 = arith.constant 0 : i32
        %dma_wait3A_436 = arith.constant 0 : i32
        %dma_wait3A_437 = tpu.memref_slice %arg10[%dma_wait3A_435, %dma_wait3A_436] : memref<10240x128xf32, #tpu.memory_space<vmem_shared>> -> memref<10240x128xf32, #tpu.memory_space<vmem_shared>>
        tpu.wait_indirect_dma semaphore(%arg16 : memref<!tpu.dma_semaphore, #tpu.memory_space<semaphore_mem>>) src(%dma_wait3A_431 : memref<64x128xf32, #tpu.memory_space<vmem>>) dst(%dma_wait3A_437 : memref<10240x128xf32, #tpu.memory_space<vmem_shared>>)
      } else {
      }
      %add3A_419 = arith.constant 2 : i32
      %add3A_420 = arith.addi %add3A_391, %add3A_419 : i32
      %lt3A_421 = arith.constant 32 : i32
      %lt3A_422 = arith.cmpi slt, %add3A_420, %lt3A_421 : i32
      %convert_element_type3A_423 = arith.extui %lt3A_422 : i1 to i32
      %cond3A_424 = arith.constant 0 : i32
      %cond3A_425 = arith.cmpi ne, %convert_element_type3A_423, %cond3A_424 : i32
      scf.if %cond3A_425 {
        %add3A_426 = arith.constant 2 : i32
        %add3A_427 = arith.addi %add3A_391, %add3A_426 : i32
        %dma_start3A_428 = arith.constant 1 : i32
        %dma_start3A_429 = arith.constant 0 : i32
        %dma_start3A_430 = arith.constant 0 : i32
        %dma_start3A_431 = tpu.memref_slice %arg8[%dma_start3A_428, %dma_start3A_429, %dma_start3A_430] : memref<4x64x128xf32, #tpu.memory_space<vmem>> -> memref<1x64x128xf32, #tpu.memory_space<vmem>>
        %dma_start3A_432 = tpu.memref_squeeze %dma_start3A_431 : memref<1x64x128xf32, #tpu.memory_space<vmem>> -> memref<64x128xf32, #tpu.memory_space<vmem>>
        %dma_start3A_433 = arith.constant 0 : i32
        %dma_start3A_434 = tpu.memref_slice %arg6[%add3A_427, %dma_start3A_433] : memref<32x64xi32, #tpu.memory_space<vmem>> -> memref<1x64xi32, #tpu.memory_space<vmem>>
        %dma_start3A_435 = tpu.memref_squeeze %dma_start3A_434 : memref<1x64xi32, #tpu.memory_space<vmem>> -> memref<64xi32, #tpu.memory_space<vmem>>
        %dma_start3A_436 = arith.constant 0 : i32
        %dma_start3A_437 = arith.constant 0 : i32
        %dma_start3A_438 = tpu.memref_slice %arg4[%dma_start3A_436, %dma_start3A_437] : memref<10240x128xf32, #tpu.memory_space<hbm>> -> memref<10240x128xf32, #tpu.memory_space<hbm>>
        tpu.enqueue_indirect_dma source(%dma_start3A_438 : memref<10240x128xf32, #tpu.memory_space<hbm>>) target(%dma_start3A_432 : memref<64x128xf32, #tpu.memory_space<vmem>>) offsets(%dma_start3A_435 : memref<64xi32, #tpu.memory_space<vmem>>) semaphore(%arg12 : memref<!tpu.dma_semaphore, #tpu.memory_space<semaphore_mem>>)
      } else {
      }
    }
    %scan3A_42 = arith.constant 8 : i32
    %dma_wait3A = arith.constant 2 : i32
    %dma_wait3A_43 = arith.constant 30 : i32
    %dma_wait3A_44 = arith.constant 0 : i32
    %dma_wait3A_45 = arith.constant 0 : i32
    %dma_wait3A_46 = tpu.memref_slice %arg8[%dma_wait3A, %dma_wait3A_44, %dma_wait3A_45] : memref<4x64x128xf32, #tpu.memory_space<vmem>> -> memref<1x64x128xf32, #tpu.memory_space<vmem>>
    %dma_wait3A_47 = tpu.memref_squeeze %dma_wait3A_46 : memref<1x64x128xf32, #tpu.memory_space<vmem>> -> memref<64x128xf32, #tpu.memory_space<vmem>>
    %dma_wait3A_48 = arith.constant 0 : i32
    %dma_wait3A_49 = tpu.memref_slice %arg7[%dma_wait3A_43, %dma_wait3A_48] : memref<32x64xi32, #tpu.memory_space<vmem>> -> memref<1x64xi32, #tpu.memory_space<vmem>>
    %dma_wait3A_50 = tpu.memref_squeeze %dma_wait3A_49 : memref<1x64xi32, #tpu.memory_space<vmem>> -> memref<64xi32, #tpu.memory_space<vmem>>
    %dma_wait3A_51 = arith.constant 0 : i32
    %dma_wait3A_52 = arith.constant 0 : i32
    %dma_wait3A_53 = tpu.memref_slice %arg10[%dma_wait3A_51, %dma_wait3A_52] : memref<10240x128xf32, #tpu.memory_space<vmem_shared>> -> memref<10240x128xf32, #tpu.memory_space<vmem_shared>>
    tpu.wait_indirect_dma semaphore(%arg17 : memref<!tpu.dma_semaphore, #tpu.memory_space<semaphore_mem>>) src(%dma_wait3A_47 : memref<64x128xf32, #tpu.memory_space<vmem>>) dst(%dma_wait3A_53 : memref<10240x128xf32, #tpu.memory_space<vmem_shared>>)
    %dma_wait3A_54 = arith.constant 3 : i32
    %dma_wait3A_55 = arith.constant 31 : i32
    %dma_wait3A_56 = arith.constant 0 : i32
    %dma_wait3A_57 = arith.constant 0 : i32
    %dma_wait3A_58 = tpu.memref_slice %arg8[%dma_wait3A_54, %dma_wait3A_56, %dma_wait3A_57] : memref<4x64x128xf32, #tpu.memory_space<vmem>> -> memref<1x64x128xf32, #tpu.memory_space<vmem>>
    %dma_wait3A_59 = tpu.memref_squeeze %dma_wait3A_58 : memref<1x64x128xf32, #tpu.memory_space<vmem>> -> memref<64x128xf32, #tpu.memory_space<vmem>>
    %dma_wait3A_60 = arith.constant 0 : i32
    %dma_wait3A_61 = tpu.memref_slice %arg7[%dma_wait3A_55, %dma_wait3A_60] : memref<32x64xi32, #tpu.memory_space<vmem>> -> memref<1x64xi32, #tpu.memory_space<vmem>>
    %dma_wait3A_62 = tpu.memref_squeeze %dma_wait3A_61 : memref<1x64xi32, #tpu.memory_space<vmem>> -> memref<64xi32, #tpu.memory_space<vmem>>
    %dma_wait3A_63 = arith.constant 0 : i32
    %dma_wait3A_64 = arith.constant 0 : i32
    %dma_wait3A_65 = tpu.memref_slice %arg10[%dma_wait3A_63, %dma_wait3A_64] : memref<10240x128xf32, #tpu.memory_space<vmem_shared>> -> memref<10240x128xf32, #tpu.memory_space<vmem_shared>>
    tpu.wait_indirect_dma semaphore(%arg18 : memref<!tpu.dma_semaphore, #tpu.memory_space<semaphore_mem>>) src(%dma_wait3A_59 : memref<64x128xf32, #tpu.memory_space<vmem>>) dst(%dma_wait3A_65 : memref<10240x128xf32, #tpu.memory_space<vmem_shared>>)
    "tpu.region"() ({
      %run_scoped3A = tpu.sem_alloc : memref<!tpu.dma_semaphore, #tpu.memory_space<semaphore_mem>>
      %dma_start3A_283 = arith.constant 32 : i32
      %dma_start3A_284 = arith.constant 0 : i32
      %dma_start3A_285 = tpu.memref_slice %arg2[%add3A, %dma_start3A_283, %dma_start3A_284] : memref<32x160x64xi32, #tpu.memory_space<hbm>> -> memref<1x32x64xi32, #tpu.memory_space<hbm>>
      %dma_start3A_286 = tpu.memref_squeeze %dma_start3A_285 : memref<1x32x64xi32, #tpu.memory_space<hbm>> -> memref<32x64xi32, #tpu.memory_space<hbm>>
      %dma_start3A_287 = arith.constant 32 : i32
      %dma_start3A_288 = arith.constant 0 : i32
      %dma_start3A_289 = tpu.memref_slice %arg2[%add3A, %dma_start3A_287, %dma_start3A_288] : memref<32x160x64xi32, #tpu.memory_space<hbm>> -> memref<1x32x64xi32, #tpu.memory_space<hbm>>
      %dma_start3A_290 = tpu.memref_squeeze %dma_start3A_289 : memref<1x32x64xi32, #tpu.memory_space<hbm>> -> memref<32x64xi32, #tpu.memory_space<hbm>>
      tpu.enqueue_dma source(%dma_start3A_290 : memref<32x64xi32, #tpu.memory_space<hbm>>) target(%arg6 : memref<32x64xi32, #tpu.memory_space<vmem>>) target_semaphore(%run_scoped3A : memref<!tpu.dma_semaphore, #tpu.memory_space<semaphore_mem>>)
      %dma_wait3A_291 = arith.constant 32 : i32
      %dma_wait3A_292 = arith.constant 0 : i32
      %dma_wait3A_293 = tpu.memref_slice %arg2[%add3A, %dma_wait3A_291, %dma_wait3A_292] : memref<32x160x64xi32, #tpu.memory_space<hbm>> -> memref<1x32x64xi32, #tpu.memory_space<hbm>>
      %dma_wait3A_294 = tpu.memref_squeeze %dma_wait3A_293 : memref<1x32x64xi32, #tpu.memory_space<hbm>> -> memref<32x64xi32, #tpu.memory_space<hbm>>
      %dma_wait3A_295 = arith.constant 32 : i32
      %dma_wait3A_296 = arith.constant 0 : i32
      %dma_wait3A_297 = tpu.memref_slice %arg2[%add3A, %dma_wait3A_295, %dma_wait3A_296] : memref<32x160x64xi32, #tpu.memory_space<hbm>> -> memref<1x32x64xi32, #tpu.memory_space<hbm>>
      %dma_wait3A_298 = tpu.memref_squeeze %dma_wait3A_297 : memref<1x32x64xi32, #tpu.memory_space<hbm>> -> memref<32x64xi32, #tpu.memory_space<hbm>>
      tpu.wait_dma2 semaphore(%run_scoped3A : memref<!tpu.dma_semaphore, #tpu.memory_space<semaphore_mem>>) src(%dma_wait3A_298 : memref<32x64xi32, #tpu.memory_space<hbm>>) dst(%arg6 : memref<32x64xi32, #tpu.memory_space<vmem>>)
      tpu.yield
    }) : () -> ()
    "tpu.region"() ({
      %run_scoped3A = tpu.sem_alloc : memref<!tpu.dma_semaphore, #tpu.memory_space<semaphore_mem>>
      %dma_start3A_283 = arith.constant 32 : i32
      %dma_start3A_284 = arith.constant 0 : i32
      %dma_start3A_285 = tpu.memref_slice %arg3[%add3A, %dma_start3A_283, %dma_start3A_284] : memref<32x160x64xi32, #tpu.memory_space<hbm>> -> memref<1x32x64xi32, #tpu.memory_space<hbm>>
      %dma_start3A_286 = tpu.memref_squeeze %dma_start3A_285 : memref<1x32x64xi32, #tpu.memory_space<hbm>> -> memref<32x64xi32, #tpu.memory_space<hbm>>
      %dma_start3A_287 = arith.constant 32 : i32
      %dma_start3A_288 = arith.constant 0 : i32
      %dma_start3A_289 = tpu.memref_slice %arg3[%add3A, %dma_start3A_287, %dma_start3A_288] : memref<32x160x64xi32, #tpu.memory_space<hbm>> -> memref<1x32x64xi32, #tpu.memory_space<hbm>>
      %dma_start3A_290 = tpu.memref_squeeze %dma_start3A_289 : memref<1x32x64xi32, #tpu.memory_space<hbm>> -> memref<32x64xi32, #tpu.memory_space<hbm>>
      tpu.enqueue_dma source(%dma_start3A_290 : memref<32x64xi32, #tpu.memory_space<hbm>>) target(%arg7 : memref<32x64xi32, #tpu.memory_space<vmem>>) target_semaphore(%run_scoped3A : memref<!tpu.dma_semaphore, #tpu.memory_space<semaphore_mem>>)
      %dma_wait3A_291 = arith.constant 32 : i32
      %dma_wait3A_292 = arith.constant 0 : i32
      %dma_wait3A_293 = tpu.memref_slice %arg3[%add3A, %dma_wait3A_291, %dma_wait3A_292] : memref<32x160x64xi32, #tpu.memory_space<hbm>> -> memref<1x32x64xi32, #tpu.memory_space<hbm>>
      %dma_wait3A_294 = tpu.memref_squeeze %dma_wait3A_293 : memref<1x32x64xi32, #tpu.memory_space<hbm>> -> memref<32x64xi32, #tpu.memory_space<hbm>>
      %dma_wait3A_295 = arith.constant 32 : i32
      %dma_wait3A_296 = arith.constant 0 : i32
      %dma_wait3A_297 = tpu.memref_slice %arg3[%add3A, %dma_wait3A_295, %dma_wait3A_296] : memref<32x160x64xi32, #tpu.memory_space<hbm>> -> memref<1x32x64xi32, #tpu.memory_space<hbm>>
      %dma_wait3A_298 = tpu.memref_squeeze %dma_wait3A_297 : memref<1x32x64xi32, #tpu.memory_space<hbm>> -> memref<32x64xi32, #tpu.memory_space<hbm>>
      tpu.wait_dma2 semaphore(%run_scoped3A : memref<!tpu.dma_semaphore, #tpu.memory_space<semaphore_mem>>) src(%dma_wait3A_298 : memref<32x64xi32, #tpu.memory_space<hbm>>) dst(%arg7 : memref<32x64xi32, #tpu.memory_space<vmem>>)
      tpu.yield
    }) : () -> ()
    %dma_start3A_66 = arith.constant 0 : i32
    %dma_start3A_67 = arith.constant 0 : i32
    %dma_start3A_68 = arith.constant 0 : i32
    %dma_start3A_69 = arith.constant 0 : i32
    %dma_start3A_70 = tpu.memref_slice %arg8[%dma_start3A_67, %dma_start3A_68, %dma_start3A_69] : memref<4x64x128xf32, #tpu.memory_space<vmem>> -> memref<1x64x128xf32, #tpu.memory_space<vmem>>
    %dma_start3A_71 = tpu.memref_squeeze %dma_start3A_70 : memref<1x64x128xf32, #tpu.memory_space<vmem>> -> memref<64x128xf32, #tpu.memory_space<vmem>>
    %dma_start3A_72 = arith.constant 0 : i32
    %dma_start3A_73 = tpu.memref_slice %arg6[%dma_start3A_66, %dma_start3A_72] : memref<32x64xi32, #tpu.memory_space<vmem>> -> memref<1x64xi32, #tpu.memory_space<vmem>>
    %dma_start3A_74 = tpu.memref_squeeze %dma_start3A_73 : memref<1x64xi32, #tpu.memory_space<vmem>> -> memref<64xi32, #tpu.memory_space<vmem>>
    %dma_start3A_75 = arith.constant 0 : i32
    %dma_start3A_76 = arith.constant 0 : i32
    %dma_start3A_77 = tpu.memref_slice %arg4[%dma_start3A_75, %dma_start3A_76] : memref<10240x128xf32, #tpu.memory_space<hbm>> -> memref<10240x128xf32, #tpu.memory_space<hbm>>
    tpu.enqueue_indirect_dma source(%dma_start3A_77 : memref<10240x128xf32, #tpu.memory_space<hbm>>) target(%dma_start3A_71 : memref<64x128xf32, #tpu.memory_space<vmem>>) offsets(%dma_start3A_74 : memref<64xi32, #tpu.memory_space<vmem>>) semaphore(%arg11 : memref<!tpu.dma_semaphore, #tpu.memory_space<semaphore_mem>>)
    %dma_start3A_78 = arith.constant 1 : i32
    %dma_start3A_79 = arith.constant 1 : i32
    %dma_start3A_80 = arith.constant 0 : i32
    %dma_start3A_81 = arith.constant 0 : i32
    %dma_start3A_82 = tpu.memref_slice %arg8[%dma_start3A_79, %dma_start3A_80, %dma_start3A_81] : memref<4x64x128xf32, #tpu.memory_space<vmem>> -> memref<1x64x128xf32, #tpu.memory_space<vmem>>
    %dma_start3A_83 = tpu.memref_squeeze %dma_start3A_82 : memref<1x64x128xf32, #tpu.memory_space<vmem>> -> memref<64x128xf32, #tpu.memory_space<vmem>>
    %dma_start3A_84 = arith.constant 0 : i32
    %dma_start3A_85 = tpu.memref_slice %arg6[%dma_start3A_78, %dma_start3A_84] : memref<32x64xi32, #tpu.memory_space<vmem>> -> memref<1x64xi32, #tpu.memory_space<vmem>>
    %dma_start3A_86 = tpu.memref_squeeze %dma_start3A_85 : memref<1x64xi32, #tpu.memory_space<vmem>> -> memref<64xi32, #tpu.memory_space<vmem>>
    %dma_start3A_87 = arith.constant 0 : i32
    %dma_start3A_88 = arith.constant 0 : i32
    %dma_start3A_89 = tpu.memref_slice %arg4[%dma_start3A_87, %dma_start3A_88] : memref<10240x128xf32, #tpu.memory_space<hbm>> -> memref<10240x128xf32, #tpu.memory_space<hbm>>
    tpu.enqueue_indirect_dma source(%dma_start3A_89 : memref<10240x128xf32, #tpu.memory_space<hbm>>) target(%dma_start3A_83 : memref<64x128xf32, #tpu.memory_space<vmem>>) offsets(%dma_start3A_86 : memref<64xi32, #tpu.memory_space<vmem>>) semaphore(%arg12 : memref<!tpu.dma_semaphore, #tpu.memory_space<semaphore_mem>>)
    %scan3A_90 = arith.constant 0 : i32
    %scan3A_91 = arith.constant 0 : i32
    %scan3A_92 = arith.constant 8 : i32
    %scan3A_93 = arith.addi %scan3A_91, %scan3A_92 : i32
    %scan3A_94 = arith.constant 1 : i32
    scf.for %scan3A_283 = %scan3A_91 to %scan3A_93 step %scan3A_94  : i32 {
      %mul3A_284 = arith.constant 4 : i32
      %mul3A_285 = arith.muli %scan3A_283, %mul3A_284 : i32
      %add3A_286 = arith.constant 0 : i32
      %add3A_287 = arith.addi %mul3A_285, %add3A_286 : i32
      %dma_wait3A_288 = arith.constant 0 : i32
      %dma_wait3A_289 = arith.constant 0 : i32
      %dma_wait3A_290 = arith.constant 0 : i32
      %dma_wait3A_291 = tpu.memref_slice %arg8[%dma_wait3A_288, %dma_wait3A_289, %dma_wait3A_290] : memref<4x64x128xf32, #tpu.memory_space<vmem>> -> memref<1x64x128xf32, #tpu.memory_space<vmem>>
      %dma_wait3A_292 = tpu.memref_squeeze %dma_wait3A_291 : memref<1x64x128xf32, #tpu.memory_space<vmem>> -> memref<64x128xf32, #tpu.memory_space<vmem>>
      %dma_wait3A_293 = arith.constant 0 : i32
      %dma_wait3A_294 = tpu.memref_slice %arg6[%add3A_287, %dma_wait3A_293] : memref<32x64xi32, #tpu.memory_space<vmem>> -> memref<1x64xi32, #tpu.memory_space<vmem>>
      %dma_wait3A_295 = tpu.memref_squeeze %dma_wait3A_294 : memref<1x64xi32, #tpu.memory_space<vmem>> -> memref<64xi32, #tpu.memory_space<vmem>>
      %dma_wait3A_296 = arith.constant 0 : i32
      %dma_wait3A_297 = arith.constant 0 : i32
      %dma_wait3A_298 = tpu.memref_slice %arg4[%dma_wait3A_296, %dma_wait3A_297] : memref<10240x128xf32, #tpu.memory_space<hbm>> -> memref<10240x128xf32, #tpu.memory_space<hbm>>
      tpu.wait_indirect_dma semaphore(%arg11 : memref<!tpu.dma_semaphore, #tpu.memory_space<semaphore_mem>>) src(%dma_wait3A_298 : memref<10240x128xf32, #tpu.memory_space<hbm>>) dst(%dma_wait3A_292 : memref<64x128xf32, #tpu.memory_space<vmem>>)
      %dma_start3A_299 = arith.constant 0 : i32
      %dma_start3A_300 = arith.constant 0 : i32
      %dma_start3A_301 = arith.constant 0 : i32
      %dma_start3A_302 = tpu.memref_slice %arg8[%dma_start3A_299, %dma_start3A_300, %dma_start3A_301] : memref<4x64x128xf32, #tpu.memory_space<vmem>> -> memref<1x64x128xf32, #tpu.memory_space<vmem>>
      %dma_start3A_303 = tpu.memref_squeeze %dma_start3A_302 : memref<1x64x128xf32, #tpu.memory_space<vmem>> -> memref<64x128xf32, #tpu.memory_space<vmem>>
      %dma_start3A_304 = arith.constant 0 : i32
      %dma_start3A_305 = tpu.memref_slice %arg7[%add3A_287, %dma_start3A_304] : memref<32x64xi32, #tpu.memory_space<vmem>> -> memref<1x64xi32, #tpu.memory_space<vmem>>
      %dma_start3A_306 = tpu.memref_squeeze %dma_start3A_305 : memref<1x64xi32, #tpu.memory_space<vmem>> -> memref<64xi32, #tpu.memory_space<vmem>>
      %dma_start3A_307 = arith.constant 0 : i32
      %dma_start3A_308 = arith.constant 0 : i32
      %dma_start3A_309 = tpu.memref_slice %arg10[%dma_start3A_307, %dma_start3A_308] : memref<10240x128xf32, #tpu.memory_space<vmem_shared>> -> memref<10240x128xf32, #tpu.memory_space<vmem_shared>>
      tpu.enqueue_indirect_dma source(%dma_start3A_303 : memref<64x128xf32, #tpu.memory_space<vmem>>) target(%dma_start3A_309 : memref<10240x128xf32, #tpu.memory_space<vmem_shared>>) offsets(%dma_start3A_306 : memref<64xi32, #tpu.memory_space<vmem>>) semaphore(%arg15 : memref<!tpu.dma_semaphore, #tpu.memory_space<semaphore_mem>>) {add = true}
      %ge3A = arith.constant 2 : i32
      %ge3A_310 = arith.cmpi sge, %add3A_287, %ge3A : i32
      %convert_element_type3A = arith.extui %ge3A_310 : i1 to i32
      %cond3A = arith.constant 0 : i32
      %cond3A_311 = arith.cmpi ne, %convert_element_type3A, %cond3A : i32
      scf.if %cond3A_311 {
        %sub3A = arith.constant 2 : i32
        %sub3A_426 = arith.subi %add3A_287, %sub3A : i32
        %dma_wait3A_427 = arith.constant 2 : i32
        %dma_wait3A_428 = arith.constant 0 : i32
        %dma_wait3A_429 = arith.constant 0 : i32
        %dma_wait3A_430 = tpu.memref_slice %arg8[%dma_wait3A_427, %dma_wait3A_428, %dma_wait3A_429] : memref<4x64x128xf32, #tpu.memory_space<vmem>> -> memref<1x64x128xf32, #tpu.memory_space<vmem>>
        %dma_wait3A_431 = tpu.memref_squeeze %dma_wait3A_430 : memref<1x64x128xf32, #tpu.memory_space<vmem>> -> memref<64x128xf32, #tpu.memory_space<vmem>>
        %dma_wait3A_432 = arith.constant 0 : i32
        %dma_wait3A_433 = tpu.memref_slice %arg7[%sub3A_426, %dma_wait3A_432] : memref<32x64xi32, #tpu.memory_space<vmem>> -> memref<1x64xi32, #tpu.memory_space<vmem>>
        %dma_wait3A_434 = tpu.memref_squeeze %dma_wait3A_433 : memref<1x64xi32, #tpu.memory_space<vmem>> -> memref<64xi32, #tpu.memory_space<vmem>>
        %dma_wait3A_435 = arith.constant 0 : i32
        %dma_wait3A_436 = arith.constant 0 : i32
        %dma_wait3A_437 = tpu.memref_slice %arg10[%dma_wait3A_435, %dma_wait3A_436] : memref<10240x128xf32, #tpu.memory_space<vmem_shared>> -> memref<10240x128xf32, #tpu.memory_space<vmem_shared>>
        tpu.wait_indirect_dma semaphore(%arg17 : memref<!tpu.dma_semaphore, #tpu.memory_space<semaphore_mem>>) src(%dma_wait3A_431 : memref<64x128xf32, #tpu.memory_space<vmem>>) dst(%dma_wait3A_437 : memref<10240x128xf32, #tpu.memory_space<vmem_shared>>)
      } else {
      }
      %add3A_312 = arith.constant 2 : i32
      %add3A_313 = arith.addi %add3A_287, %add3A_312 : i32
      %lt3A = arith.constant 32 : i32
      %lt3A_314 = arith.cmpi slt, %add3A_313, %lt3A : i32
      %convert_element_type3A_315 = arith.extui %lt3A_314 : i1 to i32
      %cond3A_316 = arith.constant 0 : i32
      %cond3A_317 = arith.cmpi ne, %convert_element_type3A_315, %cond3A_316 : i32
      scf.if %cond3A_317 {
        %add3A_426 = arith.constant 2 : i32
        %add3A_427 = arith.addi %add3A_287, %add3A_426 : i32
        %dma_start3A_428 = arith.constant 2 : i32
        %dma_start3A_429 = arith.constant 0 : i32
        %dma_start3A_430 = arith.constant 0 : i32
        %dma_start3A_431 = tpu.memref_slice %arg8[%dma_start3A_428, %dma_start3A_429, %dma_start3A_430] : memref<4x64x128xf32, #tpu.memory_space<vmem>> -> memref<1x64x128xf32, #tpu.memory_space<vmem>>
        %dma_start3A_432 = tpu.memref_squeeze %dma_start3A_431 : memref<1x64x128xf32, #tpu.memory_space<vmem>> -> memref<64x128xf32, #tpu.memory_space<vmem>>
        %dma_start3A_433 = arith.constant 0 : i32
        %dma_start3A_434 = tpu.memref_slice %arg6[%add3A_427, %dma_start3A_433] : memref<32x64xi32, #tpu.memory_space<vmem>> -> memref<1x64xi32, #tpu.memory_space<vmem>>
        %dma_start3A_435 = tpu.memref_squeeze %dma_start3A_434 : memref<1x64xi32, #tpu.memory_space<vmem>> -> memref<64xi32, #tpu.memory_space<vmem>>
        %dma_start3A_436 = arith.constant 0 : i32
        %dma_start3A_437 = arith.constant 0 : i32
        %dma_start3A_438 = tpu.memref_slice %arg4[%dma_start3A_436, %dma_start3A_437] : memref<10240x128xf32, #tpu.memory_space<hbm>> -> memref<10240x128xf32, #tpu.memory_space<hbm>>
        tpu.enqueue_indirect_dma source(%dma_start3A_438 : memref<10240x128xf32, #tpu.memory_space<hbm>>) target(%dma_start3A_432 : memref<64x128xf32, #tpu.memory_space<vmem>>) offsets(%dma_start3A_435 : memref<64xi32, #tpu.memory_space<vmem>>) semaphore(%arg13 : memref<!tpu.dma_semaphore, #tpu.memory_space<semaphore_mem>>)
      } else {
      }
      %add3A_318 = arith.constant 1 : i32
      %add3A_319 = arith.addi %mul3A_285, %add3A_318 : i32
      %dma_wait3A_320 = arith.constant 1 : i32
      %dma_wait3A_321 = arith.constant 0 : i32
      %dma_wait3A_322 = arith.constant 0 : i32
      %dma_wait3A_323 = tpu.memref_slice %arg8[%dma_wait3A_320, %dma_wait3A_321, %dma_wait3A_322] : memref<4x64x128xf32, #tpu.memory_space<vmem>> -> memref<1x64x128xf32, #tpu.memory_space<vmem>>
      %dma_wait3A_324 = tpu.memref_squeeze %dma_wait3A_323 : memref<1x64x128xf32, #tpu.memory_space<vmem>> -> memref<64x128xf32, #tpu.memory_space<vmem>>
      %dma_wait3A_325 = arith.constant 0 : i32
      %dma_wait3A_326 = tpu.memref_slice %arg6[%add3A_319, %dma_wait3A_325] : memref<32x64xi32, #tpu.memory_space<vmem>> -> memref<1x64xi32, #tpu.memory_space<vmem>>
      %dma_wait3A_327 = tpu.memref_squeeze %dma_wait3A_326 : memref<1x64xi32, #tpu.memory_space<vmem>> -> memref<64xi32, #tpu.memory_space<vmem>>
      %dma_wait3A_328 = arith.constant 0 : i32
      %dma_wait3A_329 = arith.constant 0 : i32
      %dma_wait3A_330 = tpu.memref_slice %arg4[%dma_wait3A_328, %dma_wait3A_329] : memref<10240x128xf32, #tpu.memory_space<hbm>> -> memref<10240x128xf32, #tpu.memory_space<hbm>>
      tpu.wait_indirect_dma semaphore(%arg12 : memref<!tpu.dma_semaphore, #tpu.memory_space<semaphore_mem>>) src(%dma_wait3A_330 : memref<10240x128xf32, #tpu.memory_space<hbm>>) dst(%dma_wait3A_324 : memref<64x128xf32, #tpu.memory_space<vmem>>)
      %dma_start3A_331 = arith.constant 1 : i32
      %dma_start3A_332 = arith.constant 0 : i32
      %dma_start3A_333 = arith.constant 0 : i32
      %dma_start3A_334 = tpu.memref_slice %arg8[%dma_start3A_331, %dma_start3A_332, %dma_start3A_333] : memref<4x64x128xf32, #tpu.memory_space<vmem>> -> memref<1x64x128xf32, #tpu.memory_space<vmem>>
      %dma_start3A_335 = tpu.memref_squeeze %dma_start3A_334 : memref<1x64x128xf32, #tpu.memory_space<vmem>> -> memref<64x128xf32, #tpu.memory_space<vmem>>
      %dma_start3A_336 = arith.constant 0 : i32
      %dma_start3A_337 = tpu.memref_slice %arg7[%add3A_319, %dma_start3A_336] : memref<32x64xi32, #tpu.memory_space<vmem>> -> memref<1x64xi32, #tpu.memory_space<vmem>>
      %dma_start3A_338 = tpu.memref_squeeze %dma_start3A_337 : memref<1x64xi32, #tpu.memory_space<vmem>> -> memref<64xi32, #tpu.memory_space<vmem>>
      %dma_start3A_339 = arith.constant 0 : i32
      %dma_start3A_340 = arith.constant 0 : i32
      %dma_start3A_341 = tpu.memref_slice %arg10[%dma_start3A_339, %dma_start3A_340] : memref<10240x128xf32, #tpu.memory_space<vmem_shared>> -> memref<10240x128xf32, #tpu.memory_space<vmem_shared>>
      tpu.enqueue_indirect_dma source(%dma_start3A_335 : memref<64x128xf32, #tpu.memory_space<vmem>>) target(%dma_start3A_341 : memref<10240x128xf32, #tpu.memory_space<vmem_shared>>) offsets(%dma_start3A_338 : memref<64xi32, #tpu.memory_space<vmem>>) semaphore(%arg16 : memref<!tpu.dma_semaphore, #tpu.memory_space<semaphore_mem>>) {add = true}
      %ge3A_342 = arith.constant 2 : i32
      %ge3A_343 = arith.cmpi sge, %add3A_319, %ge3A_342 : i32
      %convert_element_type3A_344 = arith.extui %ge3A_343 : i1 to i32
      %cond3A_345 = arith.constant 0 : i32
      %cond3A_346 = arith.cmpi ne, %convert_element_type3A_344, %cond3A_345 : i32
      scf.if %cond3A_346 {
        %sub3A = arith.constant 2 : i32
        %sub3A_426 = arith.subi %add3A_319, %sub3A : i32
        %dma_wait3A_427 = arith.constant 3 : i32
        %dma_wait3A_428 = arith.constant 0 : i32
        %dma_wait3A_429 = arith.constant 0 : i32
        %dma_wait3A_430 = tpu.memref_slice %arg8[%dma_wait3A_427, %dma_wait3A_428, %dma_wait3A_429] : memref<4x64x128xf32, #tpu.memory_space<vmem>> -> memref<1x64x128xf32, #tpu.memory_space<vmem>>
        %dma_wait3A_431 = tpu.memref_squeeze %dma_wait3A_430 : memref<1x64x128xf32, #tpu.memory_space<vmem>> -> memref<64x128xf32, #tpu.memory_space<vmem>>
        %dma_wait3A_432 = arith.constant 0 : i32
        %dma_wait3A_433 = tpu.memref_slice %arg7[%sub3A_426, %dma_wait3A_432] : memref<32x64xi32, #tpu.memory_space<vmem>> -> memref<1x64xi32, #tpu.memory_space<vmem>>
        %dma_wait3A_434 = tpu.memref_squeeze %dma_wait3A_433 : memref<1x64xi32, #tpu.memory_space<vmem>> -> memref<64xi32, #tpu.memory_space<vmem>>
        %dma_wait3A_435 = arith.constant 0 : i32
        %dma_wait3A_436 = arith.constant 0 : i32
        %dma_wait3A_437 = tpu.memref_slice %arg10[%dma_wait3A_435, %dma_wait3A_436] : memref<10240x128xf32, #tpu.memory_space<vmem_shared>> -> memref<10240x128xf32, #tpu.memory_space<vmem_shared>>
        tpu.wait_indirect_dma semaphore(%arg18 : memref<!tpu.dma_semaphore, #tpu.memory_space<semaphore_mem>>) src(%dma_wait3A_431 : memref<64x128xf32, #tpu.memory_space<vmem>>) dst(%dma_wait3A_437 : memref<10240x128xf32, #tpu.memory_space<vmem_shared>>)
      } else {
      }
      %add3A_347 = arith.constant 2 : i32
      %add3A_348 = arith.addi %add3A_319, %add3A_347 : i32
      %lt3A_349 = arith.constant 32 : i32
      %lt3A_350 = arith.cmpi slt, %add3A_348, %lt3A_349 : i32
      %convert_element_type3A_351 = arith.extui %lt3A_350 : i1 to i32
      %cond3A_352 = arith.constant 0 : i32
      %cond3A_353 = arith.cmpi ne, %convert_element_type3A_351, %cond3A_352 : i32
      scf.if %cond3A_353 {
        %add3A_426 = arith.constant 2 : i32
        %add3A_427 = arith.addi %add3A_319, %add3A_426 : i32
        %dma_start3A_428 = arith.constant 3 : i32
        %dma_start3A_429 = arith.constant 0 : i32
        %dma_start3A_430 = arith.constant 0 : i32
        %dma_start3A_431 = tpu.memref_slice %arg8[%dma_start3A_428, %dma_start3A_429, %dma_start3A_430] : memref<4x64x128xf32, #tpu.memory_space<vmem>> -> memref<1x64x128xf32, #tpu.memory_space<vmem>>
        %dma_start3A_432 = tpu.memref_squeeze %dma_start3A_431 : memref<1x64x128xf32, #tpu.memory_space<vmem>> -> memref<64x128xf32, #tpu.memory_space<vmem>>
        %dma_start3A_433 = arith.constant 0 : i32
        %dma_start3A_434 = tpu.memref_slice %arg6[%add3A_427, %dma_start3A_433] : memref<32x64xi32, #tpu.memory_space<vmem>> -> memref<1x64xi32, #tpu.memory_space<vmem>>
        %dma_start3A_435 = tpu.memref_squeeze %dma_start3A_434 : memref<1x64xi32, #tpu.memory_space<vmem>> -> memref<64xi32, #tpu.memory_space<vmem>>
        %dma_start3A_436 = arith.constant 0 : i32
        %dma_start3A_437 = arith.constant 0 : i32
        %dma_start3A_438 = tpu.memref_slice %arg4[%dma_start3A_436, %dma_start3A_437] : memref<10240x128xf32, #tpu.memory_space<hbm>> -> memref<10240x128xf32, #tpu.memory_space<hbm>>
        tpu.enqueue_indirect_dma source(%dma_start3A_438 : memref<10240x128xf32, #tpu.memory_space<hbm>>) target(%dma_start3A_432 : memref<64x128xf32, #tpu.memory_space<vmem>>) offsets(%dma_start3A_435 : memref<64xi32, #tpu.memory_space<vmem>>) semaphore(%arg14 : memref<!tpu.dma_semaphore, #tpu.memory_space<semaphore_mem>>)
      } else {
      }
      %add3A_354 = arith.constant 2 : i32
      %add3A_355 = arith.addi %mul3A_285, %add3A_354 : i32
      %dma_wait3A_356 = arith.constant 2 : i32
      %dma_wait3A_357 = arith.constant 0 : i32
      %dma_wait3A_358 = arith.constant 0 : i32
      %dma_wait3A_359 = tpu.memref_slice %arg8[%dma_wait3A_356, %dma_wait3A_357, %dma_wait3A_358] : memref<4x64x128xf32, #tpu.memory_space<vmem>> -> memref<1x64x128xf32, #tpu.memory_space<vmem>>
      %dma_wait3A_360 = tpu.memref_squeeze %dma_wait3A_359 : memref<1x64x128xf32, #tpu.memory_space<vmem>> -> memref<64x128xf32, #tpu.memory_space<vmem>>
      %dma_wait3A_361 = arith.constant 0 : i32
      %dma_wait3A_362 = tpu.memref_slice %arg6[%add3A_355, %dma_wait3A_361] : memref<32x64xi32, #tpu.memory_space<vmem>> -> memref<1x64xi32, #tpu.memory_space<vmem>>
      %dma_wait3A_363 = tpu.memref_squeeze %dma_wait3A_362 : memref<1x64xi32, #tpu.memory_space<vmem>> -> memref<64xi32, #tpu.memory_space<vmem>>
      %dma_wait3A_364 = arith.constant 0 : i32
      %dma_wait3A_365 = arith.constant 0 : i32
      %dma_wait3A_366 = tpu.memref_slice %arg4[%dma_wait3A_364, %dma_wait3A_365] : memref<10240x128xf32, #tpu.memory_space<hbm>> -> memref<10240x128xf32, #tpu.memory_space<hbm>>
      tpu.wait_indirect_dma semaphore(%arg13 : memref<!tpu.dma_semaphore, #tpu.memory_space<semaphore_mem>>) src(%dma_wait3A_366 : memref<10240x128xf32, #tpu.memory_space<hbm>>) dst(%dma_wait3A_360 : memref<64x128xf32, #tpu.memory_space<vmem>>)
      %dma_start3A_367 = arith.constant 2 : i32
      %dma_start3A_368 = arith.constant 0 : i32
      %dma_start3A_369 = arith.constant 0 : i32
      %dma_start3A_370 = tpu.memref_slice %arg8[%dma_start3A_367, %dma_start3A_368, %dma_start3A_369] : memref<4x64x128xf32, #tpu.memory_space<vmem>> -> memref<1x64x128xf32, #tpu.memory_space<vmem>>
      %dma_start3A_371 = tpu.memref_squeeze %dma_start3A_370 : memref<1x64x128xf32, #tpu.memory_space<vmem>> -> memref<64x128xf32, #tpu.memory_space<vmem>>
      %dma_start3A_372 = arith.constant 0 : i32
      %dma_start3A_373 = tpu.memref_slice %arg7[%add3A_355, %dma_start3A_372] : memref<32x64xi32, #tpu.memory_space<vmem>> -> memref<1x64xi32, #tpu.memory_space<vmem>>
      %dma_start3A_374 = tpu.memref_squeeze %dma_start3A_373 : memref<1x64xi32, #tpu.memory_space<vmem>> -> memref<64xi32, #tpu.memory_space<vmem>>
      %dma_start3A_375 = arith.constant 0 : i32
      %dma_start3A_376 = arith.constant 0 : i32
      %dma_start3A_377 = tpu.memref_slice %arg10[%dma_start3A_375, %dma_start3A_376] : memref<10240x128xf32, #tpu.memory_space<vmem_shared>> -> memref<10240x128xf32, #tpu.memory_space<vmem_shared>>
      tpu.enqueue_indirect_dma source(%dma_start3A_371 : memref<64x128xf32, #tpu.memory_space<vmem>>) target(%dma_start3A_377 : memref<10240x128xf32, #tpu.memory_space<vmem_shared>>) offsets(%dma_start3A_374 : memref<64xi32, #tpu.memory_space<vmem>>) semaphore(%arg17 : memref<!tpu.dma_semaphore, #tpu.memory_space<semaphore_mem>>) {add = true}
      %ge3A_378 = arith.constant 2 : i32
      %ge3A_379 = arith.cmpi sge, %add3A_355, %ge3A_378 : i32
      %convert_element_type3A_380 = arith.extui %ge3A_379 : i1 to i32
      %cond3A_381 = arith.constant 0 : i32
      %cond3A_382 = arith.cmpi ne, %convert_element_type3A_380, %cond3A_381 : i32
      scf.if %cond3A_382 {
        %sub3A = arith.constant 2 : i32
        %sub3A_426 = arith.subi %add3A_355, %sub3A : i32
        %dma_wait3A_427 = arith.constant 0 : i32
        %dma_wait3A_428 = arith.constant 0 : i32
        %dma_wait3A_429 = arith.constant 0 : i32
        %dma_wait3A_430 = tpu.memref_slice %arg8[%dma_wait3A_427, %dma_wait3A_428, %dma_wait3A_429] : memref<4x64x128xf32, #tpu.memory_space<vmem>> -> memref<1x64x128xf32, #tpu.memory_space<vmem>>
        %dma_wait3A_431 = tpu.memref_squeeze %dma_wait3A_430 : memref<1x64x128xf32, #tpu.memory_space<vmem>> -> memref<64x128xf32, #tpu.memory_space<vmem>>
        %dma_wait3A_432 = arith.constant 0 : i32
        %dma_wait3A_433 = tpu.memref_slice %arg7[%sub3A_426, %dma_wait3A_432] : memref<32x64xi32, #tpu.memory_space<vmem>> -> memref<1x64xi32, #tpu.memory_space<vmem>>
        %dma_wait3A_434 = tpu.memref_squeeze %dma_wait3A_433 : memref<1x64xi32, #tpu.memory_space<vmem>> -> memref<64xi32, #tpu.memory_space<vmem>>
        %dma_wait3A_435 = arith.constant 0 : i32
        %dma_wait3A_436 = arith.constant 0 : i32
        %dma_wait3A_437 = tpu.memref_slice %arg10[%dma_wait3A_435, %dma_wait3A_436] : memref<10240x128xf32, #tpu.memory_space<vmem_shared>> -> memref<10240x128xf32, #tpu.memory_space<vmem_shared>>
        tpu.wait_indirect_dma semaphore(%arg15 : memref<!tpu.dma_semaphore, #tpu.memory_space<semaphore_mem>>) src(%dma_wait3A_431 : memref<64x128xf32, #tpu.memory_space<vmem>>) dst(%dma_wait3A_437 : memref<10240x128xf32, #tpu.memory_space<vmem_shared>>)
      } else {
      }
      %add3A_383 = arith.constant 2 : i32
      %add3A_384 = arith.addi %add3A_355, %add3A_383 : i32
      %lt3A_385 = arith.constant 32 : i32
      %lt3A_386 = arith.cmpi slt, %add3A_384, %lt3A_385 : i32
      %convert_element_type3A_387 = arith.extui %lt3A_386 : i1 to i32
      %cond3A_388 = arith.constant 0 : i32
      %cond3A_389 = arith.cmpi ne, %convert_element_type3A_387, %cond3A_388 : i32
      scf.if %cond3A_389 {
        %add3A_426 = arith.constant 2 : i32
        %add3A_427 = arith.addi %add3A_355, %add3A_426 : i32
        %dma_start3A_428 = arith.constant 0 : i32
        %dma_start3A_429 = arith.constant 0 : i32
        %dma_start3A_430 = arith.constant 0 : i32
        %dma_start3A_431 = tpu.memref_slice %arg8[%dma_start3A_428, %dma_start3A_429, %dma_start3A_430] : memref<4x64x128xf32, #tpu.memory_space<vmem>> -> memref<1x64x128xf32, #tpu.memory_space<vmem>>
        %dma_start3A_432 = tpu.memref_squeeze %dma_start3A_431 : memref<1x64x128xf32, #tpu.memory_space<vmem>> -> memref<64x128xf32, #tpu.memory_space<vmem>>
        %dma_start3A_433 = arith.constant 0 : i32
        %dma_start3A_434 = tpu.memref_slice %arg6[%add3A_427, %dma_start3A_433] : memref<32x64xi32, #tpu.memory_space<vmem>> -> memref<1x64xi32, #tpu.memory_space<vmem>>
        %dma_start3A_435 = tpu.memref_squeeze %dma_start3A_434 : memref<1x64xi32, #tpu.memory_space<vmem>> -> memref<64xi32, #tpu.memory_space<vmem>>
        %dma_start3A_436 = arith.constant 0 : i32
        %dma_start3A_437 = arith.constant 0 : i32
        %dma_start3A_438 = tpu.memref_slice %arg4[%dma_start3A_436, %dma_start3A_437] : memref<10240x128xf32, #tpu.memory_space<hbm>> -> memref<10240x128xf32, #tpu.memory_space<hbm>>
        tpu.enqueue_indirect_dma source(%dma_start3A_438 : memref<10240x128xf32, #tpu.memory_space<hbm>>) target(%dma_start3A_432 : memref<64x128xf32, #tpu.memory_space<vmem>>) offsets(%dma_start3A_435 : memref<64xi32, #tpu.memory_space<vmem>>) semaphore(%arg11 : memref<!tpu.dma_semaphore, #tpu.memory_space<semaphore_mem>>)
      } else {
      }
      %add3A_390 = arith.constant 3 : i32
      %add3A_391 = arith.addi %mul3A_285, %add3A_390 : i32
      %dma_wait3A_392 = arith.constant 3 : i32
      %dma_wait3A_393 = arith.constant 0 : i32
      %dma_wait3A_394 = arith.constant 0 : i32
      %dma_wait3A_395 = tpu.memref_slice %arg8[%dma_wait3A_392, %dma_wait3A_393, %dma_wait3A_394] : memref<4x64x128xf32, #tpu.memory_space<vmem>> -> memref<1x64x128xf32, #tpu.memory_space<vmem>>
      %dma_wait3A_396 = tpu.memref_squeeze %dma_wait3A_395 : memref<1x64x128xf32, #tpu.memory_space<vmem>> -> memref<64x128xf32, #tpu.memory_space<vmem>>
      %dma_wait3A_397 = arith.constant 0 : i32
      %dma_wait3A_398 = tpu.memref_slice %arg6[%add3A_391, %dma_wait3A_397] : memref<32x64xi32, #tpu.memory_space<vmem>> -> memref<1x64xi32, #tpu.memory_space<vmem>>
      %dma_wait3A_399 = tpu.memref_squeeze %dma_wait3A_398 : memref<1x64xi32, #tpu.memory_space<vmem>> -> memref<64xi32, #tpu.memory_space<vmem>>
      %dma_wait3A_400 = arith.constant 0 : i32
      %dma_wait3A_401 = arith.constant 0 : i32
      %dma_wait3A_402 = tpu.memref_slice %arg4[%dma_wait3A_400, %dma_wait3A_401] : memref<10240x128xf32, #tpu.memory_space<hbm>> -> memref<10240x128xf32, #tpu.memory_space<hbm>>
      tpu.wait_indirect_dma semaphore(%arg14 : memref<!tpu.dma_semaphore, #tpu.memory_space<semaphore_mem>>) src(%dma_wait3A_402 : memref<10240x128xf32, #tpu.memory_space<hbm>>) dst(%dma_wait3A_396 : memref<64x128xf32, #tpu.memory_space<vmem>>)
      %dma_start3A_403 = arith.constant 3 : i32
      %dma_start3A_404 = arith.constant 0 : i32
      %dma_start3A_405 = arith.constant 0 : i32
      %dma_start3A_406 = tpu.memref_slice %arg8[%dma_start3A_403, %dma_start3A_404, %dma_start3A_405] : memref<4x64x128xf32, #tpu.memory_space<vmem>> -> memref<1x64x128xf32, #tpu.memory_space<vmem>>
      %dma_start3A_407 = tpu.memref_squeeze %dma_start3A_406 : memref<1x64x128xf32, #tpu.memory_space<vmem>> -> memref<64x128xf32, #tpu.memory_space<vmem>>
      %dma_start3A_408 = arith.constant 0 : i32
      %dma_start3A_409 = tpu.memref_slice %arg7[%add3A_391, %dma_start3A_408] : memref<32x64xi32, #tpu.memory_space<vmem>> -> memref<1x64xi32, #tpu.memory_space<vmem>>
      %dma_start3A_410 = tpu.memref_squeeze %dma_start3A_409 : memref<1x64xi32, #tpu.memory_space<vmem>> -> memref<64xi32, #tpu.memory_space<vmem>>
      %dma_start3A_411 = arith.constant 0 : i32
      %dma_start3A_412 = arith.constant 0 : i32
      %dma_start3A_413 = tpu.memref_slice %arg10[%dma_start3A_411, %dma_start3A_412] : memref<10240x128xf32, #tpu.memory_space<vmem_shared>> -> memref<10240x128xf32, #tpu.memory_space<vmem_shared>>
      tpu.enqueue_indirect_dma source(%dma_start3A_407 : memref<64x128xf32, #tpu.memory_space<vmem>>) target(%dma_start3A_413 : memref<10240x128xf32, #tpu.memory_space<vmem_shared>>) offsets(%dma_start3A_410 : memref<64xi32, #tpu.memory_space<vmem>>) semaphore(%arg18 : memref<!tpu.dma_semaphore, #tpu.memory_space<semaphore_mem>>) {add = true}
      %ge3A_414 = arith.constant 2 : i32
      %ge3A_415 = arith.cmpi sge, %add3A_391, %ge3A_414 : i32
      %convert_element_type3A_416 = arith.extui %ge3A_415 : i1 to i32
      %cond3A_417 = arith.constant 0 : i32
      %cond3A_418 = arith.cmpi ne, %convert_element_type3A_416, %cond3A_417 : i32
      scf.if %cond3A_418 {
        %sub3A = arith.constant 2 : i32
        %sub3A_426 = arith.subi %add3A_391, %sub3A : i32
        %dma_wait3A_427 = arith.constant 1 : i32
        %dma_wait3A_428 = arith.constant 0 : i32
        %dma_wait3A_429 = arith.constant 0 : i32
        %dma_wait3A_430 = tpu.memref_slice %arg8[%dma_wait3A_427, %dma_wait3A_428, %dma_wait3A_429] : memref<4x64x128xf32, #tpu.memory_space<vmem>> -> memref<1x64x128xf32, #tpu.memory_space<vmem>>
        %dma_wait3A_431 = tpu.memref_squeeze %dma_wait3A_430 : memref<1x64x128xf32, #tpu.memory_space<vmem>> -> memref<64x128xf32, #tpu.memory_space<vmem>>
        %dma_wait3A_432 = arith.constant 0 : i32
        %dma_wait3A_433 = tpu.memref_slice %arg7[%sub3A_426, %dma_wait3A_432] : memref<32x64xi32, #tpu.memory_space<vmem>> -> memref<1x64xi32, #tpu.memory_space<vmem>>
        %dma_wait3A_434 = tpu.memref_squeeze %dma_wait3A_433 : memref<1x64xi32, #tpu.memory_space<vmem>> -> memref<64xi32, #tpu.memory_space<vmem>>
        %dma_wait3A_435 = arith.constant 0 : i32
        %dma_wait3A_436 = arith.constant 0 : i32
        %dma_wait3A_437 = tpu.memref_slice %arg10[%dma_wait3A_435, %dma_wait3A_436] : memref<10240x128xf32, #tpu.memory_space<vmem_shared>> -> memref<10240x128xf32, #tpu.memory_space<vmem_shared>>
        tpu.wait_indirect_dma semaphore(%arg16 : memref<!tpu.dma_semaphore, #tpu.memory_space<semaphore_mem>>) src(%dma_wait3A_431 : memref<64x128xf32, #tpu.memory_space<vmem>>) dst(%dma_wait3A_437 : memref<10240x128xf32, #tpu.memory_space<vmem_shared>>)
      } else {
      }
      %add3A_419 = arith.constant 2 : i32
      %add3A_420 = arith.addi %add3A_391, %add3A_419 : i32
      %lt3A_421 = arith.constant 32 : i32
      %lt3A_422 = arith.cmpi slt, %add3A_420, %lt3A_421 : i32
      %convert_element_type3A_423 = arith.extui %lt3A_422 : i1 to i32
      %cond3A_424 = arith.constant 0 : i32
      %cond3A_425 = arith.cmpi ne, %convert_element_type3A_423, %cond3A_424 : i32
      scf.if %cond3A_425 {
        %add3A_426 = arith.constant 2 : i32
        %add3A_427 = arith.addi %add3A_391, %add3A_426 : i32
        %dma_start3A_428 = arith.constant 1 : i32
        %dma_start3A_429 = arith.constant 0 : i32
        %dma_start3A_430 = arith.constant 0 : i32
        %dma_start3A_431 = tpu.memref_slice %arg8[%dma_start3A_428, %dma_start3A_429, %dma_start3A_430] : memref<4x64x128xf32, #tpu.memory_space<vmem>> -> memref<1x64x128xf32, #tpu.memory_space<vmem>>
        %dma_start3A_432 = tpu.memref_squeeze %dma_start3A_431 : memref<1x64x128xf32, #tpu.memory_space<vmem>> -> memref<64x128xf32, #tpu.memory_space<vmem>>
        %dma_start3A_433 = arith.constant 0 : i32
        %dma_start3A_434 = tpu.memref_slice %arg6[%add3A_427, %dma_start3A_433] : memref<32x64xi32, #tpu.memory_space<vmem>> -> memref<1x64xi32, #tpu.memory_space<vmem>>
        %dma_start3A_435 = tpu.memref_squeeze %dma_start3A_434 : memref<1x64xi32, #tpu.memory_space<vmem>> -> memref<64xi32, #tpu.memory_space<vmem>>
        %dma_start3A_436 = arith.constant 0 : i32
        %dma_start3A_437 = arith.constant 0 : i32
        %dma_start3A_438 = tpu.memref_slice %arg4[%dma_start3A_436, %dma_start3A_437] : memref<10240x128xf32, #tpu.memory_space<hbm>> -> memref<10240x128xf32, #tpu.memory_space<hbm>>
        tpu.enqueue_indirect_dma source(%dma_start3A_438 : memref<10240x128xf32, #tpu.memory_space<hbm>>) target(%dma_start3A_432 : memref<64x128xf32, #tpu.memory_space<vmem>>) offsets(%dma_start3A_435 : memref<64xi32, #tpu.memory_space<vmem>>) semaphore(%arg12 : memref<!tpu.dma_semaphore, #tpu.memory_space<semaphore_mem>>)
      } else {
      }
    }
    %scan3A_95 = arith.constant 8 : i32
    %dma_wait3A_96 = arith.constant 2 : i32
    %dma_wait3A_97 = arith.constant 30 : i32
    %dma_wait3A_98 = arith.constant 0 : i32
    %dma_wait3A_99 = arith.constant 0 : i32
    %dma_wait3A_100 = tpu.memref_slice %arg8[%dma_wait3A_96, %dma_wait3A_98, %dma_wait3A_99] : memref<4x64x128xf32, #tpu.memory_space<vmem>> -> memref<1x64x128xf32, #tpu.memory_space<vmem>>
    %dma_wait3A_101 = tpu.memref_squeeze %dma_wait3A_100 : memref<1x64x128xf32, #tpu.memory_space<vmem>> -> memref<64x128xf32, #tpu.memory_space<vmem>>
    %dma_wait3A_102 = arith.constant 0 : i32
    %dma_wait3A_103 = tpu.memref_slice %arg7[%dma_wait3A_97, %dma_wait3A_102] : memref<32x64xi32, #tpu.memory_space<vmem>> -> memref<1x64xi32, #tpu.memory_space<vmem>>
    %dma_wait3A_104 = tpu.memref_squeeze %dma_wait3A_103 : memref<1x64xi32, #tpu.memory_space<vmem>> -> memref<64xi32, #tpu.memory_space<vmem>>
    %dma_wait3A_105 = arith.constant 0 : i32
    %dma_wait3A_106 = arith.constant 0 : i32
    %dma_wait3A_107 = tpu.memref_slice %arg10[%dma_wait3A_105, %dma_wait3A_106] : memref<10240x128xf32, #tpu.memory_space<vmem_shared>> -> memref<10240x128xf32, #tpu.memory_space<vmem_shared>>
    tpu.wait_indirect_dma semaphore(%arg17 : memref<!tpu.dma_semaphore, #tpu.memory_space<semaphore_mem>>) src(%dma_wait3A_101 : memref<64x128xf32, #tpu.memory_space<vmem>>) dst(%dma_wait3A_107 : memref<10240x128xf32, #tpu.memory_space<vmem_shared>>)
    %dma_wait3A_108 = arith.constant 3 : i32
    %dma_wait3A_109 = arith.constant 31 : i32
    %dma_wait3A_110 = arith.constant 0 : i32
    %dma_wait3A_111 = arith.constant 0 : i32
    %dma_wait3A_112 = tpu.memref_slice %arg8[%dma_wait3A_108, %dma_wait3A_110, %dma_wait3A_111] : memref<4x64x128xf32, #tpu.memory_space<vmem>> -> memref<1x64x128xf32, #tpu.memory_space<vmem>>
    %dma_wait3A_113 = tpu.memref_squeeze %dma_wait3A_112 : memref<1x64x128xf32, #tpu.memory_space<vmem>> -> memref<64x128xf32, #tpu.memory_space<vmem>>
    %dma_wait3A_114 = arith.constant 0 : i32
    %dma_wait3A_115 = tpu.memref_slice %arg7[%dma_wait3A_109, %dma_wait3A_114] : memref<32x64xi32, #tpu.memory_space<vmem>> -> memref<1x64xi32, #tpu.memory_space<vmem>>
    %dma_wait3A_116 = tpu.memref_squeeze %dma_wait3A_115 : memref<1x64xi32, #tpu.memory_space<vmem>> -> memref<64xi32, #tpu.memory_space<vmem>>
    %dma_wait3A_117 = arith.constant 0 : i32
    %dma_wait3A_118 = arith.constant 0 : i32
    %dma_wait3A_119 = tpu.memref_slice %arg10[%dma_wait3A_117, %dma_wait3A_118] : memref<10240x128xf32, #tpu.memory_space<vmem_shared>> -> memref<10240x128xf32, #tpu.memory_space<vmem_shared>>
    tpu.wait_indirect_dma semaphore(%arg18 : memref<!tpu.dma_semaphore, #tpu.memory_space<semaphore_mem>>) src(%dma_wait3A_113 : memref<64x128xf32, #tpu.memory_space<vmem>>) dst(%dma_wait3A_119 : memref<10240x128xf32, #tpu.memory_space<vmem_shared>>)
    "tpu.region"() ({
      %run_scoped3A = tpu.sem_alloc : memref<!tpu.dma_semaphore, #tpu.memory_space<semaphore_mem>>
      %dma_start3A_283 = arith.constant 64 : i32
      %dma_start3A_284 = arith.constant 0 : i32
      %dma_start3A_285 = tpu.memref_slice %arg2[%add3A, %dma_start3A_283, %dma_start3A_284] : memref<32x160x64xi32, #tpu.memory_space<hbm>> -> memref<1x32x64xi32, #tpu.memory_space<hbm>>
      %dma_start3A_286 = tpu.memref_squeeze %dma_start3A_285 : memref<1x32x64xi32, #tpu.memory_space<hbm>> -> memref<32x64xi32, #tpu.memory_space<hbm>>
      %dma_start3A_287 = arith.constant 64 : i32
      %dma_start3A_288 = arith.constant 0 : i32
      %dma_start3A_289 = tpu.memref_slice %arg2[%add3A, %dma_start3A_287, %dma_start3A_288] : memref<32x160x64xi32, #tpu.memory_space<hbm>> -> memref<1x32x64xi32, #tpu.memory_space<hbm>>
      %dma_start3A_290 = tpu.memref_squeeze %dma_start3A_289 : memref<1x32x64xi32, #tpu.memory_space<hbm>> -> memref<32x64xi32, #tpu.memory_space<hbm>>
      tpu.enqueue_dma source(%dma_start3A_290 : memref<32x64xi32, #tpu.memory_space<hbm>>) target(%arg6 : memref<32x64xi32, #tpu.memory_space<vmem>>) target_semaphore(%run_scoped3A : memref<!tpu.dma_semaphore, #tpu.memory_space<semaphore_mem>>)
      %dma_wait3A_291 = arith.constant 64 : i32
      %dma_wait3A_292 = arith.constant 0 : i32
      %dma_wait3A_293 = tpu.memref_slice %arg2[%add3A, %dma_wait3A_291, %dma_wait3A_292] : memref<32x160x64xi32, #tpu.memory_space<hbm>> -> memref<1x32x64xi32, #tpu.memory_space<hbm>>
      %dma_wait3A_294 = tpu.memref_squeeze %dma_wait3A_293 : memref<1x32x64xi32, #tpu.memory_space<hbm>> -> memref<32x64xi32, #tpu.memory_space<hbm>>
      %dma_wait3A_295 = arith.constant 64 : i32
      %dma_wait3A_296 = arith.constant 0 : i32
      %dma_wait3A_297 = tpu.memref_slice %arg2[%add3A, %dma_wait3A_295, %dma_wait3A_296] : memref<32x160x64xi32, #tpu.memory_space<hbm>> -> memref<1x32x64xi32, #tpu.memory_space<hbm>>
      %dma_wait3A_298 = tpu.memref_squeeze %dma_wait3A_297 : memref<1x32x64xi32, #tpu.memory_space<hbm>> -> memref<32x64xi32, #tpu.memory_space<hbm>>
      tpu.wait_dma2 semaphore(%run_scoped3A : memref<!tpu.dma_semaphore, #tpu.memory_space<semaphore_mem>>) src(%dma_wait3A_298 : memref<32x64xi32, #tpu.memory_space<hbm>>) dst(%arg6 : memref<32x64xi32, #tpu.memory_space<vmem>>)
      tpu.yield
    }) : () -> ()
    "tpu.region"() ({
      %run_scoped3A = tpu.sem_alloc : memref<!tpu.dma_semaphore, #tpu.memory_space<semaphore_mem>>
      %dma_start3A_283 = arith.constant 64 : i32
      %dma_start3A_284 = arith.constant 0 : i32
      %dma_start3A_285 = tpu.memref_slice %arg3[%add3A, %dma_start3A_283, %dma_start3A_284] : memref<32x160x64xi32, #tpu.memory_space<hbm>> -> memref<1x32x64xi32, #tpu.memory_space<hbm>>
      %dma_start3A_286 = tpu.memref_squeeze %dma_start3A_285 : memref<1x32x64xi32, #tpu.memory_space<hbm>> -> memref<32x64xi32, #tpu.memory_space<hbm>>
      %dma_start3A_287 = arith.constant 64 : i32
      %dma_start3A_288 = arith.constant 0 : i32
      %dma_start3A_289 = tpu.memref_slice %arg3[%add3A, %dma_start3A_287, %dma_start3A_288] : memref<32x160x64xi32, #tpu.memory_space<hbm>> -> memref<1x32x64xi32, #tpu.memory_space<hbm>>
      %dma_start3A_290 = tpu.memref_squeeze %dma_start3A_289 : memref<1x32x64xi32, #tpu.memory_space<hbm>> -> memref<32x64xi32, #tpu.memory_space<hbm>>
      tpu.enqueue_dma source(%dma_start3A_290 : memref<32x64xi32, #tpu.memory_space<hbm>>) target(%arg7 : memref<32x64xi32, #tpu.memory_space<vmem>>) target_semaphore(%run_scoped3A : memref<!tpu.dma_semaphore, #tpu.memory_space<semaphore_mem>>)
      %dma_wait3A_291 = arith.constant 64 : i32
      %dma_wait3A_292 = arith.constant 0 : i32
      %dma_wait3A_293 = tpu.memref_slice %arg3[%add3A, %dma_wait3A_291, %dma_wait3A_292] : memref<32x160x64xi32, #tpu.memory_space<hbm>> -> memref<1x32x64xi32, #tpu.memory_space<hbm>>
      %dma_wait3A_294 = tpu.memref_squeeze %dma_wait3A_293 : memref<1x32x64xi32, #tpu.memory_space<hbm>> -> memref<32x64xi32, #tpu.memory_space<hbm>>
      %dma_wait3A_295 = arith.constant 64 : i32
      %dma_wait3A_296 = arith.constant 0 : i32
      %dma_wait3A_297 = tpu.memref_slice %arg3[%add3A, %dma_wait3A_295, %dma_wait3A_296] : memref<32x160x64xi32, #tpu.memory_space<hbm>> -> memref<1x32x64xi32, #tpu.memory_space<hbm>>
      %dma_wait3A_298 = tpu.memref_squeeze %dma_wait3A_297 : memref<1x32x64xi32, #tpu.memory_space<hbm>> -> memref<32x64xi32, #tpu.memory_space<hbm>>
      tpu.wait_dma2 semaphore(%run_scoped3A : memref<!tpu.dma_semaphore, #tpu.memory_space<semaphore_mem>>) src(%dma_wait3A_298 : memref<32x64xi32, #tpu.memory_space<hbm>>) dst(%arg7 : memref<32x64xi32, #tpu.memory_space<vmem>>)
      tpu.yield
    }) : () -> ()
    %dma_start3A_120 = arith.constant 0 : i32
    %dma_start3A_121 = arith.constant 0 : i32
    %dma_start3A_122 = arith.constant 0 : i32
    %dma_start3A_123 = arith.constant 0 : i32
    %dma_start3A_124 = tpu.memref_slice %arg8[%dma_start3A_121, %dma_start3A_122, %dma_start3A_123] : memref<4x64x128xf32, #tpu.memory_space<vmem>> -> memref<1x64x128xf32, #tpu.memory_space<vmem>>
    %dma_start3A_125 = tpu.memref_squeeze %dma_start3A_124 : memref<1x64x128xf32, #tpu.memory_space<vmem>> -> memref<64x128xf32, #tpu.memory_space<vmem>>
    %dma_start3A_126 = arith.constant 0 : i32
    %dma_start3A_127 = tpu.memref_slice %arg6[%dma_start3A_120, %dma_start3A_126] : memref<32x64xi32, #tpu.memory_space<vmem>> -> memref<1x64xi32, #tpu.memory_space<vmem>>
    %dma_start3A_128 = tpu.memref_squeeze %dma_start3A_127 : memref<1x64xi32, #tpu.memory_space<vmem>> -> memref<64xi32, #tpu.memory_space<vmem>>
    %dma_start3A_129 = arith.constant 0 : i32
    %dma_start3A_130 = arith.constant 0 : i32
    %dma_start3A_131 = tpu.memref_slice %arg4[%dma_start3A_129, %dma_start3A_130] : memref<10240x128xf32, #tpu.memory_space<hbm>> -> memref<10240x128xf32, #tpu.memory_space<hbm>>
    tpu.enqueue_indirect_dma source(%dma_start3A_131 : memref<10240x128xf32, #tpu.memory_space<hbm>>) target(%dma_start3A_125 : memref<64x128xf32, #tpu.memory_space<vmem>>) offsets(%dma_start3A_128 : memref<64xi32, #tpu.memory_space<vmem>>) semaphore(%arg11 : memref<!tpu.dma_semaphore, #tpu.memory_space<semaphore_mem>>)
    %dma_start3A_132 = arith.constant 1 : i32
    %dma_start3A_133 = arith.constant 1 : i32
    %dma_start3A_134 = arith.constant 0 : i32
    %dma_start3A_135 = arith.constant 0 : i32
    %dma_start3A_136 = tpu.memref_slice %arg8[%dma_start3A_133, %dma_start3A_134, %dma_start3A_135] : memref<4x64x128xf32, #tpu.memory_space<vmem>> -> memref<1x64x128xf32, #tpu.memory_space<vmem>>
    %dma_start3A_137 = tpu.memref_squeeze %dma_start3A_136 : memref<1x64x128xf32, #tpu.memory_space<vmem>> -> memref<64x128xf32, #tpu.memory_space<vmem>>
    %dma_start3A_138 = arith.constant 0 : i32
    %dma_start3A_139 = tpu.memref_slice %arg6[%dma_start3A_132, %dma_start3A_138] : memref<32x64xi32, #tpu.memory_space<vmem>> -> memref<1x64xi32, #tpu.memory_space<vmem>>
    %dma_start3A_140 = tpu.memref_squeeze %dma_start3A_139 : memref<1x64xi32, #tpu.memory_space<vmem>> -> memref<64xi32, #tpu.memory_space<vmem>>
    %dma_start3A_141 = arith.constant 0 : i32
    %dma_start3A_142 = arith.constant 0 : i32
    %dma_start3A_143 = tpu.memref_slice %arg4[%dma_start3A_141, %dma_start3A_142] : memref<10240x128xf32, #tpu.memory_space<hbm>> -> memref<10240x128xf32, #tpu.memory_space<hbm>>
    tpu.enqueue_indirect_dma source(%dma_start3A_143 : memref<10240x128xf32, #tpu.memory_space<hbm>>) target(%dma_start3A_137 : memref<64x128xf32, #tpu.memory_space<vmem>>) offsets(%dma_start3A_140 : memref<64xi32, #tpu.memory_space<vmem>>) semaphore(%arg12 : memref<!tpu.dma_semaphore, #tpu.memory_space<semaphore_mem>>)
    %scan3A_144 = arith.constant 0 : i32
    %scan3A_145 = arith.constant 0 : i32
    %scan3A_146 = arith.constant 8 : i32
    %scan3A_147 = arith.addi %scan3A_145, %scan3A_146 : i32
    %scan3A_148 = arith.constant 1 : i32
    scf.for %scan3A_283 = %scan3A_145 to %scan3A_147 step %scan3A_148  : i32 {
      %mul3A_284 = arith.constant 4 : i32
      %mul3A_285 = arith.muli %scan3A_283, %mul3A_284 : i32
      %add3A_286 = arith.constant 0 : i32
      %add3A_287 = arith.addi %mul3A_285, %add3A_286 : i32
      %dma_wait3A_288 = arith.constant 0 : i32
      %dma_wait3A_289 = arith.constant 0 : i32
      %dma_wait3A_290 = arith.constant 0 : i32
      %dma_wait3A_291 = tpu.memref_slice %arg8[%dma_wait3A_288, %dma_wait3A_289, %dma_wait3A_290] : memref<4x64x128xf32, #tpu.memory_space<vmem>> -> memref<1x64x128xf32, #tpu.memory_space<vmem>>
      %dma_wait3A_292 = tpu.memref_squeeze %dma_wait3A_291 : memref<1x64x128xf32, #tpu.memory_space<vmem>> -> memref<64x128xf32, #tpu.memory_space<vmem>>
      %dma_wait3A_293 = arith.constant 0 : i32
      %dma_wait3A_294 = tpu.memref_slice %arg6[%add3A_287, %dma_wait3A_293] : memref<32x64xi32, #tpu.memory_space<vmem>> -> memref<1x64xi32, #tpu.memory_space<vmem>>
      %dma_wait3A_295 = tpu.memref_squeeze %dma_wait3A_294 : memref<1x64xi32, #tpu.memory_space<vmem>> -> memref<64xi32, #tpu.memory_space<vmem>>
      %dma_wait3A_296 = arith.constant 0 : i32
      %dma_wait3A_297 = arith.constant 0 : i32
      %dma_wait3A_298 = tpu.memref_slice %arg4[%dma_wait3A_296, %dma_wait3A_297] : memref<10240x128xf32, #tpu.memory_space<hbm>> -> memref<10240x128xf32, #tpu.memory_space<hbm>>
      tpu.wait_indirect_dma semaphore(%arg11 : memref<!tpu.dma_semaphore, #tpu.memory_space<semaphore_mem>>) src(%dma_wait3A_298 : memref<10240x128xf32, #tpu.memory_space<hbm>>) dst(%dma_wait3A_292 : memref<64x128xf32, #tpu.memory_space<vmem>>)
      %dma_start3A_299 = arith.constant 0 : i32
      %dma_start3A_300 = arith.constant 0 : i32
      %dma_start3A_301 = arith.constant 0 : i32
      %dma_start3A_302 = tpu.memref_slice %arg8[%dma_start3A_299, %dma_start3A_300, %dma_start3A_301] : memref<4x64x128xf32, #tpu.memory_space<vmem>> -> memref<1x64x128xf32, #tpu.memory_space<vmem>>
      %dma_start3A_303 = tpu.memref_squeeze %dma_start3A_302 : memref<1x64x128xf32, #tpu.memory_space<vmem>> -> memref<64x128xf32, #tpu.memory_space<vmem>>
      %dma_start3A_304 = arith.constant 0 : i32
      %dma_start3A_305 = tpu.memref_slice %arg7[%add3A_287, %dma_start3A_304] : memref<32x64xi32, #tpu.memory_space<vmem>> -> memref<1x64xi32, #tpu.memory_space<vmem>>
      %dma_start3A_306 = tpu.memref_squeeze %dma_start3A_305 : memref<1x64xi32, #tpu.memory_space<vmem>> -> memref<64xi32, #tpu.memory_space<vmem>>
      %dma_start3A_307 = arith.constant 0 : i32
      %dma_start3A_308 = arith.constant 0 : i32
      %dma_start3A_309 = tpu.memref_slice %arg10[%dma_start3A_307, %dma_start3A_308] : memref<10240x128xf32, #tpu.memory_space<vmem_shared>> -> memref<10240x128xf32, #tpu.memory_space<vmem_shared>>
      tpu.enqueue_indirect_dma source(%dma_start3A_303 : memref<64x128xf32, #tpu.memory_space<vmem>>) target(%dma_start3A_309 : memref<10240x128xf32, #tpu.memory_space<vmem_shared>>) offsets(%dma_start3A_306 : memref<64xi32, #tpu.memory_space<vmem>>) semaphore(%arg15 : memref<!tpu.dma_semaphore, #tpu.memory_space<semaphore_mem>>) {add = true}
      %ge3A = arith.constant 2 : i32
      %ge3A_310 = arith.cmpi sge, %add3A_287, %ge3A : i32
      %convert_element_type3A = arith.extui %ge3A_310 : i1 to i32
      %cond3A = arith.constant 0 : i32
      %cond3A_311 = arith.cmpi ne, %convert_element_type3A, %cond3A : i32
      scf.if %cond3A_311 {
        %sub3A = arith.constant 2 : i32
        %sub3A_426 = arith.subi %add3A_287, %sub3A : i32
        %dma_wait3A_427 = arith.constant 2 : i32
        %dma_wait3A_428 = arith.constant 0 : i32
        %dma_wait3A_429 = arith.constant 0 : i32
        %dma_wait3A_430 = tpu.memref_slice %arg8[%dma_wait3A_427, %dma_wait3A_428, %dma_wait3A_429] : memref<4x64x128xf32, #tpu.memory_space<vmem>> -> memref<1x64x128xf32, #tpu.memory_space<vmem>>
        %dma_wait3A_431 = tpu.memref_squeeze %dma_wait3A_430 : memref<1x64x128xf32, #tpu.memory_space<vmem>> -> memref<64x128xf32, #tpu.memory_space<vmem>>
        %dma_wait3A_432 = arith.constant 0 : i32
        %dma_wait3A_433 = tpu.memref_slice %arg7[%sub3A_426, %dma_wait3A_432] : memref<32x64xi32, #tpu.memory_space<vmem>> -> memref<1x64xi32, #tpu.memory_space<vmem>>
        %dma_wait3A_434 = tpu.memref_squeeze %dma_wait3A_433 : memref<1x64xi32, #tpu.memory_space<vmem>> -> memref<64xi32, #tpu.memory_space<vmem>>
        %dma_wait3A_435 = arith.constant 0 : i32
        %dma_wait3A_436 = arith.constant 0 : i32
        %dma_wait3A_437 = tpu.memref_slice %arg10[%dma_wait3A_435, %dma_wait3A_436] : memref<10240x128xf32, #tpu.memory_space<vmem_shared>> -> memref<10240x128xf32, #tpu.memory_space<vmem_shared>>
        tpu.wait_indirect_dma semaphore(%arg17 : memref<!tpu.dma_semaphore, #tpu.memory_space<semaphore_mem>>) src(%dma_wait3A_431 : memref<64x128xf32, #tpu.memory_space<vmem>>) dst(%dma_wait3A_437 : memref<10240x128xf32, #tpu.memory_space<vmem_shared>>)
      } else {
      }
      %add3A_312 = arith.constant 2 : i32
      %add3A_313 = arith.addi %add3A_287, %add3A_312 : i32
      %lt3A = arith.constant 32 : i32
      %lt3A_314 = arith.cmpi slt, %add3A_313, %lt3A : i32
      %convert_element_type3A_315 = arith.extui %lt3A_314 : i1 to i32
      %cond3A_316 = arith.constant 0 : i32
      %cond3A_317 = arith.cmpi ne, %convert_element_type3A_315, %cond3A_316 : i32
      scf.if %cond3A_317 {
        %add3A_426 = arith.constant 2 : i32
        %add3A_427 = arith.addi %add3A_287, %add3A_426 : i32
        %dma_start3A_428 = arith.constant 2 : i32
        %dma_start3A_429 = arith.constant 0 : i32
        %dma_start3A_430 = arith.constant 0 : i32
        %dma_start3A_431 = tpu.memref_slice %arg8[%dma_start3A_428, %dma_start3A_429, %dma_start3A_430] : memref<4x64x128xf32, #tpu.memory_space<vmem>> -> memref<1x64x128xf32, #tpu.memory_space<vmem>>
        %dma_start3A_432 = tpu.memref_squeeze %dma_start3A_431 : memref<1x64x128xf32, #tpu.memory_space<vmem>> -> memref<64x128xf32, #tpu.memory_space<vmem>>
        %dma_start3A_433 = arith.constant 0 : i32
        %dma_start3A_434 = tpu.memref_slice %arg6[%add3A_427, %dma_start3A_433] : memref<32x64xi32, #tpu.memory_space<vmem>> -> memref<1x64xi32, #tpu.memory_space<vmem>>
        %dma_start3A_435 = tpu.memref_squeeze %dma_start3A_434 : memref<1x64xi32, #tpu.memory_space<vmem>> -> memref<64xi32, #tpu.memory_space<vmem>>
        %dma_start3A_436 = arith.constant 0 : i32
        %dma_start3A_437 = arith.constant 0 : i32
        %dma_start3A_438 = tpu.memref_slice %arg4[%dma_start3A_436, %dma_start3A_437] : memref<10240x128xf32, #tpu.memory_space<hbm>> -> memref<10240x128xf32, #tpu.memory_space<hbm>>
        tpu.enqueue_indirect_dma source(%dma_start3A_438 : memref<10240x128xf32, #tpu.memory_space<hbm>>) target(%dma_start3A_432 : memref<64x128xf32, #tpu.memory_space<vmem>>) offsets(%dma_start3A_435 : memref<64xi32, #tpu.memory_space<vmem>>) semaphore(%arg13 : memref<!tpu.dma_semaphore, #tpu.memory_space<semaphore_mem>>)
      } else {
      }
      %add3A_318 = arith.constant 1 : i32
      %add3A_319 = arith.addi %mul3A_285, %add3A_318 : i32
      %dma_wait3A_320 = arith.constant 1 : i32
      %dma_wait3A_321 = arith.constant 0 : i32
      %dma_wait3A_322 = arith.constant 0 : i32
      %dma_wait3A_323 = tpu.memref_slice %arg8[%dma_wait3A_320, %dma_wait3A_321, %dma_wait3A_322] : memref<4x64x128xf32, #tpu.memory_space<vmem>> -> memref<1x64x128xf32, #tpu.memory_space<vmem>>
      %dma_wait3A_324 = tpu.memref_squeeze %dma_wait3A_323 : memref<1x64x128xf32, #tpu.memory_space<vmem>> -> memref<64x128xf32, #tpu.memory_space<vmem>>
      %dma_wait3A_325 = arith.constant 0 : i32
      %dma_wait3A_326 = tpu.memref_slice %arg6[%add3A_319, %dma_wait3A_325] : memref<32x64xi32, #tpu.memory_space<vmem>> -> memref<1x64xi32, #tpu.memory_space<vmem>>
      %dma_wait3A_327 = tpu.memref_squeeze %dma_wait3A_326 : memref<1x64xi32, #tpu.memory_space<vmem>> -> memref<64xi32, #tpu.memory_space<vmem>>
      %dma_wait3A_328 = arith.constant 0 : i32
      %dma_wait3A_329 = arith.constant 0 : i32
      %dma_wait3A_330 = tpu.memref_slice %arg4[%dma_wait3A_328, %dma_wait3A_329] : memref<10240x128xf32, #tpu.memory_space<hbm>> -> memref<10240x128xf32, #tpu.memory_space<hbm>>
      tpu.wait_indirect_dma semaphore(%arg12 : memref<!tpu.dma_semaphore, #tpu.memory_space<semaphore_mem>>) src(%dma_wait3A_330 : memref<10240x128xf32, #tpu.memory_space<hbm>>) dst(%dma_wait3A_324 : memref<64x128xf32, #tpu.memory_space<vmem>>)
      %dma_start3A_331 = arith.constant 1 : i32
      %dma_start3A_332 = arith.constant 0 : i32
      %dma_start3A_333 = arith.constant 0 : i32
      %dma_start3A_334 = tpu.memref_slice %arg8[%dma_start3A_331, %dma_start3A_332, %dma_start3A_333] : memref<4x64x128xf32, #tpu.memory_space<vmem>> -> memref<1x64x128xf32, #tpu.memory_space<vmem>>
      %dma_start3A_335 = tpu.memref_squeeze %dma_start3A_334 : memref<1x64x128xf32, #tpu.memory_space<vmem>> -> memref<64x128xf32, #tpu.memory_space<vmem>>
      %dma_start3A_336 = arith.constant 0 : i32
      %dma_start3A_337 = tpu.memref_slice %arg7[%add3A_319, %dma_start3A_336] : memref<32x64xi32, #tpu.memory_space<vmem>> -> memref<1x64xi32, #tpu.memory_space<vmem>>
      %dma_start3A_338 = tpu.memref_squeeze %dma_start3A_337 : memref<1x64xi32, #tpu.memory_space<vmem>> -> memref<64xi32, #tpu.memory_space<vmem>>
      %dma_start3A_339 = arith.constant 0 : i32
      %dma_start3A_340 = arith.constant 0 : i32
      %dma_start3A_341 = tpu.memref_slice %arg10[%dma_start3A_339, %dma_start3A_340] : memref<10240x128xf32, #tpu.memory_space<vmem_shared>> -> memref<10240x128xf32, #tpu.memory_space<vmem_shared>>
      tpu.enqueue_indirect_dma source(%dma_start3A_335 : memref<64x128xf32, #tpu.memory_space<vmem>>) target(%dma_start3A_341 : memref<10240x128xf32, #tpu.memory_space<vmem_shared>>) offsets(%dma_start3A_338 : memref<64xi32, #tpu.memory_space<vmem>>) semaphore(%arg16 : memref<!tpu.dma_semaphore, #tpu.memory_space<semaphore_mem>>) {add = true}
      %ge3A_342 = arith.constant 2 : i32
      %ge3A_343 = arith.cmpi sge, %add3A_319, %ge3A_342 : i32
      %convert_element_type3A_344 = arith.extui %ge3A_343 : i1 to i32
      %cond3A_345 = arith.constant 0 : i32
      %cond3A_346 = arith.cmpi ne, %convert_element_type3A_344, %cond3A_345 : i32
      scf.if %cond3A_346 {
        %sub3A = arith.constant 2 : i32
        %sub3A_426 = arith.subi %add3A_319, %sub3A : i32
        %dma_wait3A_427 = arith.constant 3 : i32
        %dma_wait3A_428 = arith.constant 0 : i32
        %dma_wait3A_429 = arith.constant 0 : i32
        %dma_wait3A_430 = tpu.memref_slice %arg8[%dma_wait3A_427, %dma_wait3A_428, %dma_wait3A_429] : memref<4x64x128xf32, #tpu.memory_space<vmem>> -> memref<1x64x128xf32, #tpu.memory_space<vmem>>
        %dma_wait3A_431 = tpu.memref_squeeze %dma_wait3A_430 : memref<1x64x128xf32, #tpu.memory_space<vmem>> -> memref<64x128xf32, #tpu.memory_space<vmem>>
        %dma_wait3A_432 = arith.constant 0 : i32
        %dma_wait3A_433 = tpu.memref_slice %arg7[%sub3A_426, %dma_wait3A_432] : memref<32x64xi32, #tpu.memory_space<vmem>> -> memref<1x64xi32, #tpu.memory_space<vmem>>
        %dma_wait3A_434 = tpu.memref_squeeze %dma_wait3A_433 : memref<1x64xi32, #tpu.memory_space<vmem>> -> memref<64xi32, #tpu.memory_space<vmem>>
        %dma_wait3A_435 = arith.constant 0 : i32
        %dma_wait3A_436 = arith.constant 0 : i32
        %dma_wait3A_437 = tpu.memref_slice %arg10[%dma_wait3A_435, %dma_wait3A_436] : memref<10240x128xf32, #tpu.memory_space<vmem_shared>> -> memref<10240x128xf32, #tpu.memory_space<vmem_shared>>
        tpu.wait_indirect_dma semaphore(%arg18 : memref<!tpu.dma_semaphore, #tpu.memory_space<semaphore_mem>>) src(%dma_wait3A_431 : memref<64x128xf32, #tpu.memory_space<vmem>>) dst(%dma_wait3A_437 : memref<10240x128xf32, #tpu.memory_space<vmem_shared>>)
      } else {
      }
      %add3A_347 = arith.constant 2 : i32
      %add3A_348 = arith.addi %add3A_319, %add3A_347 : i32
      %lt3A_349 = arith.constant 32 : i32
      %lt3A_350 = arith.cmpi slt, %add3A_348, %lt3A_349 : i32
      %convert_element_type3A_351 = arith.extui %lt3A_350 : i1 to i32
      %cond3A_352 = arith.constant 0 : i32
      %cond3A_353 = arith.cmpi ne, %convert_element_type3A_351, %cond3A_352 : i32
      scf.if %cond3A_353 {
        %add3A_426 = arith.constant 2 : i32
        %add3A_427 = arith.addi %add3A_319, %add3A_426 : i32
        %dma_start3A_428 = arith.constant 3 : i32
        %dma_start3A_429 = arith.constant 0 : i32
        %dma_start3A_430 = arith.constant 0 : i32
        %dma_start3A_431 = tpu.memref_slice %arg8[%dma_start3A_428, %dma_start3A_429, %dma_start3A_430] : memref<4x64x128xf32, #tpu.memory_space<vmem>> -> memref<1x64x128xf32, #tpu.memory_space<vmem>>
        %dma_start3A_432 = tpu.memref_squeeze %dma_start3A_431 : memref<1x64x128xf32, #tpu.memory_space<vmem>> -> memref<64x128xf32, #tpu.memory_space<vmem>>
        %dma_start3A_433 = arith.constant 0 : i32
        %dma_start3A_434 = tpu.memref_slice %arg6[%add3A_427, %dma_start3A_433] : memref<32x64xi32, #tpu.memory_space<vmem>> -> memref<1x64xi32, #tpu.memory_space<vmem>>
        %dma_start3A_435 = tpu.memref_squeeze %dma_start3A_434 : memref<1x64xi32, #tpu.memory_space<vmem>> -> memref<64xi32, #tpu.memory_space<vmem>>
        %dma_start3A_436 = arith.constant 0 : i32
        %dma_start3A_437 = arith.constant 0 : i32
        %dma_start3A_438 = tpu.memref_slice %arg4[%dma_start3A_436, %dma_start3A_437] : memref<10240x128xf32, #tpu.memory_space<hbm>> -> memref<10240x128xf32, #tpu.memory_space<hbm>>
        tpu.enqueue_indirect_dma source(%dma_start3A_438 : memref<10240x128xf32, #tpu.memory_space<hbm>>) target(%dma_start3A_432 : memref<64x128xf32, #tpu.memory_space<vmem>>) offsets(%dma_start3A_435 : memref<64xi32, #tpu.memory_space<vmem>>) semaphore(%arg14 : memref<!tpu.dma_semaphore, #tpu.memory_space<semaphore_mem>>)
      } else {
      }
      %add3A_354 = arith.constant 2 : i32
      %add3A_355 = arith.addi %mul3A_285, %add3A_354 : i32
      %dma_wait3A_356 = arith.constant 2 : i32
      %dma_wait3A_357 = arith.constant 0 : i32
      %dma_wait3A_358 = arith.constant 0 : i32
      %dma_wait3A_359 = tpu.memref_slice %arg8[%dma_wait3A_356, %dma_wait3A_357, %dma_wait3A_358] : memref<4x64x128xf32, #tpu.memory_space<vmem>> -> memref<1x64x128xf32, #tpu.memory_space<vmem>>
      %dma_wait3A_360 = tpu.memref_squeeze %dma_wait3A_359 : memref<1x64x128xf32, #tpu.memory_space<vmem>> -> memref<64x128xf32, #tpu.memory_space<vmem>>
      %dma_wait3A_361 = arith.constant 0 : i32
      %dma_wait3A_362 = tpu.memref_slice %arg6[%add3A_355, %dma_wait3A_361] : memref<32x64xi32, #tpu.memory_space<vmem>> -> memref<1x64xi32, #tpu.memory_space<vmem>>
      %dma_wait3A_363 = tpu.memref_squeeze %dma_wait3A_362 : memref<1x64xi32, #tpu.memory_space<vmem>> -> memref<64xi32, #tpu.memory_space<vmem>>
      %dma_wait3A_364 = arith.constant 0 : i32
      %dma_wait3A_365 = arith.constant 0 : i32
      %dma_wait3A_366 = tpu.memref_slice %arg4[%dma_wait3A_364, %dma_wait3A_365] : memref<10240x128xf32, #tpu.memory_space<hbm>> -> memref<10240x128xf32, #tpu.memory_space<hbm>>
      tpu.wait_indirect_dma semaphore(%arg13 : memref<!tpu.dma_semaphore, #tpu.memory_space<semaphore_mem>>) src(%dma_wait3A_366 : memref<10240x128xf32, #tpu.memory_space<hbm>>) dst(%dma_wait3A_360 : memref<64x128xf32, #tpu.memory_space<vmem>>)
      %dma_start3A_367 = arith.constant 2 : i32
      %dma_start3A_368 = arith.constant 0 : i32
      %dma_start3A_369 = arith.constant 0 : i32
      %dma_start3A_370 = tpu.memref_slice %arg8[%dma_start3A_367, %dma_start3A_368, %dma_start3A_369] : memref<4x64x128xf32, #tpu.memory_space<vmem>> -> memref<1x64x128xf32, #tpu.memory_space<vmem>>
      %dma_start3A_371 = tpu.memref_squeeze %dma_start3A_370 : memref<1x64x128xf32, #tpu.memory_space<vmem>> -> memref<64x128xf32, #tpu.memory_space<vmem>>
      %dma_start3A_372 = arith.constant 0 : i32
      %dma_start3A_373 = tpu.memref_slice %arg7[%add3A_355, %dma_start3A_372] : memref<32x64xi32, #tpu.memory_space<vmem>> -> memref<1x64xi32, #tpu.memory_space<vmem>>
      %dma_start3A_374 = tpu.memref_squeeze %dma_start3A_373 : memref<1x64xi32, #tpu.memory_space<vmem>> -> memref<64xi32, #tpu.memory_space<vmem>>
      %dma_start3A_375 = arith.constant 0 : i32
      %dma_start3A_376 = arith.constant 0 : i32
      %dma_start3A_377 = tpu.memref_slice %arg10[%dma_start3A_375, %dma_start3A_376] : memref<10240x128xf32, #tpu.memory_space<vmem_shared>> -> memref<10240x128xf32, #tpu.memory_space<vmem_shared>>
      tpu.enqueue_indirect_dma source(%dma_start3A_371 : memref<64x128xf32, #tpu.memory_space<vmem>>) target(%dma_start3A_377 : memref<10240x128xf32, #tpu.memory_space<vmem_shared>>) offsets(%dma_start3A_374 : memref<64xi32, #tpu.memory_space<vmem>>) semaphore(%arg17 : memref<!tpu.dma_semaphore, #tpu.memory_space<semaphore_mem>>) {add = true}
      %ge3A_378 = arith.constant 2 : i32
      %ge3A_379 = arith.cmpi sge, %add3A_355, %ge3A_378 : i32
      %convert_element_type3A_380 = arith.extui %ge3A_379 : i1 to i32
      %cond3A_381 = arith.constant 0 : i32
      %cond3A_382 = arith.cmpi ne, %convert_element_type3A_380, %cond3A_381 : i32
      scf.if %cond3A_382 {
        %sub3A = arith.constant 2 : i32
        %sub3A_426 = arith.subi %add3A_355, %sub3A : i32
        %dma_wait3A_427 = arith.constant 0 : i32
        %dma_wait3A_428 = arith.constant 0 : i32
        %dma_wait3A_429 = arith.constant 0 : i32
        %dma_wait3A_430 = tpu.memref_slice %arg8[%dma_wait3A_427, %dma_wait3A_428, %dma_wait3A_429] : memref<4x64x128xf32, #tpu.memory_space<vmem>> -> memref<1x64x128xf32, #tpu.memory_space<vmem>>
        %dma_wait3A_431 = tpu.memref_squeeze %dma_wait3A_430 : memref<1x64x128xf32, #tpu.memory_space<vmem>> -> memref<64x128xf32, #tpu.memory_space<vmem>>
        %dma_wait3A_432 = arith.constant 0 : i32
        %dma_wait3A_433 = tpu.memref_slice %arg7[%sub3A_426, %dma_wait3A_432] : memref<32x64xi32, #tpu.memory_space<vmem>> -> memref<1x64xi32, #tpu.memory_space<vmem>>
        %dma_wait3A_434 = tpu.memref_squeeze %dma_wait3A_433 : memref<1x64xi32, #tpu.memory_space<vmem>> -> memref<64xi32, #tpu.memory_space<vmem>>
        %dma_wait3A_435 = arith.constant 0 : i32
        %dma_wait3A_436 = arith.constant 0 : i32
        %dma_wait3A_437 = tpu.memref_slice %arg10[%dma_wait3A_435, %dma_wait3A_436] : memref<10240x128xf32, #tpu.memory_space<vmem_shared>> -> memref<10240x128xf32, #tpu.memory_space<vmem_shared>>
        tpu.wait_indirect_dma semaphore(%arg15 : memref<!tpu.dma_semaphore, #tpu.memory_space<semaphore_mem>>) src(%dma_wait3A_431 : memref<64x128xf32, #tpu.memory_space<vmem>>) dst(%dma_wait3A_437 : memref<10240x128xf32, #tpu.memory_space<vmem_shared>>)
      } else {
      }
      %add3A_383 = arith.constant 2 : i32
      %add3A_384 = arith.addi %add3A_355, %add3A_383 : i32
      %lt3A_385 = arith.constant 32 : i32
      %lt3A_386 = arith.cmpi slt, %add3A_384, %lt3A_385 : i32
      %convert_element_type3A_387 = arith.extui %lt3A_386 : i1 to i32
      %cond3A_388 = arith.constant 0 : i32
      %cond3A_389 = arith.cmpi ne, %convert_element_type3A_387, %cond3A_388 : i32
      scf.if %cond3A_389 {
        %add3A_426 = arith.constant 2 : i32
        %add3A_427 = arith.addi %add3A_355, %add3A_426 : i32
        %dma_start3A_428 = arith.constant 0 : i32
        %dma_start3A_429 = arith.constant 0 : i32
        %dma_start3A_430 = arith.constant 0 : i32
        %dma_start3A_431 = tpu.memref_slice %arg8[%dma_start3A_428, %dma_start3A_429, %dma_start3A_430] : memref<4x64x128xf32, #tpu.memory_space<vmem>> -> memref<1x64x128xf32, #tpu.memory_space<vmem>>
        %dma_start3A_432 = tpu.memref_squeeze %dma_start3A_431 : memref<1x64x128xf32, #tpu.memory_space<vmem>> -> memref<64x128xf32, #tpu.memory_space<vmem>>
        %dma_start3A_433 = arith.constant 0 : i32
        %dma_start3A_434 = tpu.memref_slice %arg6[%add3A_427, %dma_start3A_433] : memref<32x64xi32, #tpu.memory_space<vmem>> -> memref<1x64xi32, #tpu.memory_space<vmem>>
        %dma_start3A_435 = tpu.memref_squeeze %dma_start3A_434 : memref<1x64xi32, #tpu.memory_space<vmem>> -> memref<64xi32, #tpu.memory_space<vmem>>
        %dma_start3A_436 = arith.constant 0 : i32
        %dma_start3A_437 = arith.constant 0 : i32
        %dma_start3A_438 = tpu.memref_slice %arg4[%dma_start3A_436, %dma_start3A_437] : memref<10240x128xf32, #tpu.memory_space<hbm>> -> memref<10240x128xf32, #tpu.memory_space<hbm>>
        tpu.enqueue_indirect_dma source(%dma_start3A_438 : memref<10240x128xf32, #tpu.memory_space<hbm>>) target(%dma_start3A_432 : memref<64x128xf32, #tpu.memory_space<vmem>>) offsets(%dma_start3A_435 : memref<64xi32, #tpu.memory_space<vmem>>) semaphore(%arg11 : memref<!tpu.dma_semaphore, #tpu.memory_space<semaphore_mem>>)
      } else {
      }
      %add3A_390 = arith.constant 3 : i32
      %add3A_391 = arith.addi %mul3A_285, %add3A_390 : i32
      %dma_wait3A_392 = arith.constant 3 : i32
      %dma_wait3A_393 = arith.constant 0 : i32
      %dma_wait3A_394 = arith.constant 0 : i32
      %dma_wait3A_395 = tpu.memref_slice %arg8[%dma_wait3A_392, %dma_wait3A_393, %dma_wait3A_394] : memref<4x64x128xf32, #tpu.memory_space<vmem>> -> memref<1x64x128xf32, #tpu.memory_space<vmem>>
      %dma_wait3A_396 = tpu.memref_squeeze %dma_wait3A_395 : memref<1x64x128xf32, #tpu.memory_space<vmem>> -> memref<64x128xf32, #tpu.memory_space<vmem>>
      %dma_wait3A_397 = arith.constant 0 : i32
      %dma_wait3A_398 = tpu.memref_slice %arg6[%add3A_391, %dma_wait3A_397] : memref<32x64xi32, #tpu.memory_space<vmem>> -> memref<1x64xi32, #tpu.memory_space<vmem>>
      %dma_wait3A_399 = tpu.memref_squeeze %dma_wait3A_398 : memref<1x64xi32, #tpu.memory_space<vmem>> -> memref<64xi32, #tpu.memory_space<vmem>>
      %dma_wait3A_400 = arith.constant 0 : i32
      %dma_wait3A_401 = arith.constant 0 : i32
      %dma_wait3A_402 = tpu.memref_slice %arg4[%dma_wait3A_400, %dma_wait3A_401] : memref<10240x128xf32, #tpu.memory_space<hbm>> -> memref<10240x128xf32, #tpu.memory_space<hbm>>
      tpu.wait_indirect_dma semaphore(%arg14 : memref<!tpu.dma_semaphore, #tpu.memory_space<semaphore_mem>>) src(%dma_wait3A_402 : memref<10240x128xf32, #tpu.memory_space<hbm>>) dst(%dma_wait3A_396 : memref<64x128xf32, #tpu.memory_space<vmem>>)
      %dma_start3A_403 = arith.constant 3 : i32
      %dma_start3A_404 = arith.constant 0 : i32
      %dma_start3A_405 = arith.constant 0 : i32
      %dma_start3A_406 = tpu.memref_slice %arg8[%dma_start3A_403, %dma_start3A_404, %dma_start3A_405] : memref<4x64x128xf32, #tpu.memory_space<vmem>> -> memref<1x64x128xf32, #tpu.memory_space<vmem>>
      %dma_start3A_407 = tpu.memref_squeeze %dma_start3A_406 : memref<1x64x128xf32, #tpu.memory_space<vmem>> -> memref<64x128xf32, #tpu.memory_space<vmem>>
      %dma_start3A_408 = arith.constant 0 : i32
      %dma_start3A_409 = tpu.memref_slice %arg7[%add3A_391, %dma_start3A_408] : memref<32x64xi32, #tpu.memory_space<vmem>> -> memref<1x64xi32, #tpu.memory_space<vmem>>
      %dma_start3A_410 = tpu.memref_squeeze %dma_start3A_409 : memref<1x64xi32, #tpu.memory_space<vmem>> -> memref<64xi32, #tpu.memory_space<vmem>>
      %dma_start3A_411 = arith.constant 0 : i32
      %dma_start3A_412 = arith.constant 0 : i32
      %dma_start3A_413 = tpu.memref_slice %arg10[%dma_start3A_411, %dma_start3A_412] : memref<10240x128xf32, #tpu.memory_space<vmem_shared>> -> memref<10240x128xf32, #tpu.memory_space<vmem_shared>>
      tpu.enqueue_indirect_dma source(%dma_start3A_407 : memref<64x128xf32, #tpu.memory_space<vmem>>) target(%dma_start3A_413 : memref<10240x128xf32, #tpu.memory_space<vmem_shared>>) offsets(%dma_start3A_410 : memref<64xi32, #tpu.memory_space<vmem>>) semaphore(%arg18 : memref<!tpu.dma_semaphore, #tpu.memory_space<semaphore_mem>>) {add = true}
      %ge3A_414 = arith.constant 2 : i32
      %ge3A_415 = arith.cmpi sge, %add3A_391, %ge3A_414 : i32
      %convert_element_type3A_416 = arith.extui %ge3A_415 : i1 to i32
      %cond3A_417 = arith.constant 0 : i32
      %cond3A_418 = arith.cmpi ne, %convert_element_type3A_416, %cond3A_417 : i32
      scf.if %cond3A_418 {
        %sub3A = arith.constant 2 : i32
        %sub3A_426 = arith.subi %add3A_391, %sub3A : i32
        %dma_wait3A_427 = arith.constant 1 : i32
        %dma_wait3A_428 = arith.constant 0 : i32
        %dma_wait3A_429 = arith.constant 0 : i32
        %dma_wait3A_430 = tpu.memref_slice %arg8[%dma_wait3A_427, %dma_wait3A_428, %dma_wait3A_429] : memref<4x64x128xf32, #tpu.memory_space<vmem>> -> memref<1x64x128xf32, #tpu.memory_space<vmem>>
        %dma_wait3A_431 = tpu.memref_squeeze %dma_wait3A_430 : memref<1x64x128xf32, #tpu.memory_space<vmem>> -> memref<64x128xf32, #tpu.memory_space<vmem>>
        %dma_wait3A_432 = arith.constant 0 : i32
        %dma_wait3A_433 = tpu.memref_slice %arg7[%sub3A_426, %dma_wait3A_432] : memref<32x64xi32, #tpu.memory_space<vmem>> -> memref<1x64xi32, #tpu.memory_space<vmem>>
        %dma_wait3A_434 = tpu.memref_squeeze %dma_wait3A_433 : memref<1x64xi32, #tpu.memory_space<vmem>> -> memref<64xi32, #tpu.memory_space<vmem>>
        %dma_wait3A_435 = arith.constant 0 : i32
        %dma_wait3A_436 = arith.constant 0 : i32
        %dma_wait3A_437 = tpu.memref_slice %arg10[%dma_wait3A_435, %dma_wait3A_436] : memref<10240x128xf32, #tpu.memory_space<vmem_shared>> -> memref<10240x128xf32, #tpu.memory_space<vmem_shared>>
        tpu.wait_indirect_dma semaphore(%arg16 : memref<!tpu.dma_semaphore, #tpu.memory_space<semaphore_mem>>) src(%dma_wait3A_431 : memref<64x128xf32, #tpu.memory_space<vmem>>) dst(%dma_wait3A_437 : memref<10240x128xf32, #tpu.memory_space<vmem_shared>>)
      } else {
      }
      %add3A_419 = arith.constant 2 : i32
      %add3A_420 = arith.addi %add3A_391, %add3A_419 : i32
      %lt3A_421 = arith.constant 32 : i32
      %lt3A_422 = arith.cmpi slt, %add3A_420, %lt3A_421 : i32
      %convert_element_type3A_423 = arith.extui %lt3A_422 : i1 to i32
      %cond3A_424 = arith.constant 0 : i32
      %cond3A_425 = arith.cmpi ne, %convert_element_type3A_423, %cond3A_424 : i32
      scf.if %cond3A_425 {
        %add3A_426 = arith.constant 2 : i32
        %add3A_427 = arith.addi %add3A_391, %add3A_426 : i32
        %dma_start3A_428 = arith.constant 1 : i32
        %dma_start3A_429 = arith.constant 0 : i32
        %dma_start3A_430 = arith.constant 0 : i32
        %dma_start3A_431 = tpu.memref_slice %arg8[%dma_start3A_428, %dma_start3A_429, %dma_start3A_430] : memref<4x64x128xf32, #tpu.memory_space<vmem>> -> memref<1x64x128xf32, #tpu.memory_space<vmem>>
        %dma_start3A_432 = tpu.memref_squeeze %dma_start3A_431 : memref<1x64x128xf32, #tpu.memory_space<vmem>> -> memref<64x128xf32, #tpu.memory_space<vmem>>
        %dma_start3A_433 = arith.constant 0 : i32
        %dma_start3A_434 = tpu.memref_slice %arg6[%add3A_427, %dma_start3A_433] : memref<32x64xi32, #tpu.memory_space<vmem>> -> memref<1x64xi32, #tpu.memory_space<vmem>>
        %dma_start3A_435 = tpu.memref_squeeze %dma_start3A_434 : memref<1x64xi32, #tpu.memory_space<vmem>> -> memref<64xi32, #tpu.memory_space<vmem>>
        %dma_start3A_436 = arith.constant 0 : i32
        %dma_start3A_437 = arith.constant 0 : i32
        %dma_start3A_438 = tpu.memref_slice %arg4[%dma_start3A_436, %dma_start3A_437] : memref<10240x128xf32, #tpu.memory_space<hbm>> -> memref<10240x128xf32, #tpu.memory_space<hbm>>
        tpu.enqueue_indirect_dma source(%dma_start3A_438 : memref<10240x128xf32, #tpu.memory_space<hbm>>) target(%dma_start3A_432 : memref<64x128xf32, #tpu.memory_space<vmem>>) offsets(%dma_start3A_435 : memref<64xi32, #tpu.memory_space<vmem>>) semaphore(%arg12 : memref<!tpu.dma_semaphore, #tpu.memory_space<semaphore_mem>>)
      } else {
      }
    }
    %scan3A_149 = arith.constant 8 : i32
    %dma_wait3A_150 = arith.constant 2 : i32
    %dma_wait3A_151 = arith.constant 30 : i32
    %dma_wait3A_152 = arith.constant 0 : i32
    %dma_wait3A_153 = arith.constant 0 : i32
    %dma_wait3A_154 = tpu.memref_slice %arg8[%dma_wait3A_150, %dma_wait3A_152, %dma_wait3A_153] : memref<4x64x128xf32, #tpu.memory_space<vmem>> -> memref<1x64x128xf32, #tpu.memory_space<vmem>>
    %dma_wait3A_155 = tpu.memref_squeeze %dma_wait3A_154 : memref<1x64x128xf32, #tpu.memory_space<vmem>> -> memref<64x128xf32, #tpu.memory_space<vmem>>
    %dma_wait3A_156 = arith.constant 0 : i32
    %dma_wait3A_157 = tpu.memref_slice %arg7[%dma_wait3A_151, %dma_wait3A_156] : memref<32x64xi32, #tpu.memory_space<vmem>> -> memref<1x64xi32, #tpu.memory_space<vmem>>
    %dma_wait3A_158 = tpu.memref_squeeze %dma_wait3A_157 : memref<1x64xi32, #tpu.memory_space<vmem>> -> memref<64xi32, #tpu.memory_space<vmem>>
    %dma_wait3A_159 = arith.constant 0 : i32
    %dma_wait3A_160 = arith.constant 0 : i32
    %dma_wait3A_161 = tpu.memref_slice %arg10[%dma_wait3A_159, %dma_wait3A_160] : memref<10240x128xf32, #tpu.memory_space<vmem_shared>> -> memref<10240x128xf32, #tpu.memory_space<vmem_shared>>
    tpu.wait_indirect_dma semaphore(%arg17 : memref<!tpu.dma_semaphore, #tpu.memory_space<semaphore_mem>>) src(%dma_wait3A_155 : memref<64x128xf32, #tpu.memory_space<vmem>>) dst(%dma_wait3A_161 : memref<10240x128xf32, #tpu.memory_space<vmem_shared>>)
    %dma_wait3A_162 = arith.constant 3 : i32
    %dma_wait3A_163 = arith.constant 31 : i32
    %dma_wait3A_164 = arith.constant 0 : i32
    %dma_wait3A_165 = arith.constant 0 : i32
    %dma_wait3A_166 = tpu.memref_slice %arg8[%dma_wait3A_162, %dma_wait3A_164, %dma_wait3A_165] : memref<4x64x128xf32, #tpu.memory_space<vmem>> -> memref<1x64x128xf32, #tpu.memory_space<vmem>>
    %dma_wait3A_167 = tpu.memref_squeeze %dma_wait3A_166 : memref<1x64x128xf32, #tpu.memory_space<vmem>> -> memref<64x128xf32, #tpu.memory_space<vmem>>
    %dma_wait3A_168 = arith.constant 0 : i32
    %dma_wait3A_169 = tpu.memref_slice %arg7[%dma_wait3A_163, %dma_wait3A_168] : memref<32x64xi32, #tpu.memory_space<vmem>> -> memref<1x64xi32, #tpu.memory_space<vmem>>
    %dma_wait3A_170 = tpu.memref_squeeze %dma_wait3A_169 : memref<1x64xi32, #tpu.memory_space<vmem>> -> memref<64xi32, #tpu.memory_space<vmem>>
    %dma_wait3A_171 = arith.constant 0 : i32
    %dma_wait3A_172 = arith.constant 0 : i32
    %dma_wait3A_173 = tpu.memref_slice %arg10[%dma_wait3A_171, %dma_wait3A_172] : memref<10240x128xf32, #tpu.memory_space<vmem_shared>> -> memref<10240x128xf32, #tpu.memory_space<vmem_shared>>
    tpu.wait_indirect_dma semaphore(%arg18 : memref<!tpu.dma_semaphore, #tpu.memory_space<semaphore_mem>>) src(%dma_wait3A_167 : memref<64x128xf32, #tpu.memory_space<vmem>>) dst(%dma_wait3A_173 : memref<10240x128xf32, #tpu.memory_space<vmem_shared>>)
    "tpu.region"() ({
      %run_scoped3A = tpu.sem_alloc : memref<!tpu.dma_semaphore, #tpu.memory_space<semaphore_mem>>
      %dma_start3A_283 = arith.constant 96 : i32
      %dma_start3A_284 = arith.constant 0 : i32
      %dma_start3A_285 = tpu.memref_slice %arg2[%add3A, %dma_start3A_283, %dma_start3A_284] : memref<32x160x64xi32, #tpu.memory_space<hbm>> -> memref<1x32x64xi32, #tpu.memory_space<hbm>>
      %dma_start3A_286 = tpu.memref_squeeze %dma_start3A_285 : memref<1x32x64xi32, #tpu.memory_space<hbm>> -> memref<32x64xi32, #tpu.memory_space<hbm>>
      %dma_start3A_287 = arith.constant 96 : i32
      %dma_start3A_288 = arith.constant 0 : i32
      %dma_start3A_289 = tpu.memref_slice %arg2[%add3A, %dma_start3A_287, %dma_start3A_288] : memref<32x160x64xi32, #tpu.memory_space<hbm>> -> memref<1x32x64xi32, #tpu.memory_space<hbm>>
      %dma_start3A_290 = tpu.memref_squeeze %dma_start3A_289 : memref<1x32x64xi32, #tpu.memory_space<hbm>> -> memref<32x64xi32, #tpu.memory_space<hbm>>
      tpu.enqueue_dma source(%dma_start3A_290 : memref<32x64xi32, #tpu.memory_space<hbm>>) target(%arg6 : memref<32x64xi32, #tpu.memory_space<vmem>>) target_semaphore(%run_scoped3A : memref<!tpu.dma_semaphore, #tpu.memory_space<semaphore_mem>>)
      %dma_wait3A_291 = arith.constant 96 : i32
      %dma_wait3A_292 = arith.constant 0 : i32
      %dma_wait3A_293 = tpu.memref_slice %arg2[%add3A, %dma_wait3A_291, %dma_wait3A_292] : memref<32x160x64xi32, #tpu.memory_space<hbm>> -> memref<1x32x64xi32, #tpu.memory_space<hbm>>
      %dma_wait3A_294 = tpu.memref_squeeze %dma_wait3A_293 : memref<1x32x64xi32, #tpu.memory_space<hbm>> -> memref<32x64xi32, #tpu.memory_space<hbm>>
      %dma_wait3A_295 = arith.constant 96 : i32
      %dma_wait3A_296 = arith.constant 0 : i32
      %dma_wait3A_297 = tpu.memref_slice %arg2[%add3A, %dma_wait3A_295, %dma_wait3A_296] : memref<32x160x64xi32, #tpu.memory_space<hbm>> -> memref<1x32x64xi32, #tpu.memory_space<hbm>>
      %dma_wait3A_298 = tpu.memref_squeeze %dma_wait3A_297 : memref<1x32x64xi32, #tpu.memory_space<hbm>> -> memref<32x64xi32, #tpu.memory_space<hbm>>
      tpu.wait_dma2 semaphore(%run_scoped3A : memref<!tpu.dma_semaphore, #tpu.memory_space<semaphore_mem>>) src(%dma_wait3A_298 : memref<32x64xi32, #tpu.memory_space<hbm>>) dst(%arg6 : memref<32x64xi32, #tpu.memory_space<vmem>>)
      tpu.yield
    }) : () -> ()
    "tpu.region"() ({
      %run_scoped3A = tpu.sem_alloc : memref<!tpu.dma_semaphore, #tpu.memory_space<semaphore_mem>>
      %dma_start3A_283 = arith.constant 96 : i32
      %dma_start3A_284 = arith.constant 0 : i32
      %dma_start3A_285 = tpu.memref_slice %arg3[%add3A, %dma_start3A_283, %dma_start3A_284] : memref<32x160x64xi32, #tpu.memory_space<hbm>> -> memref<1x32x64xi32, #tpu.memory_space<hbm>>
      %dma_start3A_286 = tpu.memref_squeeze %dma_start3A_285 : memref<1x32x64xi32, #tpu.memory_space<hbm>> -> memref<32x64xi32, #tpu.memory_space<hbm>>
      %dma_start3A_287 = arith.constant 96 : i32
      %dma_start3A_288 = arith.constant 0 : i32
      %dma_start3A_289 = tpu.memref_slice %arg3[%add3A, %dma_start3A_287, %dma_start3A_288] : memref<32x160x64xi32, #tpu.memory_space<hbm>> -> memref<1x32x64xi32, #tpu.memory_space<hbm>>
      %dma_start3A_290 = tpu.memref_squeeze %dma_start3A_289 : memref<1x32x64xi32, #tpu.memory_space<hbm>> -> memref<32x64xi32, #tpu.memory_space<hbm>>
      tpu.enqueue_dma source(%dma_start3A_290 : memref<32x64xi32, #tpu.memory_space<hbm>>) target(%arg7 : memref<32x64xi32, #tpu.memory_space<vmem>>) target_semaphore(%run_scoped3A : memref<!tpu.dma_semaphore, #tpu.memory_space<semaphore_mem>>)
      %dma_wait3A_291 = arith.constant 96 : i32
      %dma_wait3A_292 = arith.constant 0 : i32
      %dma_wait3A_293 = tpu.memref_slice %arg3[%add3A, %dma_wait3A_291, %dma_wait3A_292] : memref<32x160x64xi32, #tpu.memory_space<hbm>> -> memref<1x32x64xi32, #tpu.memory_space<hbm>>
      %dma_wait3A_294 = tpu.memref_squeeze %dma_wait3A_293 : memref<1x32x64xi32, #tpu.memory_space<hbm>> -> memref<32x64xi32, #tpu.memory_space<hbm>>
      %dma_wait3A_295 = arith.constant 96 : i32
      %dma_wait3A_296 = arith.constant 0 : i32
      %dma_wait3A_297 = tpu.memref_slice %arg3[%add3A, %dma_wait3A_295, %dma_wait3A_296] : memref<32x160x64xi32, #tpu.memory_space<hbm>> -> memref<1x32x64xi32, #tpu.memory_space<hbm>>
      %dma_wait3A_298 = tpu.memref_squeeze %dma_wait3A_297 : memref<1x32x64xi32, #tpu.memory_space<hbm>> -> memref<32x64xi32, #tpu.memory_space<hbm>>
      tpu.wait_dma2 semaphore(%run_scoped3A : memref<!tpu.dma_semaphore, #tpu.memory_space<semaphore_mem>>) src(%dma_wait3A_298 : memref<32x64xi32, #tpu.memory_space<hbm>>) dst(%arg7 : memref<32x64xi32, #tpu.memory_space<vmem>>)
      tpu.yield
    }) : () -> ()
    %dma_start3A_174 = arith.constant 0 : i32
    %dma_start3A_175 = arith.constant 0 : i32
    %dma_start3A_176 = arith.constant 0 : i32
    %dma_start3A_177 = arith.constant 0 : i32
    %dma_start3A_178 = tpu.memref_slice %arg8[%dma_start3A_175, %dma_start3A_176, %dma_start3A_177] : memref<4x64x128xf32, #tpu.memory_space<vmem>> -> memref<1x64x128xf32, #tpu.memory_space<vmem>>
    %dma_start3A_179 = tpu.memref_squeeze %dma_start3A_178 : memref<1x64x128xf32, #tpu.memory_space<vmem>> -> memref<64x128xf32, #tpu.memory_space<vmem>>
    %dma_start3A_180 = arith.constant 0 : i32
    %dma_start3A_181 = tpu.memref_slice %arg6[%dma_start3A_174, %dma_start3A_180] : memref<32x64xi32, #tpu.memory_space<vmem>> -> memref<1x64xi32, #tpu.memory_space<vmem>>
    %dma_start3A_182 = tpu.memref_squeeze %dma_start3A_181 : memref<1x64xi32, #tpu.memory_space<vmem>> -> memref<64xi32, #tpu.memory_space<vmem>>
    %dma_start3A_183 = arith.constant 0 : i32
    %dma_start3A_184 = arith.constant 0 : i32
    %dma_start3A_185 = tpu.memref_slice %arg4[%dma_start3A_183, %dma_start3A_184] : memref<10240x128xf32, #tpu.memory_space<hbm>> -> memref<10240x128xf32, #tpu.memory_space<hbm>>
    tpu.enqueue_indirect_dma source(%dma_start3A_185 : memref<10240x128xf32, #tpu.memory_space<hbm>>) target(%dma_start3A_179 : memref<64x128xf32, #tpu.memory_space<vmem>>) offsets(%dma_start3A_182 : memref<64xi32, #tpu.memory_space<vmem>>) semaphore(%arg11 : memref<!tpu.dma_semaphore, #tpu.memory_space<semaphore_mem>>)
    %dma_start3A_186 = arith.constant 1 : i32
    %dma_start3A_187 = arith.constant 1 : i32
    %dma_start3A_188 = arith.constant 0 : i32
    %dma_start3A_189 = arith.constant 0 : i32
    %dma_start3A_190 = tpu.memref_slice %arg8[%dma_start3A_187, %dma_start3A_188, %dma_start3A_189] : memref<4x64x128xf32, #tpu.memory_space<vmem>> -> memref<1x64x128xf32, #tpu.memory_space<vmem>>
    %dma_start3A_191 = tpu.memref_squeeze %dma_start3A_190 : memref<1x64x128xf32, #tpu.memory_space<vmem>> -> memref<64x128xf32, #tpu.memory_space<vmem>>
    %dma_start3A_192 = arith.constant 0 : i32
    %dma_start3A_193 = tpu.memref_slice %arg6[%dma_start3A_186, %dma_start3A_192] : memref<32x64xi32, #tpu.memory_space<vmem>> -> memref<1x64xi32, #tpu.memory_space<vmem>>
    %dma_start3A_194 = tpu.memref_squeeze %dma_start3A_193 : memref<1x64xi32, #tpu.memory_space<vmem>> -> memref<64xi32, #tpu.memory_space<vmem>>
    %dma_start3A_195 = arith.constant 0 : i32
    %dma_start3A_196 = arith.constant 0 : i32
    %dma_start3A_197 = tpu.memref_slice %arg4[%dma_start3A_195, %dma_start3A_196] : memref<10240x128xf32, #tpu.memory_space<hbm>> -> memref<10240x128xf32, #tpu.memory_space<hbm>>
    tpu.enqueue_indirect_dma source(%dma_start3A_197 : memref<10240x128xf32, #tpu.memory_space<hbm>>) target(%dma_start3A_191 : memref<64x128xf32, #tpu.memory_space<vmem>>) offsets(%dma_start3A_194 : memref<64xi32, #tpu.memory_space<vmem>>) semaphore(%arg12 : memref<!tpu.dma_semaphore, #tpu.memory_space<semaphore_mem>>)
    %scan3A_198 = arith.constant 0 : i32
    %scan3A_199 = arith.constant 0 : i32
    %scan3A_200 = arith.constant 8 : i32
    %scan3A_201 = arith.addi %scan3A_199, %scan3A_200 : i32
    %scan3A_202 = arith.constant 1 : i32
    scf.for %scan3A_283 = %scan3A_199 to %scan3A_201 step %scan3A_202  : i32 {
      %mul3A_284 = arith.constant 4 : i32
      %mul3A_285 = arith.muli %scan3A_283, %mul3A_284 : i32
      %add3A_286 = arith.constant 0 : i32
      %add3A_287 = arith.addi %mul3A_285, %add3A_286 : i32
      %dma_wait3A_288 = arith.constant 0 : i32
      %dma_wait3A_289 = arith.constant 0 : i32
      %dma_wait3A_290 = arith.constant 0 : i32
      %dma_wait3A_291 = tpu.memref_slice %arg8[%dma_wait3A_288, %dma_wait3A_289, %dma_wait3A_290] : memref<4x64x128xf32, #tpu.memory_space<vmem>> -> memref<1x64x128xf32, #tpu.memory_space<vmem>>
      %dma_wait3A_292 = tpu.memref_squeeze %dma_wait3A_291 : memref<1x64x128xf32, #tpu.memory_space<vmem>> -> memref<64x128xf32, #tpu.memory_space<vmem>>
      %dma_wait3A_293 = arith.constant 0 : i32
      %dma_wait3A_294 = tpu.memref_slice %arg6[%add3A_287, %dma_wait3A_293] : memref<32x64xi32, #tpu.memory_space<vmem>> -> memref<1x64xi32, #tpu.memory_space<vmem>>
      %dma_wait3A_295 = tpu.memref_squeeze %dma_wait3A_294 : memref<1x64xi32, #tpu.memory_space<vmem>> -> memref<64xi32, #tpu.memory_space<vmem>>
      %dma_wait3A_296 = arith.constant 0 : i32
      %dma_wait3A_297 = arith.constant 0 : i32
      %dma_wait3A_298 = tpu.memref_slice %arg4[%dma_wait3A_296, %dma_wait3A_297] : memref<10240x128xf32, #tpu.memory_space<hbm>> -> memref<10240x128xf32, #tpu.memory_space<hbm>>
      tpu.wait_indirect_dma semaphore(%arg11 : memref<!tpu.dma_semaphore, #tpu.memory_space<semaphore_mem>>) src(%dma_wait3A_298 : memref<10240x128xf32, #tpu.memory_space<hbm>>) dst(%dma_wait3A_292 : memref<64x128xf32, #tpu.memory_space<vmem>>)
      %dma_start3A_299 = arith.constant 0 : i32
      %dma_start3A_300 = arith.constant 0 : i32
      %dma_start3A_301 = arith.constant 0 : i32
      %dma_start3A_302 = tpu.memref_slice %arg8[%dma_start3A_299, %dma_start3A_300, %dma_start3A_301] : memref<4x64x128xf32, #tpu.memory_space<vmem>> -> memref<1x64x128xf32, #tpu.memory_space<vmem>>
      %dma_start3A_303 = tpu.memref_squeeze %dma_start3A_302 : memref<1x64x128xf32, #tpu.memory_space<vmem>> -> memref<64x128xf32, #tpu.memory_space<vmem>>
      %dma_start3A_304 = arith.constant 0 : i32
      %dma_start3A_305 = tpu.memref_slice %arg7[%add3A_287, %dma_start3A_304] : memref<32x64xi32, #tpu.memory_space<vmem>> -> memref<1x64xi32, #tpu.memory_space<vmem>>
      %dma_start3A_306 = tpu.memref_squeeze %dma_start3A_305 : memref<1x64xi32, #tpu.memory_space<vmem>> -> memref<64xi32, #tpu.memory_space<vmem>>
      %dma_start3A_307 = arith.constant 0 : i32
      %dma_start3A_308 = arith.constant 0 : i32
      %dma_start3A_309 = tpu.memref_slice %arg10[%dma_start3A_307, %dma_start3A_308] : memref<10240x128xf32, #tpu.memory_space<vmem_shared>> -> memref<10240x128xf32, #tpu.memory_space<vmem_shared>>
      tpu.enqueue_indirect_dma source(%dma_start3A_303 : memref<64x128xf32, #tpu.memory_space<vmem>>) target(%dma_start3A_309 : memref<10240x128xf32, #tpu.memory_space<vmem_shared>>) offsets(%dma_start3A_306 : memref<64xi32, #tpu.memory_space<vmem>>) semaphore(%arg15 : memref<!tpu.dma_semaphore, #tpu.memory_space<semaphore_mem>>) {add = true}
      %ge3A = arith.constant 2 : i32
      %ge3A_310 = arith.cmpi sge, %add3A_287, %ge3A : i32
      %convert_element_type3A = arith.extui %ge3A_310 : i1 to i32
      %cond3A = arith.constant 0 : i32
      %cond3A_311 = arith.cmpi ne, %convert_element_type3A, %cond3A : i32
      scf.if %cond3A_311 {
        %sub3A = arith.constant 2 : i32
        %sub3A_426 = arith.subi %add3A_287, %sub3A : i32
        %dma_wait3A_427 = arith.constant 2 : i32
        %dma_wait3A_428 = arith.constant 0 : i32
        %dma_wait3A_429 = arith.constant 0 : i32
        %dma_wait3A_430 = tpu.memref_slice %arg8[%dma_wait3A_427, %dma_wait3A_428, %dma_wait3A_429] : memref<4x64x128xf32, #tpu.memory_space<vmem>> -> memref<1x64x128xf32, #tpu.memory_space<vmem>>
        %dma_wait3A_431 = tpu.memref_squeeze %dma_wait3A_430 : memref<1x64x128xf32, #tpu.memory_space<vmem>> -> memref<64x128xf32, #tpu.memory_space<vmem>>
        %dma_wait3A_432 = arith.constant 0 : i32
        %dma_wait3A_433 = tpu.memref_slice %arg7[%sub3A_426, %dma_wait3A_432] : memref<32x64xi32, #tpu.memory_space<vmem>> -> memref<1x64xi32, #tpu.memory_space<vmem>>
        %dma_wait3A_434 = tpu.memref_squeeze %dma_wait3A_433 : memref<1x64xi32, #tpu.memory_space<vmem>> -> memref<64xi32, #tpu.memory_space<vmem>>
        %dma_wait3A_435 = arith.constant 0 : i32
        %dma_wait3A_436 = arith.constant 0 : i32
        %dma_wait3A_437 = tpu.memref_slice %arg10[%dma_wait3A_435, %dma_wait3A_436] : memref<10240x128xf32, #tpu.memory_space<vmem_shared>> -> memref<10240x128xf32, #tpu.memory_space<vmem_shared>>
        tpu.wait_indirect_dma semaphore(%arg17 : memref<!tpu.dma_semaphore, #tpu.memory_space<semaphore_mem>>) src(%dma_wait3A_431 : memref<64x128xf32, #tpu.memory_space<vmem>>) dst(%dma_wait3A_437 : memref<10240x128xf32, #tpu.memory_space<vmem_shared>>)
      } else {
      }
      %add3A_312 = arith.constant 2 : i32
      %add3A_313 = arith.addi %add3A_287, %add3A_312 : i32
      %lt3A = arith.constant 32 : i32
      %lt3A_314 = arith.cmpi slt, %add3A_313, %lt3A : i32
      %convert_element_type3A_315 = arith.extui %lt3A_314 : i1 to i32
      %cond3A_316 = arith.constant 0 : i32
      %cond3A_317 = arith.cmpi ne, %convert_element_type3A_315, %cond3A_316 : i32
      scf.if %cond3A_317 {
        %add3A_426 = arith.constant 2 : i32
        %add3A_427 = arith.addi %add3A_287, %add3A_426 : i32
        %dma_start3A_428 = arith.constant 2 : i32
        %dma_start3A_429 = arith.constant 0 : i32
        %dma_start3A_430 = arith.constant 0 : i32
        %dma_start3A_431 = tpu.memref_slice %arg8[%dma_start3A_428, %dma_start3A_429, %dma_start3A_430] : memref<4x64x128xf32, #tpu.memory_space<vmem>> -> memref<1x64x128xf32, #tpu.memory_space<vmem>>
        %dma_start3A_432 = tpu.memref_squeeze %dma_start3A_431 : memref<1x64x128xf32, #tpu.memory_space<vmem>> -> memref<64x128xf32, #tpu.memory_space<vmem>>
        %dma_start3A_433 = arith.constant 0 : i32
        %dma_start3A_434 = tpu.memref_slice %arg6[%add3A_427, %dma_start3A_433] : memref<32x64xi32, #tpu.memory_space<vmem>> -> memref<1x64xi32, #tpu.memory_space<vmem>>
        %dma_start3A_435 = tpu.memref_squeeze %dma_start3A_434 : memref<1x64xi32, #tpu.memory_space<vmem>> -> memref<64xi32, #tpu.memory_space<vmem>>
        %dma_start3A_436 = arith.constant 0 : i32
        %dma_start3A_437 = arith.constant 0 : i32
        %dma_start3A_438 = tpu.memref_slice %arg4[%dma_start3A_436, %dma_start3A_437] : memref<10240x128xf32, #tpu.memory_space<hbm>> -> memref<10240x128xf32, #tpu.memory_space<hbm>>
        tpu.enqueue_indirect_dma source(%dma_start3A_438 : memref<10240x128xf32, #tpu.memory_space<hbm>>) target(%dma_start3A_432 : memref<64x128xf32, #tpu.memory_space<vmem>>) offsets(%dma_start3A_435 : memref<64xi32, #tpu.memory_space<vmem>>) semaphore(%arg13 : memref<!tpu.dma_semaphore, #tpu.memory_space<semaphore_mem>>)
      } else {
      }
      %add3A_318 = arith.constant 1 : i32
      %add3A_319 = arith.addi %mul3A_285, %add3A_318 : i32
      %dma_wait3A_320 = arith.constant 1 : i32
      %dma_wait3A_321 = arith.constant 0 : i32
      %dma_wait3A_322 = arith.constant 0 : i32
      %dma_wait3A_323 = tpu.memref_slice %arg8[%dma_wait3A_320, %dma_wait3A_321, %dma_wait3A_322] : memref<4x64x128xf32, #tpu.memory_space<vmem>> -> memref<1x64x128xf32, #tpu.memory_space<vmem>>
      %dma_wait3A_324 = tpu.memref_squeeze %dma_wait3A_323 : memref<1x64x128xf32, #tpu.memory_space<vmem>> -> memref<64x128xf32, #tpu.memory_space<vmem>>
      %dma_wait3A_325 = arith.constant 0 : i32
      %dma_wait3A_326 = tpu.memref_slice %arg6[%add3A_319, %dma_wait3A_325] : memref<32x64xi32, #tpu.memory_space<vmem>> -> memref<1x64xi32, #tpu.memory_space<vmem>>
      %dma_wait3A_327 = tpu.memref_squeeze %dma_wait3A_326 : memref<1x64xi32, #tpu.memory_space<vmem>> -> memref<64xi32, #tpu.memory_space<vmem>>
      %dma_wait3A_328 = arith.constant 0 : i32
      %dma_wait3A_329 = arith.constant 0 : i32
      %dma_wait3A_330 = tpu.memref_slice %arg4[%dma_wait3A_328, %dma_wait3A_329] : memref<10240x128xf32, #tpu.memory_space<hbm>> -> memref<10240x128xf32, #tpu.memory_space<hbm>>
      tpu.wait_indirect_dma semaphore(%arg12 : memref<!tpu.dma_semaphore, #tpu.memory_space<semaphore_mem>>) src(%dma_wait3A_330 : memref<10240x128xf32, #tpu.memory_space<hbm>>) dst(%dma_wait3A_324 : memref<64x128xf32, #tpu.memory_space<vmem>>)
      %dma_start3A_331 = arith.constant 1 : i32
      %dma_start3A_332 = arith.constant 0 : i32
      %dma_start3A_333 = arith.constant 0 : i32
      %dma_start3A_334 = tpu.memref_slice %arg8[%dma_start3A_331, %dma_start3A_332, %dma_start3A_333] : memref<4x64x128xf32, #tpu.memory_space<vmem>> -> memref<1x64x128xf32, #tpu.memory_space<vmem>>
      %dma_start3A_335 = tpu.memref_squeeze %dma_start3A_334 : memref<1x64x128xf32, #tpu.memory_space<vmem>> -> memref<64x128xf32, #tpu.memory_space<vmem>>
      %dma_start3A_336 = arith.constant 0 : i32
      %dma_start3A_337 = tpu.memref_slice %arg7[%add3A_319, %dma_start3A_336] : memref<32x64xi32, #tpu.memory_space<vmem>> -> memref<1x64xi32, #tpu.memory_space<vmem>>
      %dma_start3A_338 = tpu.memref_squeeze %dma_start3A_337 : memref<1x64xi32, #tpu.memory_space<vmem>> -> memref<64xi32, #tpu.memory_space<vmem>>
      %dma_start3A_339 = arith.constant 0 : i32
      %dma_start3A_340 = arith.constant 0 : i32
      %dma_start3A_341 = tpu.memref_slice %arg10[%dma_start3A_339, %dma_start3A_340] : memref<10240x128xf32, #tpu.memory_space<vmem_shared>> -> memref<10240x128xf32, #tpu.memory_space<vmem_shared>>
      tpu.enqueue_indirect_dma source(%dma_start3A_335 : memref<64x128xf32, #tpu.memory_space<vmem>>) target(%dma_start3A_341 : memref<10240x128xf32, #tpu.memory_space<vmem_shared>>) offsets(%dma_start3A_338 : memref<64xi32, #tpu.memory_space<vmem>>) semaphore(%arg16 : memref<!tpu.dma_semaphore, #tpu.memory_space<semaphore_mem>>) {add = true}
      %ge3A_342 = arith.constant 2 : i32
      %ge3A_343 = arith.cmpi sge, %add3A_319, %ge3A_342 : i32
      %convert_element_type3A_344 = arith.extui %ge3A_343 : i1 to i32
      %cond3A_345 = arith.constant 0 : i32
      %cond3A_346 = arith.cmpi ne, %convert_element_type3A_344, %cond3A_345 : i32
      scf.if %cond3A_346 {
        %sub3A = arith.constant 2 : i32
        %sub3A_426 = arith.subi %add3A_319, %sub3A : i32
        %dma_wait3A_427 = arith.constant 3 : i32
        %dma_wait3A_428 = arith.constant 0 : i32
        %dma_wait3A_429 = arith.constant 0 : i32
        %dma_wait3A_430 = tpu.memref_slice %arg8[%dma_wait3A_427, %dma_wait3A_428, %dma_wait3A_429] : memref<4x64x128xf32, #tpu.memory_space<vmem>> -> memref<1x64x128xf32, #tpu.memory_space<vmem>>
        %dma_wait3A_431 = tpu.memref_squeeze %dma_wait3A_430 : memref<1x64x128xf32, #tpu.memory_space<vmem>> -> memref<64x128xf32, #tpu.memory_space<vmem>>
        %dma_wait3A_432 = arith.constant 0 : i32
        %dma_wait3A_433 = tpu.memref_slice %arg7[%sub3A_426, %dma_wait3A_432] : memref<32x64xi32, #tpu.memory_space<vmem>> -> memref<1x64xi32, #tpu.memory_space<vmem>>
        %dma_wait3A_434 = tpu.memref_squeeze %dma_wait3A_433 : memref<1x64xi32, #tpu.memory_space<vmem>> -> memref<64xi32, #tpu.memory_space<vmem>>
        %dma_wait3A_435 = arith.constant 0 : i32
        %dma_wait3A_436 = arith.constant 0 : i32
        %dma_wait3A_437 = tpu.memref_slice %arg10[%dma_wait3A_435, %dma_wait3A_436] : memref<10240x128xf32, #tpu.memory_space<vmem_shared>> -> memref<10240x128xf32, #tpu.memory_space<vmem_shared>>
        tpu.wait_indirect_dma semaphore(%arg18 : memref<!tpu.dma_semaphore, #tpu.memory_space<semaphore_mem>>) src(%dma_wait3A_431 : memref<64x128xf32, #tpu.memory_space<vmem>>) dst(%dma_wait3A_437 : memref<10240x128xf32, #tpu.memory_space<vmem_shared>>)
      } else {
      }
      %add3A_347 = arith.constant 2 : i32
      %add3A_348 = arith.addi %add3A_319, %add3A_347 : i32
      %lt3A_349 = arith.constant 32 : i32
      %lt3A_350 = arith.cmpi slt, %add3A_348, %lt3A_349 : i32
      %convert_element_type3A_351 = arith.extui %lt3A_350 : i1 to i32
      %cond3A_352 = arith.constant 0 : i32
      %cond3A_353 = arith.cmpi ne, %convert_element_type3A_351, %cond3A_352 : i32
      scf.if %cond3A_353 {
        %add3A_426 = arith.constant 2 : i32
        %add3A_427 = arith.addi %add3A_319, %add3A_426 : i32
        %dma_start3A_428 = arith.constant 3 : i32
        %dma_start3A_429 = arith.constant 0 : i32
        %dma_start3A_430 = arith.constant 0 : i32
        %dma_start3A_431 = tpu.memref_slice %arg8[%dma_start3A_428, %dma_start3A_429, %dma_start3A_430] : memref<4x64x128xf32, #tpu.memory_space<vmem>> -> memref<1x64x128xf32, #tpu.memory_space<vmem>>
        %dma_start3A_432 = tpu.memref_squeeze %dma_start3A_431 : memref<1x64x128xf32, #tpu.memory_space<vmem>> -> memref<64x128xf32, #tpu.memory_space<vmem>>
        %dma_start3A_433 = arith.constant 0 : i32
        %dma_start3A_434 = tpu.memref_slice %arg6[%add3A_427, %dma_start3A_433] : memref<32x64xi32, #tpu.memory_space<vmem>> -> memref<1x64xi32, #tpu.memory_space<vmem>>
        %dma_start3A_435 = tpu.memref_squeeze %dma_start3A_434 : memref<1x64xi32, #tpu.memory_space<vmem>> -> memref<64xi32, #tpu.memory_space<vmem>>
        %dma_start3A_436 = arith.constant 0 : i32
        %dma_start3A_437 = arith.constant 0 : i32
        %dma_start3A_438 = tpu.memref_slice %arg4[%dma_start3A_436, %dma_start3A_437] : memref<10240x128xf32, #tpu.memory_space<hbm>> -> memref<10240x128xf32, #tpu.memory_space<hbm>>
        tpu.enqueue_indirect_dma source(%dma_start3A_438 : memref<10240x128xf32, #tpu.memory_space<hbm>>) target(%dma_start3A_432 : memref<64x128xf32, #tpu.memory_space<vmem>>) offsets(%dma_start3A_435 : memref<64xi32, #tpu.memory_space<vmem>>) semaphore(%arg14 : memref<!tpu.dma_semaphore, #tpu.memory_space<semaphore_mem>>)
      } else {
      }
      %add3A_354 = arith.constant 2 : i32
      %add3A_355 = arith.addi %mul3A_285, %add3A_354 : i32
      %dma_wait3A_356 = arith.constant 2 : i32
      %dma_wait3A_357 = arith.constant 0 : i32
      %dma_wait3A_358 = arith.constant 0 : i32
      %dma_wait3A_359 = tpu.memref_slice %arg8[%dma_wait3A_356, %dma_wait3A_357, %dma_wait3A_358] : memref<4x64x128xf32, #tpu.memory_space<vmem>> -> memref<1x64x128xf32, #tpu.memory_space<vmem>>
      %dma_wait3A_360 = tpu.memref_squeeze %dma_wait3A_359 : memref<1x64x128xf32, #tpu.memory_space<vmem>> -> memref<64x128xf32, #tpu.memory_space<vmem>>
      %dma_wait3A_361 = arith.constant 0 : i32
      %dma_wait3A_362 = tpu.memref_slice %arg6[%add3A_355, %dma_wait3A_361] : memref<32x64xi32, #tpu.memory_space<vmem>> -> memref<1x64xi32, #tpu.memory_space<vmem>>
      %dma_wait3A_363 = tpu.memref_squeeze %dma_wait3A_362 : memref<1x64xi32, #tpu.memory_space<vmem>> -> memref<64xi32, #tpu.memory_space<vmem>>
      %dma_wait3A_364 = arith.constant 0 : i32
      %dma_wait3A_365 = arith.constant 0 : i32
      %dma_wait3A_366 = tpu.memref_slice %arg4[%dma_wait3A_364, %dma_wait3A_365] : memref<10240x128xf32, #tpu.memory_space<hbm>> -> memref<10240x128xf32, #tpu.memory_space<hbm>>
      tpu.wait_indirect_dma semaphore(%arg13 : memref<!tpu.dma_semaphore, #tpu.memory_space<semaphore_mem>>) src(%dma_wait3A_366 : memref<10240x128xf32, #tpu.memory_space<hbm>>) dst(%dma_wait3A_360 : memref<64x128xf32, #tpu.memory_space<vmem>>)
      %dma_start3A_367 = arith.constant 2 : i32
      %dma_start3A_368 = arith.constant 0 : i32
      %dma_start3A_369 = arith.constant 0 : i32
      %dma_start3A_370 = tpu.memref_slice %arg8[%dma_start3A_367, %dma_start3A_368, %dma_start3A_369] : memref<4x64x128xf32, #tpu.memory_space<vmem>> -> memref<1x64x128xf32, #tpu.memory_space<vmem>>
      %dma_start3A_371 = tpu.memref_squeeze %dma_start3A_370 : memref<1x64x128xf32, #tpu.memory_space<vmem>> -> memref<64x128xf32, #tpu.memory_space<vmem>>
      %dma_start3A_372 = arith.constant 0 : i32
      %dma_start3A_373 = tpu.memref_slice %arg7[%add3A_355, %dma_start3A_372] : memref<32x64xi32, #tpu.memory_space<vmem>> -> memref<1x64xi32, #tpu.memory_space<vmem>>
      %dma_start3A_374 = tpu.memref_squeeze %dma_start3A_373 : memref<1x64xi32, #tpu.memory_space<vmem>> -> memref<64xi32, #tpu.memory_space<vmem>>
      %dma_start3A_375 = arith.constant 0 : i32
      %dma_start3A_376 = arith.constant 0 : i32
      %dma_start3A_377 = tpu.memref_slice %arg10[%dma_start3A_375, %dma_start3A_376] : memref<10240x128xf32, #tpu.memory_space<vmem_shared>> -> memref<10240x128xf32, #tpu.memory_space<vmem_shared>>
      tpu.enqueue_indirect_dma source(%dma_start3A_371 : memref<64x128xf32, #tpu.memory_space<vmem>>) target(%dma_start3A_377 : memref<10240x128xf32, #tpu.memory_space<vmem_shared>>) offsets(%dma_start3A_374 : memref<64xi32, #tpu.memory_space<vmem>>) semaphore(%arg17 : memref<!tpu.dma_semaphore, #tpu.memory_space<semaphore_mem>>) {add = true}
      %ge3A_378 = arith.constant 2 : i32
      %ge3A_379 = arith.cmpi sge, %add3A_355, %ge3A_378 : i32
      %convert_element_type3A_380 = arith.extui %ge3A_379 : i1 to i32
      %cond3A_381 = arith.constant 0 : i32
      %cond3A_382 = arith.cmpi ne, %convert_element_type3A_380, %cond3A_381 : i32
      scf.if %cond3A_382 {
        %sub3A = arith.constant 2 : i32
        %sub3A_426 = arith.subi %add3A_355, %sub3A : i32
        %dma_wait3A_427 = arith.constant 0 : i32
        %dma_wait3A_428 = arith.constant 0 : i32
        %dma_wait3A_429 = arith.constant 0 : i32
        %dma_wait3A_430 = tpu.memref_slice %arg8[%dma_wait3A_427, %dma_wait3A_428, %dma_wait3A_429] : memref<4x64x128xf32, #tpu.memory_space<vmem>> -> memref<1x64x128xf32, #tpu.memory_space<vmem>>
        %dma_wait3A_431 = tpu.memref_squeeze %dma_wait3A_430 : memref<1x64x128xf32, #tpu.memory_space<vmem>> -> memref<64x128xf32, #tpu.memory_space<vmem>>
        %dma_wait3A_432 = arith.constant 0 : i32
        %dma_wait3A_433 = tpu.memref_slice %arg7[%sub3A_426, %dma_wait3A_432] : memref<32x64xi32, #tpu.memory_space<vmem>> -> memref<1x64xi32, #tpu.memory_space<vmem>>
        %dma_wait3A_434 = tpu.memref_squeeze %dma_wait3A_433 : memref<1x64xi32, #tpu.memory_space<vmem>> -> memref<64xi32, #tpu.memory_space<vmem>>
        %dma_wait3A_435 = arith.constant 0 : i32
        %dma_wait3A_436 = arith.constant 0 : i32
        %dma_wait3A_437 = tpu.memref_slice %arg10[%dma_wait3A_435, %dma_wait3A_436] : memref<10240x128xf32, #tpu.memory_space<vmem_shared>> -> memref<10240x128xf32, #tpu.memory_space<vmem_shared>>
        tpu.wait_indirect_dma semaphore(%arg15 : memref<!tpu.dma_semaphore, #tpu.memory_space<semaphore_mem>>) src(%dma_wait3A_431 : memref<64x128xf32, #tpu.memory_space<vmem>>) dst(%dma_wait3A_437 : memref<10240x128xf32, #tpu.memory_space<vmem_shared>>)
      } else {
      }
      %add3A_383 = arith.constant 2 : i32
      %add3A_384 = arith.addi %add3A_355, %add3A_383 : i32
      %lt3A_385 = arith.constant 32 : i32
      %lt3A_386 = arith.cmpi slt, %add3A_384, %lt3A_385 : i32
      %convert_element_type3A_387 = arith.extui %lt3A_386 : i1 to i32
      %cond3A_388 = arith.constant 0 : i32
      %cond3A_389 = arith.cmpi ne, %convert_element_type3A_387, %cond3A_388 : i32
      scf.if %cond3A_389 {
        %add3A_426 = arith.constant 2 : i32
        %add3A_427 = arith.addi %add3A_355, %add3A_426 : i32
        %dma_start3A_428 = arith.constant 0 : i32
        %dma_start3A_429 = arith.constant 0 : i32
        %dma_start3A_430 = arith.constant 0 : i32
        %dma_start3A_431 = tpu.memref_slice %arg8[%dma_start3A_428, %dma_start3A_429, %dma_start3A_430] : memref<4x64x128xf32, #tpu.memory_space<vmem>> -> memref<1x64x128xf32, #tpu.memory_space<vmem>>
        %dma_start3A_432 = tpu.memref_squeeze %dma_start3A_431 : memref<1x64x128xf32, #tpu.memory_space<vmem>> -> memref<64x128xf32, #tpu.memory_space<vmem>>
        %dma_start3A_433 = arith.constant 0 : i32
        %dma_start3A_434 = tpu.memref_slice %arg6[%add3A_427, %dma_start3A_433] : memref<32x64xi32, #tpu.memory_space<vmem>> -> memref<1x64xi32, #tpu.memory_space<vmem>>
        %dma_start3A_435 = tpu.memref_squeeze %dma_start3A_434 : memref<1x64xi32, #tpu.memory_space<vmem>> -> memref<64xi32, #tpu.memory_space<vmem>>
        %dma_start3A_436 = arith.constant 0 : i32
        %dma_start3A_437 = arith.constant 0 : i32
        %dma_start3A_438 = tpu.memref_slice %arg4[%dma_start3A_436, %dma_start3A_437] : memref<10240x128xf32, #tpu.memory_space<hbm>> -> memref<10240x128xf32, #tpu.memory_space<hbm>>
        tpu.enqueue_indirect_dma source(%dma_start3A_438 : memref<10240x128xf32, #tpu.memory_space<hbm>>) target(%dma_start3A_432 : memref<64x128xf32, #tpu.memory_space<vmem>>) offsets(%dma_start3A_435 : memref<64xi32, #tpu.memory_space<vmem>>) semaphore(%arg11 : memref<!tpu.dma_semaphore, #tpu.memory_space<semaphore_mem>>)
      } else {
      }
      %add3A_390 = arith.constant 3 : i32
      %add3A_391 = arith.addi %mul3A_285, %add3A_390 : i32
      %dma_wait3A_392 = arith.constant 3 : i32
      %dma_wait3A_393 = arith.constant 0 : i32
      %dma_wait3A_394 = arith.constant 0 : i32
      %dma_wait3A_395 = tpu.memref_slice %arg8[%dma_wait3A_392, %dma_wait3A_393, %dma_wait3A_394] : memref<4x64x128xf32, #tpu.memory_space<vmem>> -> memref<1x64x128xf32, #tpu.memory_space<vmem>>
      %dma_wait3A_396 = tpu.memref_squeeze %dma_wait3A_395 : memref<1x64x128xf32, #tpu.memory_space<vmem>> -> memref<64x128xf32, #tpu.memory_space<vmem>>
      %dma_wait3A_397 = arith.constant 0 : i32
      %dma_wait3A_398 = tpu.memref_slice %arg6[%add3A_391, %dma_wait3A_397] : memref<32x64xi32, #tpu.memory_space<vmem>> -> memref<1x64xi32, #tpu.memory_space<vmem>>
      %dma_wait3A_399 = tpu.memref_squeeze %dma_wait3A_398 : memref<1x64xi32, #tpu.memory_space<vmem>> -> memref<64xi32, #tpu.memory_space<vmem>>
      %dma_wait3A_400 = arith.constant 0 : i32
      %dma_wait3A_401 = arith.constant 0 : i32
      %dma_wait3A_402 = tpu.memref_slice %arg4[%dma_wait3A_400, %dma_wait3A_401] : memref<10240x128xf32, #tpu.memory_space<hbm>> -> memref<10240x128xf32, #tpu.memory_space<hbm>>
      tpu.wait_indirect_dma semaphore(%arg14 : memref<!tpu.dma_semaphore, #tpu.memory_space<semaphore_mem>>) src(%dma_wait3A_402 : memref<10240x128xf32, #tpu.memory_space<hbm>>) dst(%dma_wait3A_396 : memref<64x128xf32, #tpu.memory_space<vmem>>)
      %dma_start3A_403 = arith.constant 3 : i32
      %dma_start3A_404 = arith.constant 0 : i32
      %dma_start3A_405 = arith.constant 0 : i32
      %dma_start3A_406 = tpu.memref_slice %arg8[%dma_start3A_403, %dma_start3A_404, %dma_start3A_405] : memref<4x64x128xf32, #tpu.memory_space<vmem>> -> memref<1x64x128xf32, #tpu.memory_space<vmem>>
      %dma_start3A_407 = tpu.memref_squeeze %dma_start3A_406 : memref<1x64x128xf32, #tpu.memory_space<vmem>> -> memref<64x128xf32, #tpu.memory_space<vmem>>
      %dma_start3A_408 = arith.constant 0 : i32
      %dma_start3A_409 = tpu.memref_slice %arg7[%add3A_391, %dma_start3A_408] : memref<32x64xi32, #tpu.memory_space<vmem>> -> memref<1x64xi32, #tpu.memory_space<vmem>>
      %dma_start3A_410 = tpu.memref_squeeze %dma_start3A_409 : memref<1x64xi32, #tpu.memory_space<vmem>> -> memref<64xi32, #tpu.memory_space<vmem>>
      %dma_start3A_411 = arith.constant 0 : i32
      %dma_start3A_412 = arith.constant 0 : i32
      %dma_start3A_413 = tpu.memref_slice %arg10[%dma_start3A_411, %dma_start3A_412] : memref<10240x128xf32, #tpu.memory_space<vmem_shared>> -> memref<10240x128xf32, #tpu.memory_space<vmem_shared>>
      tpu.enqueue_indirect_dma source(%dma_start3A_407 : memref<64x128xf32, #tpu.memory_space<vmem>>) target(%dma_start3A_413 : memref<10240x128xf32, #tpu.memory_space<vmem_shared>>) offsets(%dma_start3A_410 : memref<64xi32, #tpu.memory_space<vmem>>) semaphore(%arg18 : memref<!tpu.dma_semaphore, #tpu.memory_space<semaphore_mem>>) {add = true}
      %ge3A_414 = arith.constant 2 : i32
      %ge3A_415 = arith.cmpi sge, %add3A_391, %ge3A_414 : i32
      %convert_element_type3A_416 = arith.extui %ge3A_415 : i1 to i32
      %cond3A_417 = arith.constant 0 : i32
      %cond3A_418 = arith.cmpi ne, %convert_element_type3A_416, %cond3A_417 : i32
      scf.if %cond3A_418 {
        %sub3A = arith.constant 2 : i32
        %sub3A_426 = arith.subi %add3A_391, %sub3A : i32
        %dma_wait3A_427 = arith.constant 1 : i32
        %dma_wait3A_428 = arith.constant 0 : i32
        %dma_wait3A_429 = arith.constant 0 : i32
        %dma_wait3A_430 = tpu.memref_slice %arg8[%dma_wait3A_427, %dma_wait3A_428, %dma_wait3A_429] : memref<4x64x128xf32, #tpu.memory_space<vmem>> -> memref<1x64x128xf32, #tpu.memory_space<vmem>>
        %dma_wait3A_431 = tpu.memref_squeeze %dma_wait3A_430 : memref<1x64x128xf32, #tpu.memory_space<vmem>> -> memref<64x128xf32, #tpu.memory_space<vmem>>
        %dma_wait3A_432 = arith.constant 0 : i32
        %dma_wait3A_433 = tpu.memref_slice %arg7[%sub3A_426, %dma_wait3A_432] : memref<32x64xi32, #tpu.memory_space<vmem>> -> memref<1x64xi32, #tpu.memory_space<vmem>>
        %dma_wait3A_434 = tpu.memref_squeeze %dma_wait3A_433 : memref<1x64xi32, #tpu.memory_space<vmem>> -> memref<64xi32, #tpu.memory_space<vmem>>
        %dma_wait3A_435 = arith.constant 0 : i32
        %dma_wait3A_436 = arith.constant 0 : i32
        %dma_wait3A_437 = tpu.memref_slice %arg10[%dma_wait3A_435, %dma_wait3A_436] : memref<10240x128xf32, #tpu.memory_space<vmem_shared>> -> memref<10240x128xf32, #tpu.memory_space<vmem_shared>>
        tpu.wait_indirect_dma semaphore(%arg16 : memref<!tpu.dma_semaphore, #tpu.memory_space<semaphore_mem>>) src(%dma_wait3A_431 : memref<64x128xf32, #tpu.memory_space<vmem>>) dst(%dma_wait3A_437 : memref<10240x128xf32, #tpu.memory_space<vmem_shared>>)
      } else {
      }
      %add3A_419 = arith.constant 2 : i32
      %add3A_420 = arith.addi %add3A_391, %add3A_419 : i32
      %lt3A_421 = arith.constant 32 : i32
      %lt3A_422 = arith.cmpi slt, %add3A_420, %lt3A_421 : i32
      %convert_element_type3A_423 = arith.extui %lt3A_422 : i1 to i32
      %cond3A_424 = arith.constant 0 : i32
      %cond3A_425 = arith.cmpi ne, %convert_element_type3A_423, %cond3A_424 : i32
      scf.if %cond3A_425 {
        %add3A_426 = arith.constant 2 : i32
        %add3A_427 = arith.addi %add3A_391, %add3A_426 : i32
        %dma_start3A_428 = arith.constant 1 : i32
        %dma_start3A_429 = arith.constant 0 : i32
        %dma_start3A_430 = arith.constant 0 : i32
        %dma_start3A_431 = tpu.memref_slice %arg8[%dma_start3A_428, %dma_start3A_429, %dma_start3A_430] : memref<4x64x128xf32, #tpu.memory_space<vmem>> -> memref<1x64x128xf32, #tpu.memory_space<vmem>>
        %dma_start3A_432 = tpu.memref_squeeze %dma_start3A_431 : memref<1x64x128xf32, #tpu.memory_space<vmem>> -> memref<64x128xf32, #tpu.memory_space<vmem>>
        %dma_start3A_433 = arith.constant 0 : i32
        %dma_start3A_434 = tpu.memref_slice %arg6[%add3A_427, %dma_start3A_433] : memref<32x64xi32, #tpu.memory_space<vmem>> -> memref<1x64xi32, #tpu.memory_space<vmem>>
        %dma_start3A_435 = tpu.memref_squeeze %dma_start3A_434 : memref<1x64xi32, #tpu.memory_space<vmem>> -> memref<64xi32, #tpu.memory_space<vmem>>
        %dma_start3A_436 = arith.constant 0 : i32
        %dma_start3A_437 = arith.constant 0 : i32
        %dma_start3A_438 = tpu.memref_slice %arg4[%dma_start3A_436, %dma_start3A_437] : memref<10240x128xf32, #tpu.memory_space<hbm>> -> memref<10240x128xf32, #tpu.memory_space<hbm>>
        tpu.enqueue_indirect_dma source(%dma_start3A_438 : memref<10240x128xf32, #tpu.memory_space<hbm>>) target(%dma_start3A_432 : memref<64x128xf32, #tpu.memory_space<vmem>>) offsets(%dma_start3A_435 : memref<64xi32, #tpu.memory_space<vmem>>) semaphore(%arg12 : memref<!tpu.dma_semaphore, #tpu.memory_space<semaphore_mem>>)
      } else {
      }
    }
    %scan3A_203 = arith.constant 8 : i32
    %dma_wait3A_204 = arith.constant 2 : i32
    %dma_wait3A_205 = arith.constant 30 : i32
    %dma_wait3A_206 = arith.constant 0 : i32
    %dma_wait3A_207 = arith.constant 0 : i32
    %dma_wait3A_208 = tpu.memref_slice %arg8[%dma_wait3A_204, %dma_wait3A_206, %dma_wait3A_207] : memref<4x64x128xf32, #tpu.memory_space<vmem>> -> memref<1x64x128xf32, #tpu.memory_space<vmem>>
    %dma_wait3A_209 = tpu.memref_squeeze %dma_wait3A_208 : memref<1x64x128xf32, #tpu.memory_space<vmem>> -> memref<64x128xf32, #tpu.memory_space<vmem>>
    %dma_wait3A_210 = arith.constant 0 : i32
    %dma_wait3A_211 = tpu.memref_slice %arg7[%dma_wait3A_205, %dma_wait3A_210] : memref<32x64xi32, #tpu.memory_space<vmem>> -> memref<1x64xi32, #tpu.memory_space<vmem>>
    %dma_wait3A_212 = tpu.memref_squeeze %dma_wait3A_211 : memref<1x64xi32, #tpu.memory_space<vmem>> -> memref<64xi32, #tpu.memory_space<vmem>>
    %dma_wait3A_213 = arith.constant 0 : i32
    %dma_wait3A_214 = arith.constant 0 : i32
    %dma_wait3A_215 = tpu.memref_slice %arg10[%dma_wait3A_213, %dma_wait3A_214] : memref<10240x128xf32, #tpu.memory_space<vmem_shared>> -> memref<10240x128xf32, #tpu.memory_space<vmem_shared>>
    tpu.wait_indirect_dma semaphore(%arg17 : memref<!tpu.dma_semaphore, #tpu.memory_space<semaphore_mem>>) src(%dma_wait3A_209 : memref<64x128xf32, #tpu.memory_space<vmem>>) dst(%dma_wait3A_215 : memref<10240x128xf32, #tpu.memory_space<vmem_shared>>)
    %dma_wait3A_216 = arith.constant 3 : i32
    %dma_wait3A_217 = arith.constant 31 : i32
    %dma_wait3A_218 = arith.constant 0 : i32
    %dma_wait3A_219 = arith.constant 0 : i32
    %dma_wait3A_220 = tpu.memref_slice %arg8[%dma_wait3A_216, %dma_wait3A_218, %dma_wait3A_219] : memref<4x64x128xf32, #tpu.memory_space<vmem>> -> memref<1x64x128xf32, #tpu.memory_space<vmem>>
    %dma_wait3A_221 = tpu.memref_squeeze %dma_wait3A_220 : memref<1x64x128xf32, #tpu.memory_space<vmem>> -> memref<64x128xf32, #tpu.memory_space<vmem>>
    %dma_wait3A_222 = arith.constant 0 : i32
    %dma_wait3A_223 = tpu.memref_slice %arg7[%dma_wait3A_217, %dma_wait3A_222] : memref<32x64xi32, #tpu.memory_space<vmem>> -> memref<1x64xi32, #tpu.memory_space<vmem>>
    %dma_wait3A_224 = tpu.memref_squeeze %dma_wait3A_223 : memref<1x64xi32, #tpu.memory_space<vmem>> -> memref<64xi32, #tpu.memory_space<vmem>>
    %dma_wait3A_225 = arith.constant 0 : i32
    %dma_wait3A_226 = arith.constant 0 : i32
    %dma_wait3A_227 = tpu.memref_slice %arg10[%dma_wait3A_225, %dma_wait3A_226] : memref<10240x128xf32, #tpu.memory_space<vmem_shared>> -> memref<10240x128xf32, #tpu.memory_space<vmem_shared>>
    tpu.wait_indirect_dma semaphore(%arg18 : memref<!tpu.dma_semaphore, #tpu.memory_space<semaphore_mem>>) src(%dma_wait3A_221 : memref<64x128xf32, #tpu.memory_space<vmem>>) dst(%dma_wait3A_227 : memref<10240x128xf32, #tpu.memory_space<vmem_shared>>)
    "tpu.region"() ({
      %run_scoped3A = tpu.sem_alloc : memref<!tpu.dma_semaphore, #tpu.memory_space<semaphore_mem>>
      %dma_start3A_283 = arith.constant 128 : i32
      %dma_start3A_284 = arith.constant 0 : i32
      %dma_start3A_285 = tpu.memref_slice %arg2[%add3A, %dma_start3A_283, %dma_start3A_284] : memref<32x160x64xi32, #tpu.memory_space<hbm>> -> memref<1x32x64xi32, #tpu.memory_space<hbm>>
      %dma_start3A_286 = tpu.memref_squeeze %dma_start3A_285 : memref<1x32x64xi32, #tpu.memory_space<hbm>> -> memref<32x64xi32, #tpu.memory_space<hbm>>
      %dma_start3A_287 = arith.constant 128 : i32
      %dma_start3A_288 = arith.constant 0 : i32
      %dma_start3A_289 = tpu.memref_slice %arg2[%add3A, %dma_start3A_287, %dma_start3A_288] : memref<32x160x64xi32, #tpu.memory_space<hbm>> -> memref<1x32x64xi32, #tpu.memory_space<hbm>>
      %dma_start3A_290 = tpu.memref_squeeze %dma_start3A_289 : memref<1x32x64xi32, #tpu.memory_space<hbm>> -> memref<32x64xi32, #tpu.memory_space<hbm>>
      tpu.enqueue_dma source(%dma_start3A_290 : memref<32x64xi32, #tpu.memory_space<hbm>>) target(%arg6 : memref<32x64xi32, #tpu.memory_space<vmem>>) target_semaphore(%run_scoped3A : memref<!tpu.dma_semaphore, #tpu.memory_space<semaphore_mem>>)
      %dma_wait3A_291 = arith.constant 128 : i32
      %dma_wait3A_292 = arith.constant 0 : i32
      %dma_wait3A_293 = tpu.memref_slice %arg2[%add3A, %dma_wait3A_291, %dma_wait3A_292] : memref<32x160x64xi32, #tpu.memory_space<hbm>> -> memref<1x32x64xi32, #tpu.memory_space<hbm>>
      %dma_wait3A_294 = tpu.memref_squeeze %dma_wait3A_293 : memref<1x32x64xi32, #tpu.memory_space<hbm>> -> memref<32x64xi32, #tpu.memory_space<hbm>>
      %dma_wait3A_295 = arith.constant 128 : i32
      %dma_wait3A_296 = arith.constant 0 : i32
      %dma_wait3A_297 = tpu.memref_slice %arg2[%add3A, %dma_wait3A_295, %dma_wait3A_296] : memref<32x160x64xi32, #tpu.memory_space<hbm>> -> memref<1x32x64xi32, #tpu.memory_space<hbm>>
      %dma_wait3A_298 = tpu.memref_squeeze %dma_wait3A_297 : memref<1x32x64xi32, #tpu.memory_space<hbm>> -> memref<32x64xi32, #tpu.memory_space<hbm>>
      tpu.wait_dma2 semaphore(%run_scoped3A : memref<!tpu.dma_semaphore, #tpu.memory_space<semaphore_mem>>) src(%dma_wait3A_298 : memref<32x64xi32, #tpu.memory_space<hbm>>) dst(%arg6 : memref<32x64xi32, #tpu.memory_space<vmem>>)
      tpu.yield
    }) : () -> ()
    "tpu.region"() ({
      %run_scoped3A = tpu.sem_alloc : memref<!tpu.dma_semaphore, #tpu.memory_space<semaphore_mem>>
      %dma_start3A_283 = arith.constant 128 : i32
      %dma_start3A_284 = arith.constant 0 : i32
      %dma_start3A_285 = tpu.memref_slice %arg3[%add3A, %dma_start3A_283, %dma_start3A_284] : memref<32x160x64xi32, #tpu.memory_space<hbm>> -> memref<1x32x64xi32, #tpu.memory_space<hbm>>
      %dma_start3A_286 = tpu.memref_squeeze %dma_start3A_285 : memref<1x32x64xi32, #tpu.memory_space<hbm>> -> memref<32x64xi32, #tpu.memory_space<hbm>>
      %dma_start3A_287 = arith.constant 128 : i32
      %dma_start3A_288 = arith.constant 0 : i32
      %dma_start3A_289 = tpu.memref_slice %arg3[%add3A, %dma_start3A_287, %dma_start3A_288] : memref<32x160x64xi32, #tpu.memory_space<hbm>> -> memref<1x32x64xi32, #tpu.memory_space<hbm>>
      %dma_start3A_290 = tpu.memref_squeeze %dma_start3A_289 : memref<1x32x64xi32, #tpu.memory_space<hbm>> -> memref<32x64xi32, #tpu.memory_space<hbm>>
      tpu.enqueue_dma source(%dma_start3A_290 : memref<32x64xi32, #tpu.memory_space<hbm>>) target(%arg7 : memref<32x64xi32, #tpu.memory_space<vmem>>) target_semaphore(%run_scoped3A : memref<!tpu.dma_semaphore, #tpu.memory_space<semaphore_mem>>)
      %dma_wait3A_291 = arith.constant 128 : i32
      %dma_wait3A_292 = arith.constant 0 : i32
      %dma_wait3A_293 = tpu.memref_slice %arg3[%add3A, %dma_wait3A_291, %dma_wait3A_292] : memref<32x160x64xi32, #tpu.memory_space<hbm>> -> memref<1x32x64xi32, #tpu.memory_space<hbm>>
      %dma_wait3A_294 = tpu.memref_squeeze %dma_wait3A_293 : memref<1x32x64xi32, #tpu.memory_space<hbm>> -> memref<32x64xi32, #tpu.memory_space<hbm>>
      %dma_wait3A_295 = arith.constant 128 : i32
      %dma_wait3A_296 = arith.constant 0 : i32
      %dma_wait3A_297 = tpu.memref_slice %arg3[%add3A, %dma_wait3A_295, %dma_wait3A_296] : memref<32x160x64xi32, #tpu.memory_space<hbm>> -> memref<1x32x64xi32, #tpu.memory_space<hbm>>
      %dma_wait3A_298 = tpu.memref_squeeze %dma_wait3A_297 : memref<1x32x64xi32, #tpu.memory_space<hbm>> -> memref<32x64xi32, #tpu.memory_space<hbm>>
      tpu.wait_dma2 semaphore(%run_scoped3A : memref<!tpu.dma_semaphore, #tpu.memory_space<semaphore_mem>>) src(%dma_wait3A_298 : memref<32x64xi32, #tpu.memory_space<hbm>>) dst(%arg7 : memref<32x64xi32, #tpu.memory_space<vmem>>)
      tpu.yield
    }) : () -> ()
    %dma_start3A_228 = arith.constant 0 : i32
    %dma_start3A_229 = arith.constant 0 : i32
    %dma_start3A_230 = arith.constant 0 : i32
    %dma_start3A_231 = arith.constant 0 : i32
    %dma_start3A_232 = tpu.memref_slice %arg8[%dma_start3A_229, %dma_start3A_230, %dma_start3A_231] : memref<4x64x128xf32, #tpu.memory_space<vmem>> -> memref<1x64x128xf32, #tpu.memory_space<vmem>>
    %dma_start3A_233 = tpu.memref_squeeze %dma_start3A_232 : memref<1x64x128xf32, #tpu.memory_space<vmem>> -> memref<64x128xf32, #tpu.memory_space<vmem>>
    %dma_start3A_234 = arith.constant 0 : i32
    %dma_start3A_235 = tpu.memref_slice %arg6[%dma_start3A_228, %dma_start3A_234] : memref<32x64xi32, #tpu.memory_space<vmem>> -> memref<1x64xi32, #tpu.memory_space<vmem>>
    %dma_start3A_236 = tpu.memref_squeeze %dma_start3A_235 : memref<1x64xi32, #tpu.memory_space<vmem>> -> memref<64xi32, #tpu.memory_space<vmem>>
    %dma_start3A_237 = arith.constant 0 : i32
    %dma_start3A_238 = arith.constant 0 : i32
    %dma_start3A_239 = tpu.memref_slice %arg4[%dma_start3A_237, %dma_start3A_238] : memref<10240x128xf32, #tpu.memory_space<hbm>> -> memref<10240x128xf32, #tpu.memory_space<hbm>>
    tpu.enqueue_indirect_dma source(%dma_start3A_239 : memref<10240x128xf32, #tpu.memory_space<hbm>>) target(%dma_start3A_233 : memref<64x128xf32, #tpu.memory_space<vmem>>) offsets(%dma_start3A_236 : memref<64xi32, #tpu.memory_space<vmem>>) semaphore(%arg11 : memref<!tpu.dma_semaphore, #tpu.memory_space<semaphore_mem>>)
    %dma_start3A_240 = arith.constant 1 : i32
    %dma_start3A_241 = arith.constant 1 : i32
    %dma_start3A_242 = arith.constant 0 : i32
    %dma_start3A_243 = arith.constant 0 : i32
    %dma_start3A_244 = tpu.memref_slice %arg8[%dma_start3A_241, %dma_start3A_242, %dma_start3A_243] : memref<4x64x128xf32, #tpu.memory_space<vmem>> -> memref<1x64x128xf32, #tpu.memory_space<vmem>>
    %dma_start3A_245 = tpu.memref_squeeze %dma_start3A_244 : memref<1x64x128xf32, #tpu.memory_space<vmem>> -> memref<64x128xf32, #tpu.memory_space<vmem>>
    %dma_start3A_246 = arith.constant 0 : i32
    %dma_start3A_247 = tpu.memref_slice %arg6[%dma_start3A_240, %dma_start3A_246] : memref<32x64xi32, #tpu.memory_space<vmem>> -> memref<1x64xi32, #tpu.memory_space<vmem>>
    %dma_start3A_248 = tpu.memref_squeeze %dma_start3A_247 : memref<1x64xi32, #tpu.memory_space<vmem>> -> memref<64xi32, #tpu.memory_space<vmem>>
    %dma_start3A_249 = arith.constant 0 : i32
    %dma_start3A_250 = arith.constant 0 : i32
    %dma_start3A_251 = tpu.memref_slice %arg4[%dma_start3A_249, %dma_start3A_250] : memref<10240x128xf32, #tpu.memory_space<hbm>> -> memref<10240x128xf32, #tpu.memory_space<hbm>>
    tpu.enqueue_indirect_dma source(%dma_start3A_251 : memref<10240x128xf32, #tpu.memory_space<hbm>>) target(%dma_start3A_245 : memref<64x128xf32, #tpu.memory_space<vmem>>) offsets(%dma_start3A_248 : memref<64xi32, #tpu.memory_space<vmem>>) semaphore(%arg12 : memref<!tpu.dma_semaphore, #tpu.memory_space<semaphore_mem>>)
    %scan3A_252 = arith.constant 0 : i32
    %scan3A_253 = arith.constant 0 : i32
    %scan3A_254 = arith.constant 8 : i32
    %scan3A_255 = arith.addi %scan3A_253, %scan3A_254 : i32
    %scan3A_256 = arith.constant 1 : i32
    scf.for %scan3A_283 = %scan3A_253 to %scan3A_255 step %scan3A_256  : i32 {
      %mul3A_284 = arith.constant 4 : i32
      %mul3A_285 = arith.muli %scan3A_283, %mul3A_284 : i32
      %add3A_286 = arith.constant 0 : i32
      %add3A_287 = arith.addi %mul3A_285, %add3A_286 : i32
      %dma_wait3A_288 = arith.constant 0 : i32
      %dma_wait3A_289 = arith.constant 0 : i32
      %dma_wait3A_290 = arith.constant 0 : i32
      %dma_wait3A_291 = tpu.memref_slice %arg8[%dma_wait3A_288, %dma_wait3A_289, %dma_wait3A_290] : memref<4x64x128xf32, #tpu.memory_space<vmem>> -> memref<1x64x128xf32, #tpu.memory_space<vmem>>
      %dma_wait3A_292 = tpu.memref_squeeze %dma_wait3A_291 : memref<1x64x128xf32, #tpu.memory_space<vmem>> -> memref<64x128xf32, #tpu.memory_space<vmem>>
      %dma_wait3A_293 = arith.constant 0 : i32
      %dma_wait3A_294 = tpu.memref_slice %arg6[%add3A_287, %dma_wait3A_293] : memref<32x64xi32, #tpu.memory_space<vmem>> -> memref<1x64xi32, #tpu.memory_space<vmem>>
      %dma_wait3A_295 = tpu.memref_squeeze %dma_wait3A_294 : memref<1x64xi32, #tpu.memory_space<vmem>> -> memref<64xi32, #tpu.memory_space<vmem>>
      %dma_wait3A_296 = arith.constant 0 : i32
      %dma_wait3A_297 = arith.constant 0 : i32
      %dma_wait3A_298 = tpu.memref_slice %arg4[%dma_wait3A_296, %dma_wait3A_297] : memref<10240x128xf32, #tpu.memory_space<hbm>> -> memref<10240x128xf32, #tpu.memory_space<hbm>>
      tpu.wait_indirect_dma semaphore(%arg11 : memref<!tpu.dma_semaphore, #tpu.memory_space<semaphore_mem>>) src(%dma_wait3A_298 : memref<10240x128xf32, #tpu.memory_space<hbm>>) dst(%dma_wait3A_292 : memref<64x128xf32, #tpu.memory_space<vmem>>)
      %dma_start3A_299 = arith.constant 0 : i32
      %dma_start3A_300 = arith.constant 0 : i32
      %dma_start3A_301 = arith.constant 0 : i32
      %dma_start3A_302 = tpu.memref_slice %arg8[%dma_start3A_299, %dma_start3A_300, %dma_start3A_301] : memref<4x64x128xf32, #tpu.memory_space<vmem>> -> memref<1x64x128xf32, #tpu.memory_space<vmem>>
      %dma_start3A_303 = tpu.memref_squeeze %dma_start3A_302 : memref<1x64x128xf32, #tpu.memory_space<vmem>> -> memref<64x128xf32, #tpu.memory_space<vmem>>
      %dma_start3A_304 = arith.constant 0 : i32
      %dma_start3A_305 = tpu.memref_slice %arg7[%add3A_287, %dma_start3A_304] : memref<32x64xi32, #tpu.memory_space<vmem>> -> memref<1x64xi32, #tpu.memory_space<vmem>>
      %dma_start3A_306 = tpu.memref_squeeze %dma_start3A_305 : memref<1x64xi32, #tpu.memory_space<vmem>> -> memref<64xi32, #tpu.memory_space<vmem>>
      %dma_start3A_307 = arith.constant 0 : i32
      %dma_start3A_308 = arith.constant 0 : i32
      %dma_start3A_309 = tpu.memref_slice %arg10[%dma_start3A_307, %dma_start3A_308] : memref<10240x128xf32, #tpu.memory_space<vmem_shared>> -> memref<10240x128xf32, #tpu.memory_space<vmem_shared>>
      tpu.enqueue_indirect_dma source(%dma_start3A_303 : memref<64x128xf32, #tpu.memory_space<vmem>>) target(%dma_start3A_309 : memref<10240x128xf32, #tpu.memory_space<vmem_shared>>) offsets(%dma_start3A_306 : memref<64xi32, #tpu.memory_space<vmem>>) semaphore(%arg15 : memref<!tpu.dma_semaphore, #tpu.memory_space<semaphore_mem>>) {add = true}
      %ge3A = arith.constant 2 : i32
      %ge3A_310 = arith.cmpi sge, %add3A_287, %ge3A : i32
      %convert_element_type3A = arith.extui %ge3A_310 : i1 to i32
      %cond3A = arith.constant 0 : i32
      %cond3A_311 = arith.cmpi ne, %convert_element_type3A, %cond3A : i32
      scf.if %cond3A_311 {
        %sub3A = arith.constant 2 : i32
        %sub3A_426 = arith.subi %add3A_287, %sub3A : i32
        %dma_wait3A_427 = arith.constant 2 : i32
        %dma_wait3A_428 = arith.constant 0 : i32
        %dma_wait3A_429 = arith.constant 0 : i32
        %dma_wait3A_430 = tpu.memref_slice %arg8[%dma_wait3A_427, %dma_wait3A_428, %dma_wait3A_429] : memref<4x64x128xf32, #tpu.memory_space<vmem>> -> memref<1x64x128xf32, #tpu.memory_space<vmem>>
        %dma_wait3A_431 = tpu.memref_squeeze %dma_wait3A_430 : memref<1x64x128xf32, #tpu.memory_space<vmem>> -> memref<64x128xf32, #tpu.memory_space<vmem>>
        %dma_wait3A_432 = arith.constant 0 : i32
        %dma_wait3A_433 = tpu.memref_slice %arg7[%sub3A_426, %dma_wait3A_432] : memref<32x64xi32, #tpu.memory_space<vmem>> -> memref<1x64xi32, #tpu.memory_space<vmem>>
        %dma_wait3A_434 = tpu.memref_squeeze %dma_wait3A_433 : memref<1x64xi32, #tpu.memory_space<vmem>> -> memref<64xi32, #tpu.memory_space<vmem>>
        %dma_wait3A_435 = arith.constant 0 : i32
        %dma_wait3A_436 = arith.constant 0 : i32
        %dma_wait3A_437 = tpu.memref_slice %arg10[%dma_wait3A_435, %dma_wait3A_436] : memref<10240x128xf32, #tpu.memory_space<vmem_shared>> -> memref<10240x128xf32, #tpu.memory_space<vmem_shared>>
        tpu.wait_indirect_dma semaphore(%arg17 : memref<!tpu.dma_semaphore, #tpu.memory_space<semaphore_mem>>) src(%dma_wait3A_431 : memref<64x128xf32, #tpu.memory_space<vmem>>) dst(%dma_wait3A_437 : memref<10240x128xf32, #tpu.memory_space<vmem_shared>>)
      } else {
      }
      %add3A_312 = arith.constant 2 : i32
      %add3A_313 = arith.addi %add3A_287, %add3A_312 : i32
      %lt3A = arith.constant 32 : i32
      %lt3A_314 = arith.cmpi slt, %add3A_313, %lt3A : i32
      %convert_element_type3A_315 = arith.extui %lt3A_314 : i1 to i32
      %cond3A_316 = arith.constant 0 : i32
      %cond3A_317 = arith.cmpi ne, %convert_element_type3A_315, %cond3A_316 : i32
      scf.if %cond3A_317 {
        %add3A_426 = arith.constant 2 : i32
        %add3A_427 = arith.addi %add3A_287, %add3A_426 : i32
        %dma_start3A_428 = arith.constant 2 : i32
        %dma_start3A_429 = arith.constant 0 : i32
        %dma_start3A_430 = arith.constant 0 : i32
        %dma_start3A_431 = tpu.memref_slice %arg8[%dma_start3A_428, %dma_start3A_429, %dma_start3A_430] : memref<4x64x128xf32, #tpu.memory_space<vmem>> -> memref<1x64x128xf32, #tpu.memory_space<vmem>>
        %dma_start3A_432 = tpu.memref_squeeze %dma_start3A_431 : memref<1x64x128xf32, #tpu.memory_space<vmem>> -> memref<64x128xf32, #tpu.memory_space<vmem>>
        %dma_start3A_433 = arith.constant 0 : i32
        %dma_start3A_434 = tpu.memref_slice %arg6[%add3A_427, %dma_start3A_433] : memref<32x64xi32, #tpu.memory_space<vmem>> -> memref<1x64xi32, #tpu.memory_space<vmem>>
        %dma_start3A_435 = tpu.memref_squeeze %dma_start3A_434 : memref<1x64xi32, #tpu.memory_space<vmem>> -> memref<64xi32, #tpu.memory_space<vmem>>
        %dma_start3A_436 = arith.constant 0 : i32
        %dma_start3A_437 = arith.constant 0 : i32
        %dma_start3A_438 = tpu.memref_slice %arg4[%dma_start3A_436, %dma_start3A_437] : memref<10240x128xf32, #tpu.memory_space<hbm>> -> memref<10240x128xf32, #tpu.memory_space<hbm>>
        tpu.enqueue_indirect_dma source(%dma_start3A_438 : memref<10240x128xf32, #tpu.memory_space<hbm>>) target(%dma_start3A_432 : memref<64x128xf32, #tpu.memory_space<vmem>>) offsets(%dma_start3A_435 : memref<64xi32, #tpu.memory_space<vmem>>) semaphore(%arg13 : memref<!tpu.dma_semaphore, #tpu.memory_space<semaphore_mem>>)
      } else {
      }
      %add3A_318 = arith.constant 1 : i32
      %add3A_319 = arith.addi %mul3A_285, %add3A_318 : i32
      %dma_wait3A_320 = arith.constant 1 : i32
      %dma_wait3A_321 = arith.constant 0 : i32
      %dma_wait3A_322 = arith.constant 0 : i32
      %dma_wait3A_323 = tpu.memref_slice %arg8[%dma_wait3A_320, %dma_wait3A_321, %dma_wait3A_322] : memref<4x64x128xf32, #tpu.memory_space<vmem>> -> memref<1x64x128xf32, #tpu.memory_space<vmem>>
      %dma_wait3A_324 = tpu.memref_squeeze %dma_wait3A_323 : memref<1x64x128xf32, #tpu.memory_space<vmem>> -> memref<64x128xf32, #tpu.memory_space<vmem>>
      %dma_wait3A_325 = arith.constant 0 : i32
      %dma_wait3A_326 = tpu.memref_slice %arg6[%add3A_319, %dma_wait3A_325] : memref<32x64xi32, #tpu.memory_space<vmem>> -> memref<1x64xi32, #tpu.memory_space<vmem>>
      %dma_wait3A_327 = tpu.memref_squeeze %dma_wait3A_326 : memref<1x64xi32, #tpu.memory_space<vmem>> -> memref<64xi32, #tpu.memory_space<vmem>>
      %dma_wait3A_328 = arith.constant 0 : i32
      %dma_wait3A_329 = arith.constant 0 : i32
      %dma_wait3A_330 = tpu.memref_slice %arg4[%dma_wait3A_328, %dma_wait3A_329] : memref<10240x128xf32, #tpu.memory_space<hbm>> -> memref<10240x128xf32, #tpu.memory_space<hbm>>
      tpu.wait_indirect_dma semaphore(%arg12 : memref<!tpu.dma_semaphore, #tpu.memory_space<semaphore_mem>>) src(%dma_wait3A_330 : memref<10240x128xf32, #tpu.memory_space<hbm>>) dst(%dma_wait3A_324 : memref<64x128xf32, #tpu.memory_space<vmem>>)
      %dma_start3A_331 = arith.constant 1 : i32
      %dma_start3A_332 = arith.constant 0 : i32
      %dma_start3A_333 = arith.constant 0 : i32
      %dma_start3A_334 = tpu.memref_slice %arg8[%dma_start3A_331, %dma_start3A_332, %dma_start3A_333] : memref<4x64x128xf32, #tpu.memory_space<vmem>> -> memref<1x64x128xf32, #tpu.memory_space<vmem>>
      %dma_start3A_335 = tpu.memref_squeeze %dma_start3A_334 : memref<1x64x128xf32, #tpu.memory_space<vmem>> -> memref<64x128xf32, #tpu.memory_space<vmem>>
      %dma_start3A_336 = arith.constant 0 : i32
      %dma_start3A_337 = tpu.memref_slice %arg7[%add3A_319, %dma_start3A_336] : memref<32x64xi32, #tpu.memory_space<vmem>> -> memref<1x64xi32, #tpu.memory_space<vmem>>
      %dma_start3A_338 = tpu.memref_squeeze %dma_start3A_337 : memref<1x64xi32, #tpu.memory_space<vmem>> -> memref<64xi32, #tpu.memory_space<vmem>>
      %dma_start3A_339 = arith.constant 0 : i32
      %dma_start3A_340 = arith.constant 0 : i32
      %dma_start3A_341 = tpu.memref_slice %arg10[%dma_start3A_339, %dma_start3A_340] : memref<10240x128xf32, #tpu.memory_space<vmem_shared>> -> memref<10240x128xf32, #tpu.memory_space<vmem_shared>>
      tpu.enqueue_indirect_dma source(%dma_start3A_335 : memref<64x128xf32, #tpu.memory_space<vmem>>) target(%dma_start3A_341 : memref<10240x128xf32, #tpu.memory_space<vmem_shared>>) offsets(%dma_start3A_338 : memref<64xi32, #tpu.memory_space<vmem>>) semaphore(%arg16 : memref<!tpu.dma_semaphore, #tpu.memory_space<semaphore_mem>>) {add = true}
      %ge3A_342 = arith.constant 2 : i32
      %ge3A_343 = arith.cmpi sge, %add3A_319, %ge3A_342 : i32
      %convert_element_type3A_344 = arith.extui %ge3A_343 : i1 to i32
      %cond3A_345 = arith.constant 0 : i32
      %cond3A_346 = arith.cmpi ne, %convert_element_type3A_344, %cond3A_345 : i32
      scf.if %cond3A_346 {
        %sub3A = arith.constant 2 : i32
        %sub3A_426 = arith.subi %add3A_319, %sub3A : i32
        %dma_wait3A_427 = arith.constant 3 : i32
        %dma_wait3A_428 = arith.constant 0 : i32
        %dma_wait3A_429 = arith.constant 0 : i32
        %dma_wait3A_430 = tpu.memref_slice %arg8[%dma_wait3A_427, %dma_wait3A_428, %dma_wait3A_429] : memref<4x64x128xf32, #tpu.memory_space<vmem>> -> memref<1x64x128xf32, #tpu.memory_space<vmem>>
        %dma_wait3A_431 = tpu.memref_squeeze %dma_wait3A_430 : memref<1x64x128xf32, #tpu.memory_space<vmem>> -> memref<64x128xf32, #tpu.memory_space<vmem>>
        %dma_wait3A_432 = arith.constant 0 : i32
        %dma_wait3A_433 = tpu.memref_slice %arg7[%sub3A_426, %dma_wait3A_432] : memref<32x64xi32, #tpu.memory_space<vmem>> -> memref<1x64xi32, #tpu.memory_space<vmem>>
        %dma_wait3A_434 = tpu.memref_squeeze %dma_wait3A_433 : memref<1x64xi32, #tpu.memory_space<vmem>> -> memref<64xi32, #tpu.memory_space<vmem>>
        %dma_wait3A_435 = arith.constant 0 : i32
        %dma_wait3A_436 = arith.constant 0 : i32
        %dma_wait3A_437 = tpu.memref_slice %arg10[%dma_wait3A_435, %dma_wait3A_436] : memref<10240x128xf32, #tpu.memory_space<vmem_shared>> -> memref<10240x128xf32, #tpu.memory_space<vmem_shared>>
        tpu.wait_indirect_dma semaphore(%arg18 : memref<!tpu.dma_semaphore, #tpu.memory_space<semaphore_mem>>) src(%dma_wait3A_431 : memref<64x128xf32, #tpu.memory_space<vmem>>) dst(%dma_wait3A_437 : memref<10240x128xf32, #tpu.memory_space<vmem_shared>>)
      } else {
      }
      %add3A_347 = arith.constant 2 : i32
      %add3A_348 = arith.addi %add3A_319, %add3A_347 : i32
      %lt3A_349 = arith.constant 32 : i32
      %lt3A_350 = arith.cmpi slt, %add3A_348, %lt3A_349 : i32
      %convert_element_type3A_351 = arith.extui %lt3A_350 : i1 to i32
      %cond3A_352 = arith.constant 0 : i32
      %cond3A_353 = arith.cmpi ne, %convert_element_type3A_351, %cond3A_352 : i32
      scf.if %cond3A_353 {
        %add3A_426 = arith.constant 2 : i32
        %add3A_427 = arith.addi %add3A_319, %add3A_426 : i32
        %dma_start3A_428 = arith.constant 3 : i32
        %dma_start3A_429 = arith.constant 0 : i32
        %dma_start3A_430 = arith.constant 0 : i32
        %dma_start3A_431 = tpu.memref_slice %arg8[%dma_start3A_428, %dma_start3A_429, %dma_start3A_430] : memref<4x64x128xf32, #tpu.memory_space<vmem>> -> memref<1x64x128xf32, #tpu.memory_space<vmem>>
        %dma_start3A_432 = tpu.memref_squeeze %dma_start3A_431 : memref<1x64x128xf32, #tpu.memory_space<vmem>> -> memref<64x128xf32, #tpu.memory_space<vmem>>
        %dma_start3A_433 = arith.constant 0 : i32
        %dma_start3A_434 = tpu.memref_slice %arg6[%add3A_427, %dma_start3A_433] : memref<32x64xi32, #tpu.memory_space<vmem>> -> memref<1x64xi32, #tpu.memory_space<vmem>>
        %dma_start3A_435 = tpu.memref_squeeze %dma_start3A_434 : memref<1x64xi32, #tpu.memory_space<vmem>> -> memref<64xi32, #tpu.memory_space<vmem>>
        %dma_start3A_436 = arith.constant 0 : i32
        %dma_start3A_437 = arith.constant 0 : i32
        %dma_start3A_438 = tpu.memref_slice %arg4[%dma_start3A_436, %dma_start3A_437] : memref<10240x128xf32, #tpu.memory_space<hbm>> -> memref<10240x128xf32, #tpu.memory_space<hbm>>
        tpu.enqueue_indirect_dma source(%dma_start3A_438 : memref<10240x128xf32, #tpu.memory_space<hbm>>) target(%dma_start3A_432 : memref<64x128xf32, #tpu.memory_space<vmem>>) offsets(%dma_start3A_435 : memref<64xi32, #tpu.memory_space<vmem>>) semaphore(%arg14 : memref<!tpu.dma_semaphore, #tpu.memory_space<semaphore_mem>>)
      } else {
      }
      %add3A_354 = arith.constant 2 : i32
      %add3A_355 = arith.addi %mul3A_285, %add3A_354 : i32
      %dma_wait3A_356 = arith.constant 2 : i32
      %dma_wait3A_357 = arith.constant 0 : i32
      %dma_wait3A_358 = arith.constant 0 : i32
      %dma_wait3A_359 = tpu.memref_slice %arg8[%dma_wait3A_356, %dma_wait3A_357, %dma_wait3A_358] : memref<4x64x128xf32, #tpu.memory_space<vmem>> -> memref<1x64x128xf32, #tpu.memory_space<vmem>>
      %dma_wait3A_360 = tpu.memref_squeeze %dma_wait3A_359 : memref<1x64x128xf32, #tpu.memory_space<vmem>> -> memref<64x128xf32, #tpu.memory_space<vmem>>
      %dma_wait3A_361 = arith.constant 0 : i32
      %dma_wait3A_362 = tpu.memref_slice %arg6[%add3A_355, %dma_wait3A_361] : memref<32x64xi32, #tpu.memory_space<vmem>> -> memref<1x64xi32, #tpu.memory_space<vmem>>
      %dma_wait3A_363 = tpu.memref_squeeze %dma_wait3A_362 : memref<1x64xi32, #tpu.memory_space<vmem>> -> memref<64xi32, #tpu.memory_space<vmem>>
      %dma_wait3A_364 = arith.constant 0 : i32
      %dma_wait3A_365 = arith.constant 0 : i32
      %dma_wait3A_366 = tpu.memref_slice %arg4[%dma_wait3A_364, %dma_wait3A_365] : memref<10240x128xf32, #tpu.memory_space<hbm>> -> memref<10240x128xf32, #tpu.memory_space<hbm>>
      tpu.wait_indirect_dma semaphore(%arg13 : memref<!tpu.dma_semaphore, #tpu.memory_space<semaphore_mem>>) src(%dma_wait3A_366 : memref<10240x128xf32, #tpu.memory_space<hbm>>) dst(%dma_wait3A_360 : memref<64x128xf32, #tpu.memory_space<vmem>>)
      %dma_start3A_367 = arith.constant 2 : i32
      %dma_start3A_368 = arith.constant 0 : i32
      %dma_start3A_369 = arith.constant 0 : i32
      %dma_start3A_370 = tpu.memref_slice %arg8[%dma_start3A_367, %dma_start3A_368, %dma_start3A_369] : memref<4x64x128xf32, #tpu.memory_space<vmem>> -> memref<1x64x128xf32, #tpu.memory_space<vmem>>
      %dma_start3A_371 = tpu.memref_squeeze %dma_start3A_370 : memref<1x64x128xf32, #tpu.memory_space<vmem>> -> memref<64x128xf32, #tpu.memory_space<vmem>>
      %dma_start3A_372 = arith.constant 0 : i32
      %dma_start3A_373 = tpu.memref_slice %arg7[%add3A_355, %dma_start3A_372] : memref<32x64xi32, #tpu.memory_space<vmem>> -> memref<1x64xi32, #tpu.memory_space<vmem>>
      %dma_start3A_374 = tpu.memref_squeeze %dma_start3A_373 : memref<1x64xi32, #tpu.memory_space<vmem>> -> memref<64xi32, #tpu.memory_space<vmem>>
      %dma_start3A_375 = arith.constant 0 : i32
      %dma_start3A_376 = arith.constant 0 : i32
      %dma_start3A_377 = tpu.memref_slice %arg10[%dma_start3A_375, %dma_start3A_376] : memref<10240x128xf32, #tpu.memory_space<vmem_shared>> -> memref<10240x128xf32, #tpu.memory_space<vmem_shared>>
      tpu.enqueue_indirect_dma source(%dma_start3A_371 : memref<64x128xf32, #tpu.memory_space<vmem>>) target(%dma_start3A_377 : memref<10240x128xf32, #tpu.memory_space<vmem_shared>>) offsets(%dma_start3A_374 : memref<64xi32, #tpu.memory_space<vmem>>) semaphore(%arg17 : memref<!tpu.dma_semaphore, #tpu.memory_space<semaphore_mem>>) {add = true}
      %ge3A_378 = arith.constant 2 : i32
      %ge3A_379 = arith.cmpi sge, %add3A_355, %ge3A_378 : i32
      %convert_element_type3A_380 = arith.extui %ge3A_379 : i1 to i32
      %cond3A_381 = arith.constant 0 : i32
      %cond3A_382 = arith.cmpi ne, %convert_element_type3A_380, %cond3A_381 : i32
      scf.if %cond3A_382 {
        %sub3A = arith.constant 2 : i32
        %sub3A_426 = arith.subi %add3A_355, %sub3A : i32
        %dma_wait3A_427 = arith.constant 0 : i32
        %dma_wait3A_428 = arith.constant 0 : i32
        %dma_wait3A_429 = arith.constant 0 : i32
        %dma_wait3A_430 = tpu.memref_slice %arg8[%dma_wait3A_427, %dma_wait3A_428, %dma_wait3A_429] : memref<4x64x128xf32, #tpu.memory_space<vmem>> -> memref<1x64x128xf32, #tpu.memory_space<vmem>>
        %dma_wait3A_431 = tpu.memref_squeeze %dma_wait3A_430 : memref<1x64x128xf32, #tpu.memory_space<vmem>> -> memref<64x128xf32, #tpu.memory_space<vmem>>
        %dma_wait3A_432 = arith.constant 0 : i32
        %dma_wait3A_433 = tpu.memref_slice %arg7[%sub3A_426, %dma_wait3A_432] : memref<32x64xi32, #tpu.memory_space<vmem>> -> memref<1x64xi32, #tpu.memory_space<vmem>>
        %dma_wait3A_434 = tpu.memref_squeeze %dma_wait3A_433 : memref<1x64xi32, #tpu.memory_space<vmem>> -> memref<64xi32, #tpu.memory_space<vmem>>
        %dma_wait3A_435 = arith.constant 0 : i32
        %dma_wait3A_436 = arith.constant 0 : i32
        %dma_wait3A_437 = tpu.memref_slice %arg10[%dma_wait3A_435, %dma_wait3A_436] : memref<10240x128xf32, #tpu.memory_space<vmem_shared>> -> memref<10240x128xf32, #tpu.memory_space<vmem_shared>>
        tpu.wait_indirect_dma semaphore(%arg15 : memref<!tpu.dma_semaphore, #tpu.memory_space<semaphore_mem>>) src(%dma_wait3A_431 : memref<64x128xf32, #tpu.memory_space<vmem>>) dst(%dma_wait3A_437 : memref<10240x128xf32, #tpu.memory_space<vmem_shared>>)
      } else {
      }
      %add3A_383 = arith.constant 2 : i32
      %add3A_384 = arith.addi %add3A_355, %add3A_383 : i32
      %lt3A_385 = arith.constant 32 : i32
      %lt3A_386 = arith.cmpi slt, %add3A_384, %lt3A_385 : i32
      %convert_element_type3A_387 = arith.extui %lt3A_386 : i1 to i32
      %cond3A_388 = arith.constant 0 : i32
      %cond3A_389 = arith.cmpi ne, %convert_element_type3A_387, %cond3A_388 : i32
      scf.if %cond3A_389 {
        %add3A_426 = arith.constant 2 : i32
        %add3A_427 = arith.addi %add3A_355, %add3A_426 : i32
        %dma_start3A_428 = arith.constant 0 : i32
        %dma_start3A_429 = arith.constant 0 : i32
        %dma_start3A_430 = arith.constant 0 : i32
        %dma_start3A_431 = tpu.memref_slice %arg8[%dma_start3A_428, %dma_start3A_429, %dma_start3A_430] : memref<4x64x128xf32, #tpu.memory_space<vmem>> -> memref<1x64x128xf32, #tpu.memory_space<vmem>>
        %dma_start3A_432 = tpu.memref_squeeze %dma_start3A_431 : memref<1x64x128xf32, #tpu.memory_space<vmem>> -> memref<64x128xf32, #tpu.memory_space<vmem>>
        %dma_start3A_433 = arith.constant 0 : i32
        %dma_start3A_434 = tpu.memref_slice %arg6[%add3A_427, %dma_start3A_433] : memref<32x64xi32, #tpu.memory_space<vmem>> -> memref<1x64xi32, #tpu.memory_space<vmem>>
        %dma_start3A_435 = tpu.memref_squeeze %dma_start3A_434 : memref<1x64xi32, #tpu.memory_space<vmem>> -> memref<64xi32, #tpu.memory_space<vmem>>
        %dma_start3A_436 = arith.constant 0 : i32
        %dma_start3A_437 = arith.constant 0 : i32
        %dma_start3A_438 = tpu.memref_slice %arg4[%dma_start3A_436, %dma_start3A_437] : memref<10240x128xf32, #tpu.memory_space<hbm>> -> memref<10240x128xf32, #tpu.memory_space<hbm>>
        tpu.enqueue_indirect_dma source(%dma_start3A_438 : memref<10240x128xf32, #tpu.memory_space<hbm>>) target(%dma_start3A_432 : memref<64x128xf32, #tpu.memory_space<vmem>>) offsets(%dma_start3A_435 : memref<64xi32, #tpu.memory_space<vmem>>) semaphore(%arg11 : memref<!tpu.dma_semaphore, #tpu.memory_space<semaphore_mem>>)
      } else {
      }
      %add3A_390 = arith.constant 3 : i32
      %add3A_391 = arith.addi %mul3A_285, %add3A_390 : i32
      %dma_wait3A_392 = arith.constant 3 : i32
      %dma_wait3A_393 = arith.constant 0 : i32
      %dma_wait3A_394 = arith.constant 0 : i32
      %dma_wait3A_395 = tpu.memref_slice %arg8[%dma_wait3A_392, %dma_wait3A_393, %dma_wait3A_394] : memref<4x64x128xf32, #tpu.memory_space<vmem>> -> memref<1x64x128xf32, #tpu.memory_space<vmem>>
      %dma_wait3A_396 = tpu.memref_squeeze %dma_wait3A_395 : memref<1x64x128xf32, #tpu.memory_space<vmem>> -> memref<64x128xf32, #tpu.memory_space<vmem>>
      %dma_wait3A_397 = arith.constant 0 : i32
      %dma_wait3A_398 = tpu.memref_slice %arg6[%add3A_391, %dma_wait3A_397] : memref<32x64xi32, #tpu.memory_space<vmem>> -> memref<1x64xi32, #tpu.memory_space<vmem>>
      %dma_wait3A_399 = tpu.memref_squeeze %dma_wait3A_398 : memref<1x64xi32, #tpu.memory_space<vmem>> -> memref<64xi32, #tpu.memory_space<vmem>>
      %dma_wait3A_400 = arith.constant 0 : i32
      %dma_wait3A_401 = arith.constant 0 : i32
      %dma_wait3A_402 = tpu.memref_slice %arg4[%dma_wait3A_400, %dma_wait3A_401] : memref<10240x128xf32, #tpu.memory_space<hbm>> -> memref<10240x128xf32, #tpu.memory_space<hbm>>
      tpu.wait_indirect_dma semaphore(%arg14 : memref<!tpu.dma_semaphore, #tpu.memory_space<semaphore_mem>>) src(%dma_wait3A_402 : memref<10240x128xf32, #tpu.memory_space<hbm>>) dst(%dma_wait3A_396 : memref<64x128xf32, #tpu.memory_space<vmem>>)
      %dma_start3A_403 = arith.constant 3 : i32
      %dma_start3A_404 = arith.constant 0 : i32
      %dma_start3A_405 = arith.constant 0 : i32
      %dma_start3A_406 = tpu.memref_slice %arg8[%dma_start3A_403, %dma_start3A_404, %dma_start3A_405] : memref<4x64x128xf32, #tpu.memory_space<vmem>> -> memref<1x64x128xf32, #tpu.memory_space<vmem>>
      %dma_start3A_407 = tpu.memref_squeeze %dma_start3A_406 : memref<1x64x128xf32, #tpu.memory_space<vmem>> -> memref<64x128xf32, #tpu.memory_space<vmem>>
      %dma_start3A_408 = arith.constant 0 : i32
      %dma_start3A_409 = tpu.memref_slice %arg7[%add3A_391, %dma_start3A_408] : memref<32x64xi32, #tpu.memory_space<vmem>> -> memref<1x64xi32, #tpu.memory_space<vmem>>
      %dma_start3A_410 = tpu.memref_squeeze %dma_start3A_409 : memref<1x64xi32, #tpu.memory_space<vmem>> -> memref<64xi32, #tpu.memory_space<vmem>>
      %dma_start3A_411 = arith.constant 0 : i32
      %dma_start3A_412 = arith.constant 0 : i32
      %dma_start3A_413 = tpu.memref_slice %arg10[%dma_start3A_411, %dma_start3A_412] : memref<10240x128xf32, #tpu.memory_space<vmem_shared>> -> memref<10240x128xf32, #tpu.memory_space<vmem_shared>>
      tpu.enqueue_indirect_dma source(%dma_start3A_407 : memref<64x128xf32, #tpu.memory_space<vmem>>) target(%dma_start3A_413 : memref<10240x128xf32, #tpu.memory_space<vmem_shared>>) offsets(%dma_start3A_410 : memref<64xi32, #tpu.memory_space<vmem>>) semaphore(%arg18 : memref<!tpu.dma_semaphore, #tpu.memory_space<semaphore_mem>>) {add = true}
      %ge3A_414 = arith.constant 2 : i32
      %ge3A_415 = arith.cmpi sge, %add3A_391, %ge3A_414 : i32
      %convert_element_type3A_416 = arith.extui %ge3A_415 : i1 to i32
      %cond3A_417 = arith.constant 0 : i32
      %cond3A_418 = arith.cmpi ne, %convert_element_type3A_416, %cond3A_417 : i32
      scf.if %cond3A_418 {
        %sub3A = arith.constant 2 : i32
        %sub3A_426 = arith.subi %add3A_391, %sub3A : i32
        %dma_wait3A_427 = arith.constant 1 : i32
        %dma_wait3A_428 = arith.constant 0 : i32
        %dma_wait3A_429 = arith.constant 0 : i32
        %dma_wait3A_430 = tpu.memref_slice %arg8[%dma_wait3A_427, %dma_wait3A_428, %dma_wait3A_429] : memref<4x64x128xf32, #tpu.memory_space<vmem>> -> memref<1x64x128xf32, #tpu.memory_space<vmem>>
        %dma_wait3A_431 = tpu.memref_squeeze %dma_wait3A_430 : memref<1x64x128xf32, #tpu.memory_space<vmem>> -> memref<64x128xf32, #tpu.memory_space<vmem>>
        %dma_wait3A_432 = arith.constant 0 : i32
        %dma_wait3A_433 = tpu.memref_slice %arg7[%sub3A_426, %dma_wait3A_432] : memref<32x64xi32, #tpu.memory_space<vmem>> -> memref<1x64xi32, #tpu.memory_space<vmem>>
        %dma_wait3A_434 = tpu.memref_squeeze %dma_wait3A_433 : memref<1x64xi32, #tpu.memory_space<vmem>> -> memref<64xi32, #tpu.memory_space<vmem>>
        %dma_wait3A_435 = arith.constant 0 : i32
        %dma_wait3A_436 = arith.constant 0 : i32
        %dma_wait3A_437 = tpu.memref_slice %arg10[%dma_wait3A_435, %dma_wait3A_436] : memref<10240x128xf32, #tpu.memory_space<vmem_shared>> -> memref<10240x128xf32, #tpu.memory_space<vmem_shared>>
        tpu.wait_indirect_dma semaphore(%arg16 : memref<!tpu.dma_semaphore, #tpu.memory_space<semaphore_mem>>) src(%dma_wait3A_431 : memref<64x128xf32, #tpu.memory_space<vmem>>) dst(%dma_wait3A_437 : memref<10240x128xf32, #tpu.memory_space<vmem_shared>>)
      } else {
      }
      %add3A_419 = arith.constant 2 : i32
      %add3A_420 = arith.addi %add3A_391, %add3A_419 : i32
      %lt3A_421 = arith.constant 32 : i32
      %lt3A_422 = arith.cmpi slt, %add3A_420, %lt3A_421 : i32
      %convert_element_type3A_423 = arith.extui %lt3A_422 : i1 to i32
      %cond3A_424 = arith.constant 0 : i32
      %cond3A_425 = arith.cmpi ne, %convert_element_type3A_423, %cond3A_424 : i32
      scf.if %cond3A_425 {
        %add3A_426 = arith.constant 2 : i32
        %add3A_427 = arith.addi %add3A_391, %add3A_426 : i32
        %dma_start3A_428 = arith.constant 1 : i32
        %dma_start3A_429 = arith.constant 0 : i32
        %dma_start3A_430 = arith.constant 0 : i32
        %dma_start3A_431 = tpu.memref_slice %arg8[%dma_start3A_428, %dma_start3A_429, %dma_start3A_430] : memref<4x64x128xf32, #tpu.memory_space<vmem>> -> memref<1x64x128xf32, #tpu.memory_space<vmem>>
        %dma_start3A_432 = tpu.memref_squeeze %dma_start3A_431 : memref<1x64x128xf32, #tpu.memory_space<vmem>> -> memref<64x128xf32, #tpu.memory_space<vmem>>
        %dma_start3A_433 = arith.constant 0 : i32
        %dma_start3A_434 = tpu.memref_slice %arg6[%add3A_427, %dma_start3A_433] : memref<32x64xi32, #tpu.memory_space<vmem>> -> memref<1x64xi32, #tpu.memory_space<vmem>>
        %dma_start3A_435 = tpu.memref_squeeze %dma_start3A_434 : memref<1x64xi32, #tpu.memory_space<vmem>> -> memref<64xi32, #tpu.memory_space<vmem>>
        %dma_start3A_436 = arith.constant 0 : i32
        %dma_start3A_437 = arith.constant 0 : i32
        %dma_start3A_438 = tpu.memref_slice %arg4[%dma_start3A_436, %dma_start3A_437] : memref<10240x128xf32, #tpu.memory_space<hbm>> -> memref<10240x128xf32, #tpu.memory_space<hbm>>
        tpu.enqueue_indirect_dma source(%dma_start3A_438 : memref<10240x128xf32, #tpu.memory_space<hbm>>) target(%dma_start3A_432 : memref<64x128xf32, #tpu.memory_space<vmem>>) offsets(%dma_start3A_435 : memref<64xi32, #tpu.memory_space<vmem>>) semaphore(%arg12 : memref<!tpu.dma_semaphore, #tpu.memory_space<semaphore_mem>>)
      } else {
      }
    }
    %scan3A_257 = arith.constant 8 : i32
    %dma_wait3A_258 = arith.constant 2 : i32
    %dma_wait3A_259 = arith.constant 30 : i32
    %dma_wait3A_260 = arith.constant 0 : i32
    %dma_wait3A_261 = arith.constant 0 : i32
    %dma_wait3A_262 = tpu.memref_slice %arg8[%dma_wait3A_258, %dma_wait3A_260, %dma_wait3A_261] : memref<4x64x128xf32, #tpu.memory_space<vmem>> -> memref<1x64x128xf32, #tpu.memory_space<vmem>>
    %dma_wait3A_263 = tpu.memref_squeeze %dma_wait3A_262 : memref<1x64x128xf32, #tpu.memory_space<vmem>> -> memref<64x128xf32, #tpu.memory_space<vmem>>
    %dma_wait3A_264 = arith.constant 0 : i32
    %dma_wait3A_265 = tpu.memref_slice %arg7[%dma_wait3A_259, %dma_wait3A_264] : memref<32x64xi32, #tpu.memory_space<vmem>> -> memref<1x64xi32, #tpu.memory_space<vmem>>
    %dma_wait3A_266 = tpu.memref_squeeze %dma_wait3A_265 : memref<1x64xi32, #tpu.memory_space<vmem>> -> memref<64xi32, #tpu.memory_space<vmem>>
    %dma_wait3A_267 = arith.constant 0 : i32
    %dma_wait3A_268 = arith.constant 0 : i32
    %dma_wait3A_269 = tpu.memref_slice %arg10[%dma_wait3A_267, %dma_wait3A_268] : memref<10240x128xf32, #tpu.memory_space<vmem_shared>> -> memref<10240x128xf32, #tpu.memory_space<vmem_shared>>
    tpu.wait_indirect_dma semaphore(%arg17 : memref<!tpu.dma_semaphore, #tpu.memory_space<semaphore_mem>>) src(%dma_wait3A_263 : memref<64x128xf32, #tpu.memory_space<vmem>>) dst(%dma_wait3A_269 : memref<10240x128xf32, #tpu.memory_space<vmem_shared>>)
    %dma_wait3A_270 = arith.constant 3 : i32
    %dma_wait3A_271 = arith.constant 31 : i32
    %dma_wait3A_272 = arith.constant 0 : i32
    %dma_wait3A_273 = arith.constant 0 : i32
    %dma_wait3A_274 = tpu.memref_slice %arg8[%dma_wait3A_270, %dma_wait3A_272, %dma_wait3A_273] : memref<4x64x128xf32, #tpu.memory_space<vmem>> -> memref<1x64x128xf32, #tpu.memory_space<vmem>>
    %dma_wait3A_275 = tpu.memref_squeeze %dma_wait3A_274 : memref<1x64x128xf32, #tpu.memory_space<vmem>> -> memref<64x128xf32, #tpu.memory_space<vmem>>
    %dma_wait3A_276 = arith.constant 0 : i32
    %dma_wait3A_277 = tpu.memref_slice %arg7[%dma_wait3A_271, %dma_wait3A_276] : memref<32x64xi32, #tpu.memory_space<vmem>> -> memref<1x64xi32, #tpu.memory_space<vmem>>
    %dma_wait3A_278 = tpu.memref_squeeze %dma_wait3A_277 : memref<1x64xi32, #tpu.memory_space<vmem>> -> memref<64xi32, #tpu.memory_space<vmem>>
    %dma_wait3A_279 = arith.constant 0 : i32
    %dma_wait3A_280 = arith.constant 0 : i32
    %dma_wait3A_281 = tpu.memref_slice %arg10[%dma_wait3A_279, %dma_wait3A_280] : memref<10240x128xf32, #tpu.memory_space<vmem_shared>> -> memref<10240x128xf32, #tpu.memory_space<vmem_shared>>
    tpu.wait_indirect_dma semaphore(%arg18 : memref<!tpu.dma_semaphore, #tpu.memory_space<semaphore_mem>>) src(%dma_wait3A_275 : memref<64x128xf32, #tpu.memory_space<vmem>>) dst(%dma_wait3A_281 : memref<10240x128xf32, #tpu.memory_space<vmem_shared>>)
    %barrier3A_282 = arith.constant 0 : index
    tpu.barrier barrier_id(%barrier3A_282)
    "tpu.region"() ({
      %run_scoped3A = tpu.sem_alloc : memref<!tpu.dma_semaphore, #tpu.memory_space<semaphore_mem>>
      %dma_start3A_283 = arith.constant 0 : i32
      %dma_start3A_284 = tpu.memref_slice %arg5[%arg0, %mul3A_2, %dma_start3A_283] : memref<2x10240x128xf32, #tpu.memory_space<hbm>> -> memref<1x640x128xf32, #tpu.memory_space<hbm>>
      %dma_start3A_285 = tpu.memref_squeeze %dma_start3A_284 : memref<1x640x128xf32, #tpu.memory_space<hbm>> -> memref<640x128xf32, #tpu.memory_space<hbm>>
      %dma_start3A_286 = arith.constant 0 : i32
      %dma_start3A_287 = tpu.memref_slice %arg10[%mul3A_2, %dma_start3A_286] : memref<10240x128xf32, #tpu.memory_space<vmem_shared>> -> memref<640x128xf32, #tpu.memory_space<vmem_shared>>
      tpu.enqueue_dma source(%dma_start3A_287 : memref<640x128xf32, #tpu.memory_space<vmem_shared>>) target(%dma_start3A_285 : memref<640x128xf32, #tpu.memory_space<hbm>>) target_semaphore(%run_scoped3A : memref<!tpu.dma_semaphore, #tpu.memory_space<semaphore_mem>>)
      %dma_wait3A_288 = arith.constant 0 : i32
      %dma_wait3A_289 = tpu.memref_slice %arg5[%arg0, %mul3A_2, %dma_wait3A_288] : memref<2x10240x128xf32, #tpu.memory_space<hbm>> -> memref<1x640x128xf32, #tpu.memory_space<hbm>>
      %dma_wait3A_290 = tpu.memref_squeeze %dma_wait3A_289 : memref<1x640x128xf32, #tpu.memory_space<hbm>> -> memref<640x128xf32, #tpu.memory_space<hbm>>
      %dma_wait3A_291 = arith.constant 0 : i32
      %dma_wait3A_292 = tpu.memref_slice %arg10[%mul3A_2, %dma_wait3A_291] : memref<10240x128xf32, #tpu.memory_space<vmem_shared>> -> memref<640x128xf32, #tpu.memory_space<vmem_shared>>
      tpu.wait_dma2 semaphore(%run_scoped3A : memref<!tpu.dma_semaphore, #tpu.memory_space<semaphore_mem>>) src(%dma_wait3A_292 : memref<640x128xf32, #tpu.memory_space<vmem_shared>>) dst(%dma_wait3A_290 : memref<640x128xf32, #tpu.memory_space<hbm>>)
      tpu.yield
    }) : () -> ()
    return
  }
}

module attributes {stable_mosaic.version = 14 : i64} {
  func.func @_mm_body(%arg0: i32, %arg1: memref<1024x128xf32, #tpu.memory_space<vmem>>, %arg2: memref<128x128xf32, #tpu.memory_space<vmem>>, %arg3: memref<2x1024x16xf32, #tpu.memory_space<vmem>>, %arg4: memref<1024x128xf32, #tpu.memory_space<vmem>>) attributes {dimension_semantics = [#tpu.dimension_semantics<arbitrary>], iteration_bounds = array<i64: 10>, scalar_prefetch = 0 : i64, scratch_operands = 0 : i64, tpu.core_type = #tpu.core_type<tc>, window_params = [{transform_indices = @transform_0, window_bounds = array<i64: 1024, 128>}, {pipeline_mode = #tpu.pipeline_mode<synchronous>, transform_indices = @transform_1, window_bounds = array<i64: 128, 128>}, {transform_indices = @transform_2, window_bounds = array<i64: 2, 1024, 16>}, {transform_indices = @transform_3, window_bounds = array<i64: 1024, 128>}]} {
    %get3A = arith.constant 0 : index
    %get3A_0 = arith.constant 0 : index
    %get3A_1 = arith.constant 0 : index
    %get3A_2 = vector.load %arg3[%get3A, %get3A_0, %get3A_1] : memref<2x1024x16xf32, #tpu.memory_space<vmem>>, vector<1x1024x1xf32>
    %get3A_3 = vector.shape_cast %get3A_2 : vector<1x1024x1xf32> to vector<1024xf32>
    %get3A_4 = arith.constant 1 : index
    %get3A_5 = arith.constant 0 : index
    %get3A_6 = arith.constant 0 : index
    %get3A_7 = vector.load %arg3[%get3A_4, %get3A_5, %get3A_6] : memref<2x1024x16xf32, #tpu.memory_space<vmem>>, vector<1x1024x1xf32>
    %get3A_8 = vector.shape_cast %get3A_7 : vector<1x1024x1xf32> to vector<1024xf32>
    %add3A = arith.addf %get3A_3, %get3A_8 : vector<1024xf32>
    %add3A_9 = arith.constant 1.000000e+00 : f32
    %add3A_10 = vector.broadcast %add3A_9 : f32 to vector<1024xf32>
    %add3A_11 = arith.addf %add3A, %add3A_10 : vector<1024xf32>
    %rsqrt3A = math.rsqrt %add3A_11 : vector<1024xf32>
    %get3A_12 = arith.constant 0 : index
    %get3A_13 = arith.constant 0 : index
    %get3A_14 = vector.load %arg1[%get3A_12, %get3A_13] : memref<1024x128xf32, #tpu.memory_space<vmem>>, vector<1024x128xf32>
    %get3A_15 = arith.constant 0 : index
    %get3A_16 = arith.constant 0 : index
    %get3A_17 = vector.load %arg2[%get3A_15, %get3A_16] : memref<128x128xf32, #tpu.memory_space<vmem>>, vector<128x128xf32>
    %dot_general3A = arith.constant dense<0.000000e+00> : vector<1024x128xf32>
    %dot_general3A_18 = tpu.matmul %get3A_14, %get3A_17, %dot_general3A {dimension_numbers = #tpu.dot_dimension_numbers<[1], [0], [0], [1], [0, 0, 1, 1], [], []>, transpose_lhs_hint = false} : vector<1024x128xf32>, vector<128x128xf32>, vector<1024x128xf32> -> vector<1024x128xf32>
    %broadcast_in_dim3A = vector.shape_cast %rsqrt3A : vector<1024xf32> to vector<1024x1xf32>
    %mul3A = vector.broadcast %broadcast_in_dim3A : vector<1024x1xf32> to vector<1024x128xf32>
    %mul3A_19 = arith.mulf %dot_general3A_18, %mul3A : vector<1024x128xf32>
    %swap3A = arith.constant 0 : index
    %swap3A_20 = arith.constant 0 : index
    %swap3A_21 = vector.load %arg4[%swap3A, %swap3A_20] : memref<1024x128xf32, #tpu.memory_space<vmem>>, vector<1024x128xf32>
    tpu.vector_store %arg4[%swap3A, %swap3A_20], %mul3A_19 {strides = array<i32>} : memref<1024x128xf32, #tpu.memory_space<vmem>>, vector<1024x128xf32>,
    return
  }
  func.func @transform_0(%arg0: i32) -> (i32, i32) {
    %c0_i32 = arith.constant 0 : i32
    %c0_i32_0 = arith.constant 0 : i32
    return %arg0, %c0_i32 : i32, i32
  }
  func.func @transform_1(%arg0: i32) -> (i32, i32) {
    %c0_i32 = arith.constant 0 : i32
    %c0_i32_0 = arith.constant 0 : i32
    %c0_i32_1 = arith.constant 0 : i32
    return %c0_i32, %c0_i32_0 : i32, i32
  }
  func.func @transform_2(%arg0: i32) -> (i32, i32, i32) {
    %c0_i32 = arith.constant 0 : i32
    %c0_i32_0 = arith.constant 0 : i32
    %c0_i32_1 = arith.constant 0 : i32
    return %c0_i32, %arg0, %c0_i32_0 : i32, i32, i32
  }
  func.func @transform_3(%arg0: i32) -> (i32, i32) {
    %c0_i32 = arith.constant 0 : i32
    %c0_i32_0 = arith.constant 0 : i32
    return %arg0, %c0_i32 : i32, i32
  }
}

module attributes {stable_mosaic.version = 14 : i64} {
  func.func @_comb_body(%arg0: i32, %arg1: memref<2x1024x128xf32, #tpu.memory_space<vmem>>, %arg2: memref<1024x128xf32, #tpu.memory_space<vmem>>, %arg3: memref<2x1024x16xf32, #tpu.memory_space<vmem>>, %arg4: memref<1024x128xf32, #tpu.memory_space<vmem>>) attributes {dimension_semantics = [#tpu.dimension_semantics<arbitrary>], iteration_bounds = array<i64: 10>, scalar_prefetch = 0 : i64, scratch_operands = 0 : i64, tpu.core_type = #tpu.core_type<tc>, window_params = [{transform_indices = @transform_0, window_bounds = array<i64: 2, 1024, 128>}, {transform_indices = @transform_1, window_bounds = array<i64: 1024, 128>}, {transform_indices = @transform_2, window_bounds = array<i64: 2, 1024, 16>}, {transform_indices = @transform_3, window_bounds = array<i64: 1024, 128>}]} {
    %get3A = arith.constant 0 : index
    %get3A_0 = arith.constant 0 : index
    %get3A_1 = arith.constant 0 : index
    %get3A_2 = vector.load %arg3[%get3A, %get3A_0, %get3A_1] : memref<2x1024x16xf32, #tpu.memory_space<vmem>>, vector<1x1024x1xf32>
    %get3A_3 = vector.shape_cast %get3A_2 : vector<1x1024x1xf32> to vector<1024xf32>
    %get3A_4 = arith.constant 1 : index
    %get3A_5 = arith.constant 0 : index
    %get3A_6 = arith.constant 0 : index
    %get3A_7 = vector.load %arg3[%get3A_4, %get3A_5, %get3A_6] : memref<2x1024x16xf32, #tpu.memory_space<vmem>>, vector<1x1024x1xf32>
    %get3A_8 = vector.shape_cast %get3A_7 : vector<1x1024x1xf32> to vector<1024xf32>
    %add3A = arith.addf %get3A_3, %get3A_8 : vector<1024xf32>
    %add3A_9 = arith.constant 1.000000e+00 : f32
    %add3A_10 = vector.broadcast %add3A_9 : f32 to vector<1024xf32>
    %add3A_11 = arith.addf %add3A, %add3A_10 : vector<1024xf32>
    %rsqrt3A = math.rsqrt %add3A_11 : vector<1024xf32>
    %get3A_12 = arith.constant 0 : index
    %get3A_13 = arith.constant 0 : index
    %get3A_14 = arith.constant 0 : index
    %get3A_15 = vector.load %arg1[%get3A_12, %get3A_13, %get3A_14] : memref<2x1024x128xf32, #tpu.memory_space<vmem>>, vector<1x1024x128xf32>
    %get3A_16 = vector.shape_cast %get3A_15 : vector<1x1024x128xf32> to vector<1024x128xf32>
    %get3A_17 = arith.constant 1 : index
    %get3A_18 = arith.constant 0 : index
    %get3A_19 = arith.constant 0 : index
    %get3A_20 = vector.load %arg1[%get3A_17, %get3A_18, %get3A_19] : memref<2x1024x128xf32, #tpu.memory_space<vmem>>, vector<1x1024x128xf32>
    %get3A_21 = vector.shape_cast %get3A_20 : vector<1x1024x128xf32> to vector<1024x128xf32>
    %add3A_22 = arith.addf %get3A_16, %get3A_21 : vector<1024x128xf32>
    %get3A_23 = arith.constant 0 : index
    %get3A_24 = arith.constant 0 : index
    %get3A_25 = vector.load %arg2[%get3A_23, %get3A_24] : memref<1024x128xf32, #tpu.memory_space<vmem>>, vector<1024x128xf32>
    %add3A_26 = arith.addf %add3A_22, %get3A_25 : vector<1024x128xf32>
    %broadcast_in_dim3A = vector.shape_cast %rsqrt3A : vector<1024xf32> to vector<1024x1xf32>
    %mul3A = vector.broadcast %broadcast_in_dim3A : vector<1024x1xf32> to vector<1024x128xf32>
    %mul3A_27 = arith.mulf %add3A_26, %mul3A : vector<1024x128xf32>
    %swap3A = arith.constant 0 : index
    %swap3A_28 = arith.constant 0 : index
    %swap3A_29 = vector.load %arg4[%swap3A, %swap3A_28] : memref<1024x128xf32, #tpu.memory_space<vmem>>, vector<1024x128xf32>
    tpu.vector_store %arg4[%swap3A, %swap3A_28], %mul3A_27 {strides = array<i32>} : memref<1024x128xf32, #tpu.memory_space<vmem>>, vector<1024x128xf32>,
    return
  }
  func.func @transform_0(%arg0: i32) -> (i32, i32, i32) {
    %c0_i32 = arith.constant 0 : i32
    %c0_i32_0 = arith.constant 0 : i32
    %c0_i32_1 = arith.constant 0 : i32
    return %c0_i32, %arg0, %c0_i32_0 : i32, i32, i32
  }
  func.func @transform_1(%arg0: i32) -> (i32, i32) {
    %c0_i32 = arith.constant 0 : i32
    %c0_i32_0 = arith.constant 0 : i32
    return %arg0, %c0_i32 : i32, i32
  }
  func.func @transform_2(%arg0: i32) -> (i32, i32, i32) {
    %c0_i32 = arith.constant 0 : i32
    %c0_i32_0 = arith.constant 0 : i32
    %c0_i32_1 = arith.constant 0 : i32
    return %c0_i32, %arg0, %c0_i32_0 : i32, i32, i32
  }
  func.func @transform_3(%arg0: i32) -> (i32, i32) {
    %c0_i32 = arith.constant 0 : i32
    %c0_i32_0 = arith.constant 0 : i32
    return %arg0, %c0_i32 : i32, i32
  }
}

</mosaic_0001>

<sc_bundles>
// kernel: kernel.6.cloned.1.call-start
scs
__scs_entry_jumppad:
0x0: {  	(pc) =	sbr.rel $0x88, $3  }
0x1: {  	(tag) =	ssettag $0x0;
	lr =	simm.s32 $0x1  }
0x2: {  	[smem:$0x3F9E] =	sst lr;
	_ =	strace $0xD0000000  }
0x3: {  	_ = 	snop  }
0x4: {  	_ = 	snop  }
0x5: {  	_ = 	snop  }
0x6: {  	_ = 	snop  }
0x7: {  	_ = 	snop  }
__scs_overlays_trampoline_lowered:
0x8: {  	[smem:$0x3FAD] =	sst s0  }
0x9: {  	[smem:$0x3FAE] =	sst s1  }
0xa: {  	[smem:$0x3FAF] =	sst s2  }
0xb: {  	[smem:$0x3FB0] =	sst s3  }
0xc: {  	[smem:$0x3FB1] =	sst s4  }
0xd: {  	[smem:$0x3FB2] =	sst s5  }
0xe: {  	[smem:$0x3FB3] =	sst s6  }
0xf: {  	[smem:$0x3FB4] =	sst s7  }
0x10: {  	[smem:$0x3FB5] =	sst s8  }
0x11: {  	[smem:$0x3FB6] =	sst s9;
	s0 =	simm.s32 @!p0 $0x0  }
0x12: {  	s1 =	sld [smem:$0x3F9C];
	s0 =	simm.s32 @p0 $0x1  }
0x13: {  	[smem:$0x3FB7] =	sst s0;
	s0 =	simm.s32 @!p1 $0x0  }
0x14: {  	s2 =	sld [smem:$0x3F9B];
	s0 =	simm.s32 @p1 $0x1  }
0x15: {  	[smem:$0x3FB8] =	sst s0;
	s0 =	simm.s32 @!p2 $0x0  }
0x16: {  	s3 =	sld [smem:$0x3FDB];
	s0 =	simm.s32 @p2 $0x1  }
0x17: {  	s4 =	simm.s32 $0x1BF5;
	[smem:$0x3FBA] =	sst s0  }
0x18: {  	s0 =	sld [smem:$0x3F9D];
	_ =	swait.ge [sflag:s4], $0x0  }
0x19: {  	s7 =	sld [smem:$0x3F9E]  }
0x1a: {  	s8 =	sadd.s32 $0xFFFFE003, lr  }
0x1b: {  	s9 =	sadd.s32 $0xFFFFFEF7, lr;
	s5 =	simm.s32 $0xFFFFFFFF;
	p2 =	slt.u32 s8, $0xFFFFF086  }
0x1c: {  	p1 =	slt.u32 s9, $0xF7A;
	s5 =	simm.s32 @!p2 $0x0  }
0x1d: {  	s5 =	simm.s32 @p1 $0x1;
	p0 =	seq.s32 s7, s2  }
0x1e: {  	s7 =	smul.u32 @!p0 $0xF7A, s2;
	p2 =	seq.s32 @!p0 s5, $0x0  }
0x1f: {  	s9 =	smul.u32 $0xF7A, s1;
	s8 =	simm.s32 @!p0 $0x1BF5;
	p2 =	por !p2, p0  }
0x20: {  	[sflag:s8] =	ssyncset.s32 @!p0 $0xFFFFF086;
	s6 =	sadd.s32 @!p0 s3, s7;
	s7 =	simm.s32 @!p0 $0x108  }
0x21: {  	s3 =	sadd.s32 s3, s9;
	s6 =	sadd.s32 @!p0 $0x88, s6;
	s7 =	simm.s32 @p2 $0x1082  }
0x22: {  	[simem:s7], [sflag:s8] =	dma.local @!p0 [hbm:s6], $0xF7A  }
0x23: {  	s9 =	sor.u32 $0xD0000000, s2;
	s6 =	simm.s32 $0x108;
	_ =	swait.ge @!p0 [sflag:s8], $0x0  }
0x24: {  	s3 =	sadd.s32 $0x88, s3;
	s6 =	simm.s32 @!p1 $0x1082;
	[sflag:s4] =	ssyncset.s32 $0xFFFFF086  }
0x25: {  	[simem:s6], [sflag:s4] =	dma.local [hbm:s3], $0xF7A  }
0x26: {  	[smem:$0x3F9E] =	sst s1;
	(tag) =	ssettag s2;
	_ =	strace s9  }
0x27: {  	s1 =	sld [smem:$0x3FAE]  }
0x28: {  	s2 =	sld [smem:$0x3FAF]  }
0x29: {  	s4 =	sld [smem:$0x3FB1]  }
0x2a: {  	p0 =	seq.s32 s5, $0x0;
	s5 =	sld [smem:$0x3FB2]  }
0x2b: {  	s6 =	sld [smem:$0x3FB3]  }
0x2c: {  	s7 =	sld [smem:$0x3FB4]  }
0x2d: {  	s3 =	simm.s32 $0x108;
	s8 =	sld [smem:$0x3FB5]  }
0x2e: {  	s3 =	simm.s32 @!p0 $0x1082;
	s9 =	sld [smem:$0x3FB6]  }
0x2f: {  	lr =	sadd.s32 s0, s3;
	s0 =	sld [smem:$0x3FAD]  }
0x30: {  	s3 =	sld [smem:$0x3FB0]  }
0x31: {  	[smem:$0x3FB9] =	sst s10  }
0x32: {  	s10 =	sld [smem:$0x3FB7];
	_ =	sdelay $0x3  }
0x33: {  	p0 =	seq.s32 s10, $0x1;
	s10 =	sld [smem:$0x3FB9];
	_ =	sdelay $0x3  }
0x34: {  	[smem:$0x3FB9] =	sst s10  }
0x35: {  	s10 =	sld [smem:$0x3FB8];
	_ =	sdelay $0x3  }
0x36: {  	p1 =	seq.s32 s10, $0x1;
	s10 =	sld [smem:$0x3FB9];
	_ =	sdelay $0x3  }
0x37: {  	[smem:$0x3FB9] =	sst s10  }
0x38: {  	s10 =	sld [smem:$0x3FBA]  }
0x39: {  	_ = 	snop;
	(pc) =	sbr.ind lr, $3  }
0x3a: {  	_ = 	snop  }
0x3b: {  	_ = 	snop  }
0x3c: {  	p2 =	seq.s32 s10, $0x1;
	s10 =	sld [smem:$0x3FB9]  }
0x3d: {  	_ =	shalt  }
0x3e: {  	_ =	shalt  }
0x3f: {  	_ =	shalt  }
0x40: {  	_ =	shalt  }
0x41: {  	_ =	shalt  }
0x42: {  	_ =	shalt  }
0x43: {  	_ =	shalt  }
0x44: {  	_ =	shalt  }
0x45: {  	_ =	shalt  }
0x46: {  	_ =	shalt  }
0x47: {  	_ =	shalt  }
0x48: {  	_ =	shalt  }
0x49: {  	_ =	shalt  }
0x4a: {  	_ =	shalt  }
0x4b: {  	_ =	shalt  }
0x4c: {  	_ =	shalt  }
0x4d: {  	_ =	shalt  }
0x4e: {  	_ =	shalt  }
0x4f: {  	_ =	shalt  }
0x50: {  	_ =	shalt  }
0x51: {  	_ =	shalt  }
0x52: {  	_ =	shalt  }
0x53: {  	_ =	shalt  }
0x54: {  	_ =	shalt  }
0x55: {  	_ =	shalt  }
0x56: {  	_ =	shalt  }
0x57: {  	_ =	shalt  }
0x58: {  	_ =	shalt  }
0x59: {  	_ =	shalt  }
0x5a: {  	_ =	shalt  }
0x5b: {  	_ =	shalt  }
0x5c: {  	_ =	shalt  }
0x5d: {  	_ =	shalt  }
0x5e: {  	_ =	shalt  }
0x5f: {  	_ =	shalt  }
0x60: {  	_ =	shalt  }
0x61: {  	_ =	shalt  }
0x62: {  	_ =	shalt  }
0x63: {  	_ =	shalt  }
0x64: {  	_ =	shalt  }
0x65: {  	_ =	shalt  }
0x66: {  	_ =	shalt  }
0x67: {  	_ =	shalt  }
0x68: {  	_ =	shalt  }
0x69: {  	_ =	shalt  }
0x6a: {  	_ =	shalt  }
0x6b: {  	_ =	shalt  }
0x6c: {  	_ =	shalt  }
0x6d: {  	_ =	shalt  }
0x6e: {  	_ =	shalt  }
0x6f: {  	_ =	shalt  }
0x70: {  	_ =	shalt  }
0x71: {  	_ =	shalt  }
0x72: {  	_ =	shalt  }
0x73: {  	_ =	shalt  }
0x74: {  	_ =	shalt  }
0x75: {  	_ =	shalt  }
0x76: {  	_ =	shalt  }
0x77: {  	_ =	shalt  }
0x78: {  	_ =	shalt  }
0x79: {  	_ =	shalt  }
0x7a: {  	_ =	shalt  }
0x7b: {  	_ =	shalt  }
0x7c: {  	_ =	shalt  }
0x7d: {  	_ =	shalt  }
0x7e: {  	_ =	shalt  }
0x7f: {  	_ =	shalt  }
0x80: {  	_ =	shalt  }
0x81: {  	_ =	shalt  }
0x82: {  	_ =	shalt  }
0x83: {  	_ =	shalt  }
0x84: {  	_ =	shalt  }
0x85: {  	_ =	shalt  }
0x86: {  	_ =	shalt  }
0x87: {  	_ =	shalt  }
.Lfunc_end0:
.L_simem_size_0:
called_computation_lowered:
.L_overlay_start_0:
0x88: {  	s2 =	sld [smem:$0x3FD9]  }
0x89: {  	s3 =	sld [smem:$0x3FFE];
	_ =	sdelay $0x1  }
0x8a: {  	s1 =	srdreg.scid  }
0x8b: {  	s0 =	sand.u32 $0x1, s1  }
0x8c: {  	s16 =	sshll.u32 s0, $0xA;
	s2 =	sadd.s32 s3, s2  }
0x8d: {  	s2 =	sadd.s32 s2, s16  }
0x8e: {  	[smem:$0x3FC5] =	sst s2  }
0x8f: {  	_ = 	snop  }
0x90: {  	(tm) =	ssettm $0x1  }
0x91: {  	s17 =	sld [smem:$0x3FFB];
	_ =	sdelay $0x3  }
0x92: {  	_ =	strace s17  }
0x93: {  	s2 =	sld [smem:$0x3FFC];
	_ =	sdelay $0x3  }
0x94: {  	_ =	strace s2  }
0x95: {  	s2 =	sld [smem:$0x3FFD];
	_ =	sdelay $0x3  }
0x96: {  	_ =	strace s2  }
0x97: {  	_ =	strace $0x8FFFFFFF  }
0x98: {  	s18 =	sld [smem:$0x3FDB];
	_ =	sdelay $0x1  }
0x99: {  	s19 =	simm.s32 $_scs_section_size  }
0x9a: {  	s4 =	simm.s32 $_size__tile_overlayer_lowered;
	s5 =	simm.s32 $_tile_overlayer_lowered  }
0x9b: {  	s22 =	simm.s32 $0x1BFF;
	s21 =	sshll.u32 s5, $0x1;
	s2 =	sadd.s32 s19, s18  }
0x9c: {  	s6 =	simm.s32 $0x0;
	s20 =	sshll.u32 s4, $0x1;
	s4 =	sadd.s32 s21, s2  }
0x9d: {  	[timem:s6], [sflag:s22] =	dma.local [hbm:s4], s20  }
0x9e: {  	_ =	swait.ge [sflag:s22], s20  }
0x9f: {  	s3 =	ssub.s32 $0x0, s20;
	[sflag:s22] =	ssyncset.done $0x0  }
0xa0: {  	[sflag:s22] =	ssyncadd.s32 s3;
	_ =	sdelay $0x1  }
0xa1: {  	s23 =	simm.s32 $0x1B8B  }
0xa2: {  	_ =	swait.ge [sflag:s23], $0x1  }
0xa3: {  	[sflag:s23] =	ssyncset.done $0x0  }
0xa4: {  	s25 =	simm.s32 $0x1B8E;
	s24 =	sld [smem:$0x3FFE];
	[sflag:s23] =	ssyncadd.s32 $0xFFFFFFFF  }
0xa5: {  	s26 =	simm.s32 $execute0_lowered;
	[smem:$0x3FD2] =	sst s25  }
0xa6: {  	s4 =	sshll.u32 s26, $0x1;
	_ =	strace $0x80000046;
	[dreg:$0x1] =	wrdreg $0xFFFFFFFF  }
0xa7: {  	s28 =	simm.s32 $_size_execute0_lowered;
	s2 =	sadd.s32 s2, s4;
	[dreg:$0x0] =	wrdreg $0x0  }
0xa8: {  	s4 =	sshll.u32 s28, $0x1;
	[dreg:$0x2] =	wrdreg s2  }
0xa9: {  	[dreg:$0x3] =	wrdreg s4  }
0xaa: {  	[dreg:$0x4] =	wrdreg $0xC0  }
0xab: {  	_ =	task [dreg:s6], $0x5FFFF  }
0xac: {  	[dreg:$0x1] =	wrdreg $0xFFFFFFFF  }
0xad: {  	[dreg:$0x0] =	wrdreg $0x60  }
0xae: {  	[dreg:$0x2] =	wrdreg s24  }
0xaf: {  	[dreg:$0x3] =	wrdreg $0x78000  }
0xb0: {  	[dreg:$0x4] =	wrdreg $0x9  }
0xb1: {  	_ =	task.clear_ibuf [dreg:s6], $0x5FFFF;
	_ =	strace $0x90000046  }
0xb2: {  	s29 =	simm.s32 $0x9;
	_ =	strace $0x80000048  }
0xb3: {  	_ =	swait.ge [sflag:s29], $0x1  }
0xb4: {  	[sflag:s29] =	ssyncadd.s32 $0xFFFFFFFF  }
0xb5: {  	_ =	strace $0x90000048  }
0xb6: {  	_ =	sfence  }
0xb7: {  	s30 =	sld [smem:$0x0];
	_ =	sdelay $0x2  }
0xb8: {  	s31 =	sshll.u32 s1, $0xD;
	s1 =	sshrl.u32 s1, $0x2  }
0xb9: {  	s3 =	sand.u32 $0x4000, s31;
	s1 =	sadd.s32 s1, s30  }
0xba: {  	s0 =	sor.u32 s3, s0;
	s1 =	sshll.u32 s1, $0x11  }
0xbb: {  	s0 =	sor.u32 s1, s0  }
0xbc: {  	s0 =	sadd.s32 $0x8F2B, s0  }
0xbd: {  	[sflag:s0] =	ssyncadd.remote.s32 $0x1  }
0xbe: {  	_ =	sfence.sel $0xFFFF  }
0xbf: {  	[dreg:$0x0] =	wrdreg $0xFFFFFFFF;
	(pc) =	sbr.abs _section_cstart, $3  }
0xc0: {  	[dreg:$0x1] =	wrdreg $0xFFFFFFFF  }
0xc1: {  	_ =	task.clear_ibuf [dreg:s6], $0x2FFFF;
	_ =	strace $0x9FFFFFFF  }
0xc2: {  	(tm) =	ssettm $0x7FFFFFFF  }
0xc3: {  	_ =	shalt  }
tec
execute0_lowered:
.L_overlay_start_1:
0x0: {  	(tag) =	ssettag $0x1  }
0x1: {  	s4 =	rddreg [dreg:$0x0]  }
0x2: {  	s1 =	rddreg [dreg:$0x1]  }
0x3: {  	s2 =	srdreg.scid;
	s0 =	rddreg [dreg:$0x2];
	s3 =	simm.s32 $0x0  }
0x4: {  	s10 =	simm.s32 $0x40;
	s11 =	simm.s32 $0x5000;
	s5 =	sand.u32 $0x1, s2  }
0x5: {  	s12 =	simm.s32 $0x1;
	s2 =	stileid.u32;
	s7 =	smul.u32 $0x140000, s5  }
0x6: {  	[smem:$0x7FF] =	sst s3;
	s6 =	sshll.u32 s5, $0x4;
	s8 =	smul.u32 $0x14000, s2  }
0x7: {  	_ =	strace $0x80000047;
	s5 =	ssub.s32 $0x2, s5;
	s30 =	smul.u32 $0x50000, s2  }
0x8: {  	s13 =	sshll.u32 s2, $0x6;
	s6 =	sor.u32 s2, s6;
	s9 =	sshrl.u32 s5, $0x1  }
0x9: {  	s13 =	sor.u32 $0x1C02, s13;
	s6 =	smul.u32 $0xA00, s6;
	s7 =	sadd.s32 s8, s7  }
0xa: {  	s9 =	ssub.s32 s5, s9;
	s31 =	sshrl.u32 s30, $0x2;
	s7 =	sshrl.u32 s7, $0x3  }
0xb: {  	s8 =	simm.s32 $0x7000;
	s6 =	sadd.s32 s6, s4;
	s7 =	sadd.s32 s7, s4  }
0xc: {  	s4 =	sadd.s32 s31, s1;
	s5 =	sadd.s32 $0x1200, s6;
	s6 =	sadd.s32 $0x15200, s7  }
0xd: {  	v0 =	vimm.f32 $1.000000000e+00;
	v1 =	vimm.f32 $0.0e+00;
	s7 =	smax.u32 s9, $0x1;
	s9 =	simm.s32 $0x2;
	s14 =	sshrl.u32 s4, $0x3  }
.LBB2_1:
0xe: {  	s15 =	simm.s32 $0x200;
	s16 =	simm.s32 $0x0  }
.LBB2_2:
0xf: {  	p0 =	sne.s32 s15, $0x7E00;
	[tilespmem:s16+$0x5000] =	vst v0;
	s16 =	smov.u32 s15;
	s15 =	sadd.s32 $0x200, s15  }
.Ltmp0:
0x10: {  	(pc) =	sbr.rel @p0 .LBB2_2-.Ltmp0, $2  }
0x11: {  	_ =	sdelay $0x2  }
0x12: {  	s16 =	sshra.s32 s16, $0x2  }
0x13: {  	[tilespmem:s16+$0x5000] =	vst v0  }
0x14: {  	[tilespmem:$0x7000] =	vst v1  }
0x15: {  	[tilespmem:$0x7080] =	vst v1  }
0x16: {  	[tilespmem:$0x7100] =	vst v1  }
0x17: {  	[tilespmem:$0x7180] =	vst v1  }
0x18: {  	[tilespmem:$0x7200] =	vst v1  }
0x19: {  	[tilespmem:$0x7280] =	vst v1  }
0x1a: {  	[tilespmem:$0x7300] =	vst v1  }
0x1b: {  	[tilespmem:$0x7380] =	vst v1  }
0x1c: {  	[tilespmem:$0x7400] =	vst v1  }
0x1d: {  	[tilespmem:$0x7480] =	vst v1  }
0x1e: {  	[tilespmem:$0x7500] =	vst v1  }
0x1f: {  	[tilespmem:$0x7580] =	vst v1  }
0x20: {  	[tilespmem:$0x7600] =	vst v1  }
0x21: {  	[tilespmem:$0x7680] =	vst v1  }
0x22: {  	[tilespmem:$0x7700] =	vst v1  }
0x23: {  	s15 =	sadd.s32 $0x0, s4;
	[tilespmem:$0x7780] =	vst v1  }
0x24: {  	[spmem:s15] =	stream.linear.scatter [tilespmem:s8], [sflag:$0x2], $0x800, $0x38;
	[tilespmem:$0xA000] =	vst v63  }
0x25: {  	s15 =	simm.s32 $0x2000;
	_ =	swait.ge [sflag:s9], $0x800  }
.LBB2_4:
0x26: {  	s16 =	sshra.s32 s15, $0x2;
	[sflag:s9] =	ssyncset.done $0x0;
	p0 =	sne.s32 s15, $0x4E000  }
.Ltmp1:
0x27: {  	s16 =	sadd.s32 s16, s4;
	[sflag:s9] =	ssyncadd.s32 $0xFFFFF800;
	(pc) =	sbr.rel @p0 .LBB2_4-.Ltmp1, $3  }
0x28: {  	[spmem:s16] =	stream.linear.scatter [tilespmem:s8], [sflag:$0x2], $0x800, $0x38;
	[tilespmem:$0xA000] =	vst v63  }
0x29: {  	s15 =	sadd.s32 $0x2000, s15;
	_ =	sdelay $0x1  }
0x2a: {  	_ =	swait.ge [sflag:s9], $0x800  }
0x2b: {  	[sflag:s9] =	ssyncset.done $0x0  }
0x2c: {  	[sflag:s9] =	ssyncadd.s32 $0xFFFFF800  }
0x2d: {  	s15 =	simm.s32 $0x0;
	[bflag:$0x0] =	sbarrier.arrive $0xFFFF  }
0x2e: {  	[tilespmem:s15], [sflag:$0x2] =	stream.linear.gather [hbm4b:s5+s15], $0x5000, $0x38;
	[tilespmem:$0xA000] =	vst v63  }
0x2f: {  	_ =	swait.ge [sflag:s9], $0x5000  }
0x30: {  	[sflag:s9] =	ssyncset.done $0x0  }
0x31: {  	s23 =	simm.s32 $0x0;
	[sflag:s9] =	ssyncadd.s32 $0xFFFFB000  }
0x32: {  	[spmem:s1] =	stream.indirect.scatter.add.f32 [tilespmem:s11], [sflag:$0x1], $0x10, s23, s10, $0xb8;
	[tilespmem:$0xA000] =	vst v63  }
0x33: {  	s24 =	simm.s32 $0x80  }
0x34: {  	[spmem:s1] =	stream.indirect.scatter.add.f32 [tilespmem:s11], [sflag:$0x1], $0x10, s24, s10, $0xb8;
	[tilespmem:$0xA000] =	vst v63  }
0x35: {  	s25 =	simm.s32 $0x100  }
0x36: {  	[spmem:s1] =	stream.indirect.scatter.add.f32 [tilespmem:s11], [sflag:$0x1], $0x10, s25, s10, $0xb8;
	[tilespmem:$0xA000] =	vst v63  }
0x37: {  	s26 =	simm.s32 $0x180  }
0x38: {  	[spmem:s1] =	stream.indirect.scatter.add.f32 [tilespmem:s11], [sflag:$0x1], $0x10, s26, s10, $0xb8;
	[tilespmem:$0xA000] =	vst v63  }
0x39: {  	s28 =	simm.s32 $0x200  }
0x3a: {  	[spmem:s1] =	stream.indirect.scatter.add.f32 [tilespmem:s11], [sflag:$0x1], $0x10, s28, s10, $0xb8;
	[tilespmem:$0xA000] =	vst v63  }
0x3b: {  	s29 =	simm.s32 $0x280  }
0x3c: {  	[spmem:s1] =	stream.indirect.scatter.add.f32 [tilespmem:s11], [sflag:$0x1], $0x10, s29, s10, $0xb8;
	[tilespmem:$0xA000] =	vst v63  }
0x3d: {  	s30 =	simm.s32 $0x300  }
0x3e: {  	[spmem:s1] =	stream.indirect.scatter.add.f32 [tilespmem:s11], [sflag:$0x1], $0x10, s30, s10, $0xb8;
	[tilespmem:$0xA000] =	vst v63  }
0x3f: {  	s31 =	simm.s32 $0x380  }
0x40: {  	[spmem:s1] =	stream.indirect.scatter.add.f32 [tilespmem:s11], [sflag:$0x1], $0x10, s31, s10, $0xb8;
	[tilespmem:$0xA000] =	vst v63  }
0x41: {  	_ =	swait.ge [sflag:s12], $0x400  }
0x42: {  	[sflag:s12] =	ssyncset.done $0x0  }
0x43: {  	[sflag:s12] =	ssyncadd.s32 $0xFFFFFC00  }
0x44: {  	_ =	swait.ge [sflag:s12], $0x400  }
0x45: {  	[sflag:s12] =	ssyncset.done $0x0  }
0x46: {  	[sflag:s12] =	ssyncadd.s32 $0xFFFFFC00  }
0x47: {  	_ =	swait.ge [sflag:s12], $0x400  }
0x48: {  	[sflag:s12] =	ssyncset.done $0x0  }
0x49: {  	[sflag:s12] =	ssyncadd.s32 $0xFFFFFC00  }
0x4a: {  	_ =	swait.ge [sflag:s12], $0x400  }
0x4b: {  	[sflag:s12] =	ssyncset.done $0x0  }
0x4c: {  	[sflag:s12] =	ssyncadd.s32 $0xFFFFFC00  }
0x4d: {  	_ =	swait.ge [sflag:s12], $0x400  }
0x4e: {  	[sflag:s12] =	ssyncset.done $0x0  }
0x4f: {  	[sflag:s12] =	ssyncadd.s32 $0xFFFFFC00  }
0x50: {  	_ =	swait.ge [sflag:s12], $0x400  }
0x51: {  	[sflag:s12] =	ssyncset.done $0x0  }
0x52: {  	[sflag:s12] =	ssyncadd.s32 $0xFFFFFC00  }
0x53: {  	_ =	swait.ge [sflag:s12], $0x400  }
0x54: {  	[sflag:s12] =	ssyncset.done $0x0  }
0x55: {  	[sflag:s12] =	ssyncadd.s32 $0xFFFFFC00  }
0x56: {  	_ =	swait.ge [sflag:s12], $0x400  }
0x57: {  	s17 =	simm.s32 $0x2000;
	s15 =	simm.s32 $0x1000;
	[sflag:s12] =	ssyncset.done $0x0  }
.LBB2_6:
0x58: {  	s18 =	sshra.s32 s15, $0x2  }
0x59: {  	[sflag:s12] =	ssyncadd.s32 $0xFFFFFC00;
	s15 =	smov.u32 s17;
	s16 =	sadd.s32 $0x1000, s17  }
0x5a: {  	[spmem:s1] =	stream.indirect.scatter.add.f32 [tilespmem:s11], [sflag:$0x1], $0x10, s18, s10, $0xb8;
	[tilespmem:$0xA000] =	vst v63  }
0x5b: {  	p0 =	sne.s32 s17, $0x13000;
	s17 =	sadd.s32 $0x80, s18  }
0x5c: {  	[spmem:s1] =	stream.indirect.scatter.add.f32 [tilespmem:s11], [sflag:$0x1], $0x10, s17, s10, $0xb8;
	[tilespmem:$0xA000] =	vst v63  }
0x5d: {  	s17 =	sadd.s32 $0x100, s18  }
0x5e: {  	[spmem:s1] =	stream.indirect.scatter.add.f32 [tilespmem:s11], [sflag:$0x1], $0x10, s17, s10, $0xb8;
	[tilespmem:$0xA000] =	vst v63  }
0x5f: {  	s17 =	sadd.s32 $0x180, s18  }
0x60: {  	[spmem:s1] =	stream.indirect.scatter.add.f32 [tilespmem:s11], [sflag:$0x1], $0x10, s17, s10, $0xb8;
	[tilespmem:$0xA000] =	vst v63  }
0x61: {  	s17 =	sadd.s32 $0x200, s18  }
0x62: {  	[spmem:s1] =	stream.indirect.scatter.add.f32 [tilespmem:s11], [sflag:$0x1], $0x10, s17, s10, $0xb8;
	[tilespmem:$0xA000] =	vst v63  }
0x63: {  	s17 =	sadd.s32 $0x280, s18  }
0x64: {  	[spmem:s1] =	stream.indirect.scatter.add.f32 [tilespmem:s11], [sflag:$0x1], $0x10, s17, s10, $0xb8;
	[tilespmem:$0xA000] =	vst v63  }
0x65: {  	s17 =	sadd.s32 $0x300, s18  }
0x66: {  	[spmem:s1] =	stream.indirect.scatter.add.f32 [tilespmem:s11], [sflag:$0x1], $0x10, s17, s10, $0xb8;
	[tilespmem:$0xA000] =	vst v63  }
0x67: {  	s17 =	sadd.s32 $0x380, s18  }
0x68: {  	[spmem:s1] =	stream.indirect.scatter.add.f32 [tilespmem:s11], [sflag:$0x1], $0x10, s17, s10, $0xb8;
	[tilespmem:$0xA000] =	vst v63  }
0x69: {  	_ =	swait.ge [sflag:s12], $0x400  }
0x6a: {  	[sflag:s12] =	ssyncset.done $0x0  }
0x6b: {  	[sflag:s12] =	ssyncadd.s32 $0xFFFFFC00  }
0x6c: {  	_ =	swait.ge [sflag:s12], $0x400  }
0x6d: {  	[sflag:s12] =	ssyncset.done $0x0  }
0x6e: {  	[sflag:s12] =	ssyncadd.s32 $0xFFFFFC00  }
0x6f: {  	_ =	swait.ge [sflag:s12], $0x400  }
0x70: {  	[sflag:s12] =	ssyncset.done $0x0  }
0x71: {  	[sflag:s12] =	ssyncadd.s32 $0xFFFFFC00  }
0x72: {  	_ =	swait.ge [sflag:s12], $0x400  }
0x73: {  	[sflag:s12] =	ssyncset.done $0x0  }
0x74: {  	[sflag:s12] =	ssyncadd.s32 $0xFFFFFC00  }
0x75: {  	_ =	swait.ge [sflag:s12], $0x400  }
0x76: {  	[sflag:s12] =	ssyncset.done $0x0  }
0x77: {  	[sflag:s12] =	ssyncadd.s32 $0xFFFFFC00  }
0x78: {  	_ =	swait.ge [sflag:s12], $0x400  }
0x79: {  	[sflag:s12] =	ssyncset.done $0x0  }
0x7a: {  	[sflag:s12] =	ssyncadd.s32 $0xFFFFFC00  }
.Ltmp2:
0x7b: {  	_ =	swait.ge [sflag:s12], $0x400;
	(pc) =	sbr.rel @p0 .LBB2_6-.Ltmp2, $4  }
0x7c: {  	[sflag:s12] =	ssyncset.done $0x0  }
0x7d: {  	[sflag:s12] =	ssyncadd.s32 $0xFFFFFC00  }
0x7e: {  	_ =	swait.ge [sflag:s12], $0x400  }
0x7f: {  	s17 =	smov.u32 s16;
	[sflag:s12] =	ssyncset.done $0x0  }
0x80: {  	s15 =	sshra.s32 s15, $0x2;
	[sflag:s12] =	ssyncadd.s32 $0xFFFFFC00  }
0x81: {  	[spmem:s1] =	stream.indirect.scatter.add.f32 [tilespmem:s11], [sflag:$0x1], $0x10, s15, s10, $0xb8;
	[tilespmem:$0xA000] =	vst v63  }
0x82: {  	s16 =	sadd.s32 $0x80, s15  }
0x83: {  	[spmem:s1] =	stream.indirect.scatter.add.f32 [tilespmem:s11], [sflag:$0x1], $0x10, s16, s10, $0xb8;
	[tilespmem:$0xA000] =	vst v63  }
0x84: {  	s26 =	sadd.s32 $0x100, s15  }
0x85: {  	[spmem:s1] =	stream.indirect.scatter.add.f32 [tilespmem:s11], [sflag:$0x1], $0x10, s26, s10, $0xb8;
	[tilespmem:$0xA000] =	vst v63  }
0x86: {  	s28 =	sadd.s32 $0x180, s15  }
0x87: {  	[spmem:s1] =	stream.indirect.scatter.add.f32 [tilespmem:s11], [sflag:$0x1], $0x10, s28, s10, $0xb8;
	[tilespmem:$0xA000] =	vst v63  }
0x88: {  	s29 =	sadd.s32 $0x200, s15  }
0x89: {  	[spmem:s1] =	stream.indirect.scatter.add.f32 [tilespmem:s11], [sflag:$0x1], $0x10, s29, s10, $0xb8;
	[tilespmem:$0xA000] =	vst v63  }
0x8a: {  	s30 =	sadd.s32 $0x280, s15  }
0x8b: {  	[spmem:s1] =	stream.indirect.scatter.add.f32 [tilespmem:s11], [sflag:$0x1], $0x10, s30, s10, $0xb8;
	[tilespmem:$0xA000] =	vst v63  }
0x8c: {  	s31 =	sadd.s32 $0x300, s15  }
0x8d: {  	[spmem:s1] =	stream.indirect.scatter.add.f32 [tilespmem:s11], [sflag:$0x1], $0x10, s31, s10, $0xb8;
	[tilespmem:$0xA000] =	vst v63  }
0x8e: {  	s15 =	sadd.s32 $0x380, s15  }
0x8f: {  	[spmem:s1] =	stream.indirect.scatter.add.f32 [tilespmem:s11], [sflag:$0x1], $0x10, s15, s10, $0xb8;
	[tilespmem:$0xA000] =	vst v63  }
0x90: {  	_ =	swait.ge [sflag:s12], $0x400  }
0x91: {  	[sflag:s12] =	ssyncset.done $0x0  }
0x92: {  	[sflag:s12] =	ssyncadd.s32 $0xFFFFFC00  }
0x93: {  	_ =	swait.ge [sflag:s12], $0x400  }
0x94: {  	[sflag:s12] =	ssyncset.done $0x0  }
0x95: {  	[sflag:s12] =	ssyncadd.s32 $0xFFFFFC00  }
0x96: {  	_ =	swait.ge [sflag:s12], $0x400  }
0x97: {  	[sflag:s12] =	ssyncset.done $0x0  }
0x98: {  	[sflag:s12] =	ssyncadd.s32 $0xFFFFFC00  }
0x99: {  	_ =	swait.ge [sflag:s12], $0x400  }
0x9a: {  	[sflag:s12] =	ssyncset.done $0x0  }
0x9b: {  	[sflag:s12] =	ssyncadd.s32 $0xFFFFFC00  }
0x9c: {  	_ =	swait.ge [sflag:s12], $0x400  }
0x9d: {  	[sflag:s12] =	ssyncset.done $0x0  }
0x9e: {  	[sflag:s12] =	ssyncadd.s32 $0xFFFFFC00  }
0x9f: {  	_ =	swait.ge [sflag:s12], $0x400  }
0xa0: {  	[sflag:s12] =	ssyncset.done $0x0  }
0xa1: {  	[sflag:s12] =	ssyncadd.s32 $0xFFFFFC00  }
0xa2: {  	_ =	swait.ge [sflag:s12], $0x400  }
0xa3: {  	[sflag:s12] =	ssyncset.done $0x0  }
0xa4: {  	[sflag:s12] =	ssyncadd.s32 $0xFFFFFC00  }
0xa5: {  	_ =	swait.ge [sflag:s12], $0x400  }
0xa6: {  	s3 =	sadd.s32 $0x1, s3;
	[sflag:s12] =	ssyncset.done $0x0  }
0xa7: {  	p0 =	sne.s32 s3, s7;
	[sflag:s12] =	ssyncadd.s32 $0xFFFFFC00  }
.Ltmp3:
0xa8: {  	[bflag:$0x0] =	sbarrier.arrive $0xFFFF;
	(pc) =	sbr.rel @p0 .LBB2_1-.Ltmp3, $4  }
0xa9: {  	[hbm:s6], [sflag:s13] =	dma.local [spmem:s14], $0x2800  }
0xaa: {  	_ =	swait.ge [sflag:s9], $0x2800  }
0xab: {  	[sflag:s9] =	ssyncset.done $0x0  }
0xac: {  	[sflag:s9] =	ssyncadd.s32 $0xFFFFD800  }
0xad: {  	_ =	sfence.sel $0x180000  }
0xae: {  	[bflag:$0x0] =	sbarrier.arrive $0xFFFF  }
0xaf: {  	p0 =	sne.s32 s2, $0x0;
	_ =	strace $0x90000047  }
0xb0: {  	s0 =	sadd.s32 @!p0 $0x100000, s0;
	[bflag:$0x2] =	sbarrier.arrive $0xFFFF  }
0xb1: {  	[sflag:s0] =	ssyncadd.tile.s32 @!p0 $0x1;
	_ =	shalt  }
.Lfunc_end2:
_tile_overlayer_lowered:
.L_overlay_start_2:
0xb2: {  	(tag) =	ssettag $0x2  }
0xb3: {  	s0 =	rddreg [dreg:$0x0];
	s2 =	stileid.u32  }
0xb4: {  	s1 =	rddreg [dreg:$0x1];
	p0 =	sne.s32 s2, $0x0  }
0xb5: {  	s3 =	rddreg [dreg:$0x2];
	[bflag:$0x3] =	sbarrier.arrive $0xFFFF;
	s2 =	simm.s32 @!p0 $0x1C02  }
0xb6: {  	[timem:s3], [sflag:s2] =	dma.local @!p0 [hbm:s0], s1  }
0xb7: {  	s0 =	simm.s32 @!p0 $0x2  }
0xb8: {  	_ =	swait.ge @!p0 [sflag:s0], s1  }
0xb9: {  	s1 =	ssub.s32 @!p0 $0x0, s1;
	[sflag:s0] =	ssyncset.done @!p0 $0x0  }
0xba: {  	[sflag:s0] =	ssyncadd.s32 @!p0 s1  }
0xbb: {  	[bflag:$0x3] =	sbarrier.arrive $0xFFFF  }
0xbc: {  	_ =	shalt  }

// kernel: kernel.9.cloned.1.call-start
scs
__scs_entry_jumppad:
0x0: {  	(pc) =	sbr.rel $0x88, $3  }
0x1: {  	(tag) =	ssettag $0x0;
	lr =	simm.s32 $0x1  }
0x2: {  	[smem:$0x3F9E] =	sst lr;
	_ =	strace $0xD0000000  }
0x3: {  	_ = 	snop  }
0x4: {  	_ = 	snop  }
0x5: {  	_ = 	snop  }
0x6: {  	_ = 	snop  }
0x7: {  	_ = 	snop  }
__scs_overlays_trampoline_lowered:
0x8: {  	[smem:$0x3FAD] =	sst s0  }
0x9: {  	[smem:$0x3FAE] =	sst s1  }
0xa: {  	[smem:$0x3FAF] =	sst s2  }
0xb: {  	[smem:$0x3FB0] =	sst s3  }
0xc: {  	[smem:$0x3FB1] =	sst s4  }
0xd: {  	[smem:$0x3FB2] =	sst s5  }
0xe: {  	[smem:$0x3FB3] =	sst s6  }
0xf: {  	[smem:$0x3FB4] =	sst s7  }
0x10: {  	[smem:$0x3FB5] =	sst s8  }
0x11: {  	[smem:$0x3FB6] =	sst s9;
	s0 =	simm.s32 @!p0 $0x0  }
0x12: {  	s1 =	sld [smem:$0x3F9C];
	s0 =	simm.s32 @p0 $0x1  }
0x13: {  	[smem:$0x3FB7] =	sst s0;
	s0 =	simm.s32 @!p1 $0x0  }
0x14: {  	s2 =	sld [smem:$0x3F9B];
	s0 =	simm.s32 @p1 $0x1  }
0x15: {  	[smem:$0x3FB8] =	sst s0;
	s0 =	simm.s32 @!p2 $0x0  }
0x16: {  	s3 =	sld [smem:$0x3FDB];
	s0 =	simm.s32 @p2 $0x1  }
0x17: {  	s4 =	simm.s32 $0x1BF5;
	[smem:$0x3FBA] =	sst s0  }
0x18: {  	s0 =	sld [smem:$0x3F9D];
	_ =	swait.ge [sflag:s4], $0x0  }
0x19: {  	s7 =	sld [smem:$0x3F9E]  }
0x1a: {  	s8 =	sadd.s32 $0xFFFFE003, lr  }
0x1b: {  	s9 =	sadd.s32 $0xFFFFFEF7, lr;
	s5 =	simm.s32 $0xFFFFFFFF;
	p2 =	slt.u32 s8, $0xFFFFF086  }
0x1c: {  	p1 =	slt.u32 s9, $0xF7A;
	s5 =	simm.s32 @!p2 $0x0  }
0x1d: {  	s5 =	simm.s32 @p1 $0x1;
	p0 =	seq.s32 s7, s2  }
0x1e: {  	s7 =	smul.u32 @!p0 $0xF7A, s2;
	p2 =	seq.s32 @!p0 s5, $0x0  }
0x1f: {  	s9 =	smul.u32 $0xF7A, s1;
	s8 =	simm.s32 @!p0 $0x1BF5;
	p2 =	por !p2, p0  }
0x20: {  	[sflag:s8] =	ssyncset.s32 @!p0 $0xFFFFF086;
	s6 =	sadd.s32 @!p0 s3, s7;
	s7 =	simm.s32 @!p0 $0x108  }
0x21: {  	s3 =	sadd.s32 s3, s9;
	s6 =	sadd.s32 @!p0 $0x88, s6;
	s7 =	simm.s32 @p2 $0x1082  }
0x22: {  	[simem:s7], [sflag:s8] =	dma.local @!p0 [hbm:s6], $0xF7A  }
0x23: {  	s9 =	sor.u32 $0xD0000000, s2;
	s6 =	simm.s32 $0x108;
	_ =	swait.ge @!p0 [sflag:s8], $0x0  }
0x24: {  	s3 =	sadd.s32 $0x88, s3;
	s6 =	simm.s32 @!p1 $0x1082;
	[sflag:s4] =	ssyncset.s32 $0xFFFFF086  }
0x25: {  	[simem:s6], [sflag:s4] =	dma.local [hbm:s3], $0xF7A  }
0x26: {  	[smem:$0x3F9E] =	sst s1;
	(tag) =	ssettag s2;
	_ =	strace s9  }
0x27: {  	s1 =	sld [smem:$0x3FAE]  }
0x28: {  	s2 =	sld [smem:$0x3FAF]  }
0x29: {  	s4 =	sld [smem:$0x3FB1]  }
0x2a: {  	p0 =	seq.s32 s5, $0x0;
	s5 =	sld [smem:$0x3FB2]  }
0x2b: {  	s6 =	sld [smem:$0x3FB3]  }
0x2c: {  	s7 =	sld [smem:$0x3FB4]  }
0x2d: {  	s3 =	simm.s32 $0x108;
	s8 =	sld [smem:$0x3FB5]  }
0x2e: {  	s3 =	simm.s32 @!p0 $0x1082;
	s9 =	sld [smem:$0x3FB6]  }
0x2f: {  	lr =	sadd.s32 s0, s3;
	s0 =	sld [smem:$0x3FAD]  }
0x30: {  	s3 =	sld [smem:$0x3FB0]  }
0x31: {  	[smem:$0x3FB9] =	sst s10  }
0x32: {  	s10 =	sld [smem:$0x3FB7];
	_ =	sdelay $0x3  }
0x33: {  	p0 =	seq.s32 s10, $0x1;
	s10 =	sld [smem:$0x3FB9];
	_ =	sdelay $0x3  }
0x34: {  	[smem:$0x3FB9] =	sst s10  }
0x35: {  	s10 =	sld [smem:$0x3FB8];
	_ =	sdelay $0x3  }
0x36: {  	p1 =	seq.s32 s10, $0x1;
	s10 =	sld [smem:$0x3FB9];
	_ =	sdelay $0x3  }
0x37: {  	[smem:$0x3FB9] =	sst s10  }
0x38: {  	s10 =	sld [smem:$0x3FBA]  }
0x39: {  	_ = 	snop;
	(pc) =	sbr.ind lr, $3  }
0x3a: {  	_ = 	snop  }
0x3b: {  	_ = 	snop  }
0x3c: {  	p2 =	seq.s32 s10, $0x1;
	s10 =	sld [smem:$0x3FB9]  }
0x3d: {  	_ =	shalt  }
0x3e: {  	_ =	shalt  }
0x3f: {  	_ =	shalt  }
0x40: {  	_ =	shalt  }
0x41: {  	_ =	shalt  }
0x42: {  	_ =	shalt  }
0x43: {  	_ =	shalt  }
0x44: {  	_ =	shalt  }
0x45: {  	_ =	shalt  }
0x46: {  	_ =	shalt  }
0x47: {  	_ =	shalt  }
0x48: {  	_ =	shalt  }
0x49: {  	_ =	shalt  }
0x4a: {  	_ =	shalt  }
0x4b: {  	_ =	shalt  }
0x4c: {  	_ =	shalt  }
0x4d: {  	_ =	shalt  }
0x4e: {  	_ =	shalt  }
0x4f: {  	_ =	shalt  }
0x50: {  	_ =	shalt  }
0x51: {  	_ =	shalt  }
0x52: {  	_ =	shalt  }
0x53: {  	_ =	shalt  }
0x54: {  	_ =	shalt  }
0x55: {  	_ =	shalt  }
0x56: {  	_ =	shalt  }
0x57: {  	_ =	shalt  }
0x58: {  	_ =	shalt  }
0x59: {  	_ =	shalt  }
0x5a: {  	_ =	shalt  }
0x5b: {  	_ =	shalt  }
0x5c: {  	_ =	shalt  }
0x5d: {  	_ =	shalt  }
0x5e: {  	_ =	shalt  }
0x5f: {  	_ =	shalt  }
0x60: {  	_ =	shalt  }
0x61: {  	_ =	shalt  }
0x62: {  	_ =	shalt  }
0x63: {  	_ =	shalt  }
0x64: {  	_ =	shalt  }
0x65: {  	_ =	shalt  }
0x66: {  	_ =	shalt  }
0x67: {  	_ =	shalt  }
0x68: {  	_ =	shalt  }
0x69: {  	_ =	shalt  }
0x6a: {  	_ =	shalt  }
0x6b: {  	_ =	shalt  }
0x6c: {  	_ =	shalt  }
0x6d: {  	_ =	shalt  }
0x6e: {  	_ =	shalt  }
0x6f: {  	_ =	shalt  }
0x70: {  	_ =	shalt  }
0x71: {  	_ =	shalt  }
0x72: {  	_ =	shalt  }
0x73: {  	_ =	shalt  }
0x74: {  	_ =	shalt  }
0x75: {  	_ =	shalt  }
0x76: {  	_ =	shalt  }
0x77: {  	_ =	shalt  }
0x78: {  	_ =	shalt  }
0x79: {  	_ =	shalt  }
0x7a: {  	_ =	shalt  }
0x7b: {  	_ =	shalt  }
0x7c: {  	_ =	shalt  }
0x7d: {  	_ =	shalt  }
0x7e: {  	_ =	shalt  }
0x7f: {  	_ =	shalt  }
0x80: {  	_ =	shalt  }
0x81: {  	_ =	shalt  }
0x82: {  	_ =	shalt  }
0x83: {  	_ =	shalt  }
0x84: {  	_ =	shalt  }
0x85: {  	_ =	shalt  }
0x86: {  	_ =	shalt  }
0x87: {  	_ =	shalt  }
.Lfunc_end0:
.L_simem_size_0:
called_computation.1_lowered:
.L_overlay_start_0:
0x88: {  	s2 =	sld [smem:$0x3FD9]  }
0x89: {  	s3 =	sld [smem:$0x3FFE];
	_ =	sdelay $0x1  }
0x8a: {  	s1 =	srdreg.scid  }
0x8b: {  	s0 =	sand.u32 $0x1, s1  }
0x8c: {  	s17 =	sshll.u32 s0, $0xA;
	s2 =	sadd.s32 s3, s2  }
0x8d: {  	s2 =	sadd.s32 s2, s17  }
0x8e: {  	[smem:$0x3FC5] =	sst s2  }
0x8f: {  	_ = 	snop  }
0x90: {  	s2 =	sld [smem:$0x3FD0];
	(tm) =	ssettm $0x1  }
0x91: {  	s18 =	sld [smem:$0x3FFB];
	_ =	sdelay $0x3  }
0x92: {  	_ =	strace s18  }
0x93: {  	s3 =	sld [smem:$0x3FFC];
	_ =	sdelay $0x3  }
0x94: {  	_ =	strace s3  }
0x95: {  	s3 =	sld [smem:$0x3FFD];
	_ =	sdelay $0x3  }
0x96: {  	_ =	strace s3  }
0x97: {  	_ =	strace $0x8FFFFFFF  }
0x98: {  	s19 =	sld [smem:$0x3FDB];
	_ =	sdelay $0x1  }
0x99: {  	s4 =	simm.s32 $_scs_section_size  }
0x9a: {  	s5 =	simm.s32 $_size__tile_overlayer_lowered;
	s6 =	simm.s32 $_tile_overlayer_lowered  }
0x9b: {  	s22 =	simm.s32 $0x1BFF;
	s21 =	sshll.u32 s6, $0x1;
	s3 =	sadd.s32 s4, s19  }
0x9c: {  	s7 =	simm.s32 $0x0;
	s20 =	sshll.u32 s5, $0x1;
	s5 =	sadd.s32 s21, s3  }
0x9d: {  	[timem:s7], [sflag:s22] =	dma.local [hbm:s5], s20  }
0x9e: {  	_ =	swait.ge [sflag:s22], s20  }
0x9f: {  	s4 =	ssub.s32 $0x0, s20;
	[sflag:s22] =	ssyncset.done $0x0  }
0xa0: {  	[sflag:s22] =	ssyncadd.s32 s4;
	_ =	sdelay $0x1  }
0xa1: {  	s23 =	simm.s32 $0x1B8B  }
0xa2: {  	_ =	swait.ge [sflag:s23], $0x1  }
0xa3: {  	[sflag:s23] =	ssyncset.done $0x0  }
0xa4: {  	s25 =	simm.s32 $0x1B8E;
	s24 =	sld [smem:$0x3FFE];
	[sflag:s23] =	ssyncadd.s32 $0xFFFFFFFF  }
0xa5: {  	s26 =	simm.s32 $execute0_lowered;
	[smem:$0x3FD2] =	sst s25  }
0xa6: {  	s5 =	sshll.u32 s26, $0x1;
	_ =	strace $0x80000049;
	[dreg:$0x1] =	wrdreg $0xFFFFFFFF  }
0xa7: {  	s28 =	simm.s32 $_size_execute0_lowered;
	s3 =	sadd.s32 s3, s5;
	[dreg:$0x0] =	wrdreg $0x0  }
0xa8: {  	s5 =	sshll.u32 s28, $0x1;
	[dreg:$0x2] =	wrdreg s3  }
0xa9: {  	[dreg:$0x3] =	wrdreg s5  }
0xaa: {  	[dreg:$0x4] =	wrdreg $0xC0  }
0xab: {  	_ =	task [dreg:s7], $0x5FFFF  }
0xac: {  	[dreg:$0x1] =	wrdreg $0xFFFFFFFF  }
0xad: {  	[dreg:$0x0] =	wrdreg $0x60  }
0xae: {  	[dreg:$0x2] =	wrdreg s2  }
0xaf: {  	[dreg:$0x3] =	wrdreg s24  }
0xb0: {  	[dreg:$0x4] =	wrdreg $0xA4000  }
0xb1: {  	[dreg:$0x5] =	wrdreg $0x9  }
0xb2: {  	_ =	task.clear_ibuf [dreg:s7], $0x6FFFF;
	_ =	strace $0x90000049  }
0xb3: {  	s29 =	simm.s32 $0x9;
	_ =	strace $0x8000004B  }
0xb4: {  	_ =	swait.ge [sflag:s29], $0x1  }
0xb5: {  	[sflag:s29] =	ssyncadd.s32 $0xFFFFFFFF  }
0xb6: {  	_ =	strace $0x9000004B  }
0xb7: {  	_ =	sfence  }
0xb8: {  	s30 =	sld [smem:$0x0];
	_ =	sdelay $0x2  }
0xb9: {  	s31 =	sshll.u32 s1, $0xD;
	s1 =	sshrl.u32 s1, $0x2  }
0xba: {  	s3 =	sand.u32 $0x4000, s31;
	s1 =	sadd.s32 s1, s30  }
0xbb: {  	s0 =	sor.u32 s3, s0;
	s1 =	sshll.u32 s1, $0x11  }
0xbc: {  	s0 =	sor.u32 s1, s0  }
0xbd: {  	s0 =	sadd.s32 $0x8F2B, s0  }
0xbe: {  	[sflag:s0] =	ssyncadd.remote.s32 $0x1  }
0xbf: {  	_ =	sfence.sel $0xFFFF  }
0xc0: {  	[dreg:$0x0] =	wrdreg $0xFFFFFFFF;
	(pc) =	sbr.abs _section_cstart, $3  }
0xc1: {  	[dreg:$0x1] =	wrdreg $0xFFFFFFFF  }
0xc2: {  	_ =	task.clear_ibuf [dreg:s7], $0x2FFFF;
	_ =	strace $0x9FFFFFFF  }
0xc3: {  	(tm) =	ssettm $0x7FFFFFFF  }
tec
execute0_lowered:
.L_overlay_start_1:
0x0: {  	(tag) =	ssettag $0x1  }
0x1: {  	s0 =	rddreg [dreg:$0x0]  }
0x2: {  	s2 =	rddreg [dreg:$0x1]  }
0x3: {  	s1 =	rddreg [dreg:$0x2]  }
0x4: {  	s3 =	srdreg.scid;
	s8 =	stileid.u32;
	s28 =	simm.s32 $0x6000  }
0x5: {  	s29 =	simm.s32 $0x2;
	s30 =	simm.s32 $0x1080;
	s31 =	simm.s32 $0x180  }
0x6: {  	s12 =	simm.s32 $0x280;
	s5 =	sand.u32 $0x1, s3;
	s6 =	smul.u32 $0x14000, s8  }
0x7: {  	s3 =	simm.s32 $0x0;
	s14 =	smul.u32 $0x50000, s8;
	s15 =	sadd.s32 $0x1200, s2  }
0x8: {  	s4 =	smul.u32 $0x140000, s5;
	[smem:$0x7FF] =	sst s3;
	s7 =	sshll.u32 s5, $0x4  }
0x9: {  	s5 =	ssub.s32 $0x2, s5;
	_ =	strace $0x8000004A;
	s13 =	sor.u32 s8, s7  }
0xa: {  	s16 =	sshrl.u32 s5, $0x1;
	s7 =	sshrl.u32 s14, $0x2;
	s8 =	simm.s32 $0x200  }
0xb: {  	s14 =	simm.s32 $0x8;
	s4 =	sadd.s32 s6, s4;
	s6 =	smul.u32 $0x5000, s13  }
0xc: {  	s13 =	simm.s32 $0x7;
	s9 =	sshrl.u32 s4, $0x3;
	s4 =	sadd.s32 $0x65200, s2  }
0xd: {  	s2 =	sadd.s32 s9, s2;
	s6 =	sshrl.u32 s6, $0x3;
	s9 =	ssub.s32 s5, s16  }
0xe: {  	s5 =	sadd.s32 s7, s1;
	s17 =	sadd.s32 s0, s6;
	s18 =	sadd.s32 s15, s6  }
0xf: {  	s19 =	sadd.s32 $0x200, s6;
	s10 =	sadd.s32 $0x400, s6;
	s22 =	sadd.s32 $0x600, s6  }
0x10: {  	s6 =	sadd.s32 $0x800, s6;
	s25 =	sadd.s32 $0x8D200, s2;
	[dreg:$0x4] =	wrdreg s17  }
0x11: {  	s26 =	smax.u32 s9, $0x1;
	s2 =	simm.s32 $0x3;
	[dreg:$0x5] =	wrdreg s18  }
0x12: {  	s9 =	simm.s32 $0x4;
	s11 =	sadd.s32 s0, s19;
	[dreg:$0xe] =	wrdreg s25  }
0x13: {  	s7 =	sadd.s32 s15, s19;
	s20 =	sadd.s32 s0, s10;
	[dreg:$0xf] =	wrdreg s26  }
0x14: {  	s21 =	sadd.s32 s15, s10;
	s23 =	sadd.s32 s0, s22;
	[dreg:$0x6] =	wrdreg s11  }
0x15: {  	s0 =	sadd.s32 s0, s6;
	s24 =	sadd.s32 s15, s6;
	[dreg:$0x7] =	wrdreg s7  }
0x16: {  	s18 =	simm.s32 $0xA000;
	s19 =	simm.s32 $0x9;
	[dreg:$0x8] =	wrdreg s20  }
0x17: {  	s25 =	simm.s32 $0x1;
	s26 =	simm.s32 $0x100;
	[dreg:$0x9] =	wrdreg s21  }
.Ltmp0:
0x18: {  	s6 =	simm.s32 $0x1100;
	[dreg:$0xa] =	wrdreg s23;
	(pc) =	sbr.rel .LBB2_1-.Ltmp0, $4  }
0x19: {  	s10 =	simm.s32 $0x1180;
	s7 =	sadd.s32 s15, s22;
	[dreg:$0xc] =	wrdreg s0  }
0x1a: {  	[dreg:$0xd] =	wrdreg s24;
	s20 =	simm.s32 $0x1000;
	s21 =	simm.s32 $0x40  }
0x1b: {  	s22 =	simm.s32 $0x2000;
	s24 =	simm.s32 $0x4000;
	s0 =	simm.s32 $0x8000  }
0x1c: {  	v0 =	vimm.f32 $0.0e+00;
	s11 =	simm.s32 $0x6;
	[dreg:$0xb] =	wrdreg s7;
	s7 =	simm.s32 $0x5  }
.LBB2_20:
0x1d: {  	_ =	swait.ge [sflag:s9], $0x2000  }
0x1e: {  	[sflag:s9] =	ssyncset.done $0x0  }
0x1f: {  	[sflag:s9] =	ssyncadd.s32 $0xFFFFE000  }
0x20: {  	[spmem:s1] =	stream.indirect.scatter.add.f32 [tilespmem:s0], [sflag:$0x8], $0x80, s17, s21, $0xb8;
	[tilespmem:$0x1E400] =	vst v63  }
0x21: {  	_ =	swait.ge [sflag:s11], $0x2000  }
0x22: {  	[sflag:s11] =	ssyncset.done $0x0  }
0x23: {  	[sflag:s11] =	ssyncadd.s32 $0xFFFFE000  }
0x24: {  	_ =	swait.ge [sflag:s13], $0x2000  }
0x25: {  	[sflag:s13] =	ssyncset.done $0x0  }
0x26: {  	[sflag:s13] =	ssyncadd.s32 $0xFFFFE000  }
0x27: {  	_ =	swait.ge [sflag:s14], $0x2000  }
0x28: {  	[sflag:s14] =	ssyncset.done $0x0  }
0x29: {  	s15 =	stileid.u32;
	[sflag:s14] =	ssyncadd.s32 $0xFFFFE000  }
0x2a: {  	s15 =	sshll.u32 s15, $0x6;
	[bflag:$0x0] =	sbarrier.arrive $0xFFFF  }
0x2b: {  	s16 =	sshrl.u32 s5, $0x3;
	s15 =	sor.u32 $0x1C09, s15;
	s23 =	rddreg [dreg:$0xe]  }
0x2c: {  	[hbm:s23], [sflag:s15] =	dma.local [spmem:s16], $0x2800  }
0x2d: {  	_ =	swait.ge [sflag:s19], $0x2800  }
0x2e: {  	s3 =	sadd.s32 $0x1, s3;
	s23 =	rddreg [dreg:$0xf]  }
0x2f: {  	p0 =	sne.s32 s3, s23  }
.Ltmp1:
0x30: {  	_ = 	snop;
	(pc) =	sbr.rel @!p0 .LBB2_21-.Ltmp1, $3  }
0x31: {  	_ =	sdelay $0x1  }
0x32: {  	[sflag:s19] =	ssyncset.done $0x0  }
0x33: {  	[sflag:s19] =	ssyncadd.s32 $0xFFFFD800  }
.LBB2_1:
0x34: {  	s15 =	simm.s32 $0x0;
	s16 =	simm.s32 $0x0  }
.LBB2_2:
0x35: {  	p0 =	sne.s32 s16, $0xFC0  }
.Ltmp2:
0x36: {  	_ = 	snop;
	(pc) =	sbr.rel @p0 .LBB2_2-.Ltmp2, $4  }
0x37: {  	s17 =	sand.u32 $0xE00, s16  }
0x38: {  	s23 =	sand.u32 $0x70, s15;
	s17 =	sshrl.u32 s17, $0x2  }
0x39: {  	s17 =	sor.u32 s23, s17  }
0x3a: {  	s15 =	sadd.s32 $0x10, s15;
	s16 =	sadd.s32 $0x40, s16;
	[tilespmem:s17+$0xA000] =	vst v0  }
0x3b: {  	s15 =	sadd.s32 $0x0, s5  }
0x3c: {  	[spmem:s15] =	stream.linear.scatter [tilespmem:s18], [sflag:$0x9], $0x400, $0x38;
	[tilespmem:$0x1E400] =	vst v63  }
0x3d: {  	s15 =	simm.s32 $0x1000;
	_ =	swait.ge [sflag:s19], $0x400  }
.LBB2_4:
0x3e: {  	s16 =	sshra.s32 s15, $0x2;
	[sflag:s19] =	ssyncset.done $0x0;
	p0 =	sne.s32 s15, $0x4F000  }
.Ltmp3:
0x3f: {  	s16 =	sadd.s32 s16, s5;
	[sflag:s19] =	ssyncadd.s32 $0xFFFFFC00;
	(pc) =	sbr.rel @p0 .LBB2_4-.Ltmp3, $3  }
0x40: {  	[spmem:s16] =	stream.linear.scatter [tilespmem:s18], [sflag:$0x9], $0x400, $0x38;
	[tilespmem:$0x1E400] =	vst v63  }
0x41: {  	s15 =	sadd.s32 $0x1000, s15;
	_ =	sdelay $0x1  }
0x42: {  	_ =	swait.ge [sflag:s19], $0x400  }
0x43: {  	[sflag:s19] =	ssyncset.done $0x0  }
0x44: {  	[sflag:s19] =	ssyncadd.s32 $0xFFFFFC00  }
0x45: {  	[bflag:$0x0] =	sbarrier.arrive $0xFFFF  }
0x46: {  	s15 =	simm.s32 $0x0;
	s16 =	rddreg [dreg:$0x4]  }
0x47: {  	[tilespmem:s15], [sflag:$0x9] =	stream.linear.gather [hbm4b:s16+s15], $0x1000, $0x38;
	[tilespmem:$0x1E400] =	vst v63  }
0x48: {  	_ =	swait.ge [sflag:s19], $0x1000  }
0x49: {  	[sflag:s19] =	ssyncset.done $0x0  }
0x4a: {  	s17 =	rddreg [dreg:$0x5];
	[sflag:s19] =	ssyncadd.s32 $0xFFFFF000  }
0x4b: {  	[tilespmem:s20], [sflag:$0x9] =	stream.linear.gather [hbm4b:s17+s15], $0x1000, $0x38;
	[tilespmem:$0x1E400] =	vst v63  }
0x4c: {  	_ =	swait.ge [sflag:s19], $0x1000  }
0x4d: {  	[sflag:s19] =	ssyncset.done $0x0  }
0x4e: {  	[sflag:s19] =	ssyncadd.s32 $0xFFFFF000  }
0x4f: {  	[tilespmem:s22], [sflag:$0x1] =	stream.indirect.gather [hbm4b:s4+s21], $0x80, s15, s21, $0xb8;
	[tilespmem:$0x1E400] =	vst v63  }
0x50: {  	s23 =	simm.s32 $0x80  }
0x51: {  	[tilespmem:s24], [sflag:$0x2] =	stream.indirect.gather [hbm4b:s4+s21], $0x80, s23, s21, $0xb8;
	[tilespmem:$0x1E400] =	vst v63  }
0x52: {  	_ =	swait.ge [sflag:s25], $0x2000  }
0x53: {  	[sflag:s25] =	ssyncset.done $0x0  }
0x54: {  	[sflag:s25] =	ssyncadd.s32 $0xFFFFE000  }
0x55: {  	[spmem:s1] =	stream.indirect.scatter.add.f32 [tilespmem:s22], [sflag:$0x5], $0x80, s20, s21, $0xb8;
	[tilespmem:$0x1E400] =	vst v63  }
0x56: {  	_ = 	snop  }
0x57: {  	[tilespmem:s28], [sflag:$0x3] =	stream.indirect.gather [hbm4b:s4+s21], $0x80, s26, s21, $0xb8;
	[tilespmem:$0x1E400] =	vst v63  }
0x58: {  	_ =	swait.ge [sflag:s29], $0x2000  }
0x59: {  	[sflag:s29] =	ssyncset.done $0x0  }
0x5a: {  	[sflag:s29] =	ssyncadd.s32 $0xFFFFE000  }
0x5b: {  	[spmem:s1] =	stream.indirect.scatter.add.f32 [tilespmem:s24], [sflag:$0x6], $0x80, s30, s21, $0xb8;
	[tilespmem:$0x1E400] =	vst v63  }
0x5c: {  	_ = 	snop  }
0x5d: {  	[tilespmem:s0], [sflag:$0x4] =	stream.indirect.gather [hbm4b:s4+s21], $0x80, s31, s21, $0xb8;
	[tilespmem:$0x1E400] =	vst v63  }
0x5e: {  	_ =	swait.ge [sflag:s2], $0x2000  }
0x5f: {  	[sflag:s2] =	ssyncset.done $0x0  }
0x60: {  	[sflag:s2] =	ssyncadd.s32 $0xFFFFE000  }
0x61: {  	[spmem:s1] =	stream.indirect.scatter.add.f32 [tilespmem:s28], [sflag:$0x7], $0x80, s6, s21, $0xb8;
	[tilespmem:$0x1E400] =	vst v63  }
0x62: {  	_ =	swait.ge [sflag:s7], $0x2000  }
0x63: {  	[sflag:s7] =	ssyncset.done $0x0  }
0x64: {  	[sflag:s7] =	ssyncadd.s32 $0xFFFFE000  }
0x65: {  	[tilespmem:s22], [sflag:$0x1] =	stream.indirect.gather [hbm4b:s4+s21], $0x80, s8, s21, $0xb8;
	[tilespmem:$0x1E400] =	vst v63  }
0x66: {  	_ =	swait.ge [sflag:s9], $0x2000  }
0x67: {  	[sflag:s9] =	ssyncset.done $0x0  }
0x68: {  	[sflag:s9] =	ssyncadd.s32 $0xFFFFE000  }
0x69: {  	[spmem:s1] =	stream.indirect.scatter.add.f32 [tilespmem:s0], [sflag:$0x8], $0x80, s10, s21, $0xb8;
	[tilespmem:$0x1E400] =	vst v63  }
0x6a: {  	_ =	swait.ge [sflag:s11], $0x2000  }
0x6b: {  	[sflag:s11] =	ssyncset.done $0x0  }
0x6c: {  	[sflag:s11] =	ssyncadd.s32 $0xFFFFE000  }
0x6d: {  	[tilespmem:s24], [sflag:$0x2] =	stream.indirect.gather [hbm4b:s4+s21], $0x80, s12, s21, $0xb8;
	[tilespmem:$0x1E400] =	vst v63  }
.LBB2_6:
0x6e: {  	_ =	swait.ge [sflag:s25], $0x2000  }
0x6f: {  	s16 =	sshra.s32 s15, $0x2;
	[sflag:s25] =	ssyncset.done $0x0  }
0x70: {  	s17 =	sadd.s32 $0x1200, s16;
	[sflag:s25] =	ssyncadd.s32 $0xFFFFE000  }
0x71: {  	[spmem:s1] =	stream.indirect.scatter.add.f32 [tilespmem:s22], [sflag:$0x5], $0x80, s17, s21, $0xb8;
	[tilespmem:$0x1E400] =	vst v63  }
0x72: {  	_ =	swait.ge [sflag:s13], $0x2000  }
0x73: {  	[sflag:s13] =	ssyncset.done $0x0  }
0x74: {  	s23 =	sadd.s32 $0x300, s16;
	[sflag:s13] =	ssyncadd.s32 $0xFFFFE000  }
0x75: {  	[tilespmem:s28], [sflag:$0x3] =	stream.indirect.gather [hbm4b:s4+s21], $0x80, s23, s21, $0xb8;
	[tilespmem:$0x1E400] =	vst v63  }
0x76: {  	_ =	swait.ge [sflag:s29], $0x2000  }
0x77: {  	[sflag:s29] =	ssyncset.done $0x0  }
0x78: {  	s23 =	sadd.s32 $0x1280, s16;
	[sflag:s29] =	ssyncadd.s32 $0xFFFFE000  }
0x79: {  	[spmem:s1] =	stream.indirect.scatter.add.f32 [tilespmem:s24], [sflag:$0x6], $0x80, s23, s21, $0xb8;
	[tilespmem:$0x1E400] =	vst v63  }
0x7a: {  	_ =	swait.ge [sflag:s14], $0x2000  }
0x7b: {  	[sflag:s14] =	ssyncset.done $0x0  }
0x7c: {  	s23 =	sadd.s32 $0x380, s16;
	[sflag:s14] =	ssyncadd.s32 $0xFFFFE000  }
0x7d: {  	[tilespmem:s0], [sflag:$0x4] =	stream.indirect.gather [hbm4b:s4+s21], $0x80, s23, s21, $0xb8;
	[tilespmem:$0x1E400] =	vst v63  }
0x7e: {  	_ =	swait.ge [sflag:s2], $0x2000  }
0x7f: {  	p0 =	seq.s32 s15, $0x3000;
	[sflag:s2] =	ssyncset.done $0x0  }
.Ltmp4:
0x80: {  	s23 =	sadd.s32 $0x1300, s16;
	[sflag:s2] =	ssyncadd.s32 $0xFFFFE000;
	(pc) =	sbr.rel @p0 .LBB2_8-.Ltmp4, $4  }
0x81: {  	[spmem:s1] =	stream.indirect.scatter.add.f32 [tilespmem:s28], [sflag:$0x7], $0x80, s23, s21, $0xb8;
	[tilespmem:$0x1E400] =	vst v63  }
0x82: {  	_ =	swait.ge [sflag:s7], $0x2000  }
0x83: {  	[sflag:s7] =	ssyncset.done $0x0  }
0x84: {  	s17 =	sadd.s32 $0x1380, s16;
	[sflag:s7] =	ssyncadd.s32 $0xFFFFE000  }
0x85: {  	s23 =	sadd.s32 $0x400, s16  }
0x86: {  	[tilespmem:s22], [sflag:$0x1] =	stream.indirect.gather [hbm4b:s4+s21], $0x80, s23, s21, $0xb8;
	[tilespmem:$0x1E400] =	vst v63  }
0x87: {  	_ =	swait.ge [sflag:s9], $0x2000  }
0x88: {  	[sflag:s9] =	ssyncset.done $0x0  }
0x89: {  	[sflag:s9] =	ssyncadd.s32 $0xFFFFE000  }
0x8a: {  	[spmem:s1] =	stream.indirect.scatter.add.f32 [tilespmem:s0], [sflag:$0x8], $0x80, s17, s21, $0xb8;
	[tilespmem:$0x1E400] =	vst v63  }
.Ltmp5:
0x8b: {  	_ = 	snop;
	(pc) =	sbr.rel .LBB2_6-.Ltmp5, $4  }
0x8c: {  	_ =	swait.ge [sflag:s11], $0x2000  }
0x8d: {  	[sflag:s11] =	ssyncset.done $0x0  }
0x8e: {  	s15 =	sadd.s32 $0x800, s15;
	s23 =	sadd.s32 $0x480, s16;
	[sflag:s11] =	ssyncadd.s32 $0xFFFFE000  }
0x8f: {  	[tilespmem:s24], [sflag:$0x2] =	stream.indirect.gather [hbm4b:s4+s21], $0x80, s23, s21, $0xb8;
	[tilespmem:$0x1E400] =	vst v63  }
.LBB2_8:
0x90: {  	_ =	swait.ge [sflag:s9], $0x2000  }
0x91: {  	[sflag:s9] =	ssyncset.done $0x0  }
0x92: {  	[sflag:s9] =	ssyncadd.s32 $0xFFFFE000  }
0x93: {  	[spmem:s1] =	stream.indirect.scatter.add.f32 [tilespmem:s0], [sflag:$0x8], $0x80, s17, s21, $0xb8;
	[tilespmem:$0x1E400] =	vst v63  }
0x94: {  	_ =	swait.ge [sflag:s11], $0x2000  }
0x95: {  	[sflag:s11] =	ssyncset.done $0x0  }
0x96: {  	[sflag:s11] =	ssyncadd.s32 $0xFFFFE000  }
0x97: {  	_ =	swait.ge [sflag:s13], $0x2000  }
0x98: {  	[sflag:s13] =	ssyncset.done $0x0  }
0x99: {  	[sflag:s13] =	ssyncadd.s32 $0xFFFFE000  }
0x9a: {  	_ =	swait.ge [sflag:s14], $0x2000  }
0x9b: {  	[sflag:s14] =	ssyncset.done $0x0  }
0x9c: {  	s15 =	simm.s32 $0x0;
	s16 =	rddreg [dreg:$0x6];
	[sflag:s14] =	ssyncadd.s32 $0xFFFFE000  }
0x9d: {  	[tilespmem:s15], [sflag:$0x9] =	stream.linear.gather [hbm4b:s16+s15], $0x1000, $0x38;
	[tilespmem:$0x1E400] =	vst v63  }
0x9e: {  	_ =	swait.ge [sflag:s19], $0x1000  }
0x9f: {  	[sflag:s19] =	ssyncset.done $0x0  }
0xa0: {  	s17 =	rddreg [dreg:$0x7];
	[sflag:s19] =	ssyncadd.s32 $0xFFFFF000  }
0xa1: {  	[tilespmem:s20], [sflag:$0x9] =	stream.linear.gather [hbm4b:s17+s15], $0x1000, $0x38;
	[tilespmem:$0x1E400] =	vst v63  }
0xa2: {  	_ =	swait.ge [sflag:s19], $0x1000  }
0xa3: {  	[sflag:s19] =	ssyncset.done $0x0  }
0xa4: {  	[sflag:s19] =	ssyncadd.s32 $0xFFFFF000  }
0xa5: {  	[tilespmem:s22], [sflag:$0x1] =	stream.indirect.gather [hbm4b:s4+s21], $0x80, s15, s21, $0xb8;
	[tilespmem:$0x1E400] =	vst v63  }
0xa6: {  	s23 =	simm.s32 $0x80  }
0xa7: {  	[tilespmem:s24], [sflag:$0x2] =	stream.indirect.gather [hbm4b:s4+s21], $0x80, s23, s21, $0xb8;
	[tilespmem:$0x1E400] =	vst v63  }
0xa8: {  	_ =	swait.ge [sflag:s25], $0x2000  }
0xa9: {  	[sflag:s25] =	ssyncset.done $0x0  }
0xaa: {  	[sflag:s25] =	ssyncadd.s32 $0xFFFFE000  }
0xab: {  	[spmem:s1] =	stream.indirect.scatter.add.f32 [tilespmem:s22], [sflag:$0x5], $0x80, s20, s21, $0xb8;
	[tilespmem:$0x1E400] =	vst v63  }
0xac: {  	_ = 	snop  }
0xad: {  	[tilespmem:s28], [sflag:$0x3] =	stream.indirect.gather [hbm4b:s4+s21], $0x80, s26, s21, $0xb8;
	[tilespmem:$0x1E400] =	vst v63  }
0xae: {  	_ =	swait.ge [sflag:s29], $0x2000  }
0xaf: {  	[sflag:s29] =	ssyncset.done $0x0  }
0xb0: {  	[sflag:s29] =	ssyncadd.s32 $0xFFFFE000  }
0xb1: {  	[spmem:s1] =	stream.indirect.scatter.add.f32 [tilespmem:s24], [sflag:$0x6], $0x80, s30, s21, $0xb8;
	[tilespmem:$0x1E400] =	vst v63  }
0xb2: {  	_ = 	snop  }
0xb3: {  	[tilespmem:s0], [sflag:$0x4] =	stream.indirect.gather [hbm4b:s4+s21], $0x80, s31, s21, $0xb8;
	[tilespmem:$0x1E400] =	vst v63  }
0xb4: {  	_ =	swait.ge [sflag:s2], $0x2000  }
0xb5: {  	[sflag:s2] =	ssyncset.done $0x0  }
0xb6: {  	[sflag:s2] =	ssyncadd.s32 $0xFFFFE000  }
0xb7: {  	[spmem:s1] =	stream.indirect.scatter.add.f32 [tilespmem:s28], [sflag:$0x7], $0x80, s6, s21, $0xb8;
	[tilespmem:$0x1E400] =	vst v63  }
0xb8: {  	_ =	swait.ge [sflag:s7], $0x2000  }
0xb9: {  	[sflag:s7] =	ssyncset.done $0x0  }
0xba: {  	[sflag:s7] =	ssyncadd.s32 $0xFFFFE000  }
0xbb: {  	[tilespmem:s22], [sflag:$0x1] =	stream.indirect.gather [hbm4b:s4+s21], $0x80, s8, s21, $0xb8;
	[tilespmem:$0x1E400] =	vst v63  }
0xbc: {  	_ =	swait.ge [sflag:s9], $0x2000  }
0xbd: {  	[sflag:s9] =	ssyncset.done $0x0  }
0xbe: {  	[sflag:s9] =	ssyncadd.s32 $0xFFFFE000  }
0xbf: {  	[spmem:s1] =	stream.indirect.scatter.add.f32 [tilespmem:s0], [sflag:$0x8], $0x80, s10, s21, $0xb8;
	[tilespmem:$0x1E400] =	vst v63  }
0xc0: {  	_ =	swait.ge [sflag:s11], $0x2000  }
0xc1: {  	[sflag:s11] =	ssyncset.done $0x0  }
0xc2: {  	[sflag:s11] =	ssyncadd.s32 $0xFFFFE000  }
0xc3: {  	[tilespmem:s24], [sflag:$0x2] =	stream.indirect.gather [hbm4b:s4+s21], $0x80, s12, s21, $0xb8;
	[tilespmem:$0x1E400] =	vst v63  }
.LBB2_9:
0xc4: {  	_ =	swait.ge [sflag:s25], $0x2000  }
0xc5: {  	s16 =	sshra.s32 s15, $0x2;
	[sflag:s25] =	ssyncset.done $0x0  }
0xc6: {  	s17 =	sadd.s32 $0x1200, s16;
	[sflag:s25] =	ssyncadd.s32 $0xFFFFE000  }
0xc7: {  	[spmem:s1] =	stream.indirect.scatter.add.f32 [tilespmem:s22], [sflag:$0x5], $0x80, s17, s21, $0xb8;
	[tilespmem:$0x1E400] =	vst v63  }
0xc8: {  	_ =	swait.ge [sflag:s13], $0x2000  }
0xc9: {  	[sflag:s13] =	ssyncset.done $0x0  }
0xca: {  	s23 =	sadd.s32 $0x300, s16;
	[sflag:s13] =	ssyncadd.s32 $0xFFFFE000  }
0xcb: {  	[tilespmem:s28], [sflag:$0x3] =	stream.indirect.gather [hbm4b:s4+s21], $0x80, s23, s21, $0xb8;
	[tilespmem:$0x1E400] =	vst v63  }
0xcc: {  	_ =	swait.ge [sflag:s29], $0x2000  }
0xcd: {  	[sflag:s29] =	ssyncset.done $0x0  }
0xce: {  	s23 =	sadd.s32 $0x1280, s16;
	[sflag:s29] =	ssyncadd.s32 $0xFFFFE000  }
0xcf: {  	[spmem:s1] =	stream.indirect.scatter.add.f32 [tilespmem:s24], [sflag:$0x6], $0x80, s23, s21, $0xb8;
	[tilespmem:$0x1E400] =	vst v63  }
0xd0: {  	_ =	swait.ge [sflag:s14], $0x2000  }
0xd1: {  	[sflag:s14] =	ssyncset.done $0x0  }
0xd2: {  	s23 =	sadd.s32 $0x380, s16;
	[sflag:s14] =	ssyncadd.s32 $0xFFFFE000  }
0xd3: {  	[tilespmem:s0], [sflag:$0x4] =	stream.indirect.gather [hbm4b:s4+s21], $0x80, s23, s21, $0xb8;
	[tilespmem:$0x1E400] =	vst v63  }
0xd4: {  	_ =	swait.ge [sflag:s2], $0x2000  }
0xd5: {  	p0 =	seq.s32 s15, $0x3000;
	[sflag:s2] =	ssyncset.done $0x0  }
.Ltmp6:
0xd6: {  	s23 =	sadd.s32 $0x1300, s16;
	[sflag:s2] =	ssyncadd.s32 $0xFFFFE000;
	(pc) =	sbr.rel @p0 .LBB2_11-.Ltmp6, $4  }
0xd7: {  	[spmem:s1] =	stream.indirect.scatter.add.f32 [tilespmem:s28], [sflag:$0x7], $0x80, s23, s21, $0xb8;
	[tilespmem:$0x1E400] =	vst v63  }
0xd8: {  	_ =	swait.ge [sflag:s7], $0x2000  }
0xd9: {  	[sflag:s7] =	ssyncset.done $0x0  }
0xda: {  	s17 =	sadd.s32 $0x1380, s16;
	[sflag:s7] =	ssyncadd.s32 $0xFFFFE000  }
0xdb: {  	s23 =	sadd.s32 $0x400, s16  }
0xdc: {  	[tilespmem:s22], [sflag:$0x1] =	stream.indirect.gather [hbm4b:s4+s21], $0x80, s23, s21, $0xb8;
	[tilespmem:$0x1E400] =	vst v63  }
0xdd: {  	_ =	swait.ge [sflag:s9], $0x2000  }
0xde: {  	[sflag:s9] =	ssyncset.done $0x0  }
0xdf: {  	[sflag:s9] =	ssyncadd.s32 $0xFFFFE000  }
0xe0: {  	[spmem:s1] =	stream.indirect.scatter.add.f32 [tilespmem:s0], [sflag:$0x8], $0x80, s17, s21, $0xb8;
	[tilespmem:$0x1E400] =	vst v63  }
.Ltmp7:
0xe1: {  	_ = 	snop;
	(pc) =	sbr.rel .LBB2_9-.Ltmp7, $4  }
0xe2: {  	_ =	swait.ge [sflag:s11], $0x2000  }
0xe3: {  	[sflag:s11] =	ssyncset.done $0x0  }
0xe4: {  	s15 =	sadd.s32 $0x800, s15;
	s23 =	sadd.s32 $0x480, s16;
	[sflag:s11] =	ssyncadd.s32 $0xFFFFE000  }
0xe5: {  	[tilespmem:s24], [sflag:$0x2] =	stream.indirect.gather [hbm4b:s4+s21], $0x80, s23, s21, $0xb8;
	[tilespmem:$0x1E400] =	vst v63  }
.LBB2_11:
0xe6: {  	_ =	swait.ge [sflag:s9], $0x2000  }
0xe7: {  	[sflag:s9] =	ssyncset.done $0x0  }
0xe8: {  	[sflag:s9] =	ssyncadd.s32 $0xFFFFE000  }
0xe9: {  	[spmem:s1] =	stream.indirect.scatter.add.f32 [tilespmem:s0], [sflag:$0x8], $0x80, s17, s21, $0xb8;
	[tilespmem:$0x1E400] =	vst v63  }
0xea: {  	_ =	swait.ge [sflag:s11], $0x2000  }
0xeb: {  	[sflag:s11] =	ssyncset.done $0x0  }
0xec: {  	[sflag:s11] =	ssyncadd.s32 $0xFFFFE000  }
0xed: {  	_ =	swait.ge [sflag:s13], $0x2000  }
0xee: {  	[sflag:s13] =	ssyncset.done $0x0  }
0xef: {  	[sflag:s13] =	ssyncadd.s32 $0xFFFFE000  }
0xf0: {  	_ =	swait.ge [sflag:s14], $0x2000  }
0xf1: {  	[sflag:s14] =	ssyncset.done $0x0  }
0xf2: {  	s15 =	simm.s32 $0x0;
	s16 =	rddreg [dreg:$0x8];
	[sflag:s14] =	ssyncadd.s32 $0xFFFFE000  }
0xf3: {  	[tilespmem:s15], [sflag:$0x9] =	stream.linear.gather [hbm4b:s16+s15], $0x1000, $0x38;
	[tilespmem:$0x1E400] =	vst v63  }
0xf4: {  	_ =	swait.ge [sflag:s19], $0x1000  }
0xf5: {  	[sflag:s19] =	ssyncset.done $0x0  }
0xf6: {  	s17 =	rddreg [dreg:$0x9];
	[sflag:s19] =	ssyncadd.s32 $0xFFFFF000  }
0xf7: {  	[tilespmem:s20], [sflag:$0x9] =	stream.linear.gather [hbm4b:s17+s15], $0x1000, $0x38;
	[tilespmem:$0x1E400] =	vst v63  }
0xf8: {  	_ =	swait.ge [sflag:s19], $0x1000  }
0xf9: {  	[sflag:s19] =	ssyncset.done $0x0  }
0xfa: {  	[sflag:s19] =	ssyncadd.s32 $0xFFFFF000  }
0xfb: {  	[tilespmem:s22], [sflag:$0x1] =	stream.indirect.gather [hbm4b:s4+s21], $0x80, s15, s21, $0xb8;
	[tilespmem:$0x1E400] =	vst v63  }
0xfc: {  	s23 =	simm.s32 $0x80  }
0xfd: {  	[tilespmem:s24], [sflag:$0x2] =	stream.indirect.gather [hbm4b:s4+s21], $0x80, s23, s21, $0xb8;
	[tilespmem:$0x1E400] =	vst v63  }
0xfe: {  	_ =	swait.ge [sflag:s25], $0x2000  }
0xff: {  	[sflag:s25] =	ssyncset.done $0x0  }
0x100: {  	[sflag:s25] =	ssyncadd.s32 $0xFFFFE000  }
0x101: {  	[spmem:s1] =	stream.indirect.scatter.add.f32 [tilespmem:s22], [sflag:$0x5], $0x80, s20, s21, $0xb8;
	[tilespmem:$0x1E400] =	vst v63  }
0x102: {  	_ = 	snop  }
0x103: {  	[tilespmem:s28], [sflag:$0x3] =	stream.indirect.gather [hbm4b:s4+s21], $0x80, s26, s21, $0xb8;
	[tilespmem:$0x1E400] =	vst v63  }
0x104: {  	_ =	swait.ge [sflag:s29], $0x2000  }
0x105: {  	[sflag:s29] =	ssyncset.done $0x0  }
0x106: {  	[sflag:s29] =	ssyncadd.s32 $0xFFFFE000  }
0x107: {  	[spmem:s1] =	stream.indirect.scatter.add.f32 [tilespmem:s24], [sflag:$0x6], $0x80, s30, s21, $0xb8;
	[tilespmem:$0x1E400] =	vst v63  }
0x108: {  	_ = 	snop  }
0x109: {  	[tilespmem:s0], [sflag:$0x4] =	stream.indirect.gather [hbm4b:s4+s21], $0x80, s31, s21, $0xb8;
	[tilespmem:$0x1E400] =	vst v63  }
0x10a: {  	_ =	swait.ge [sflag:s2], $0x2000  }
0x10b: {  	[sflag:s2] =	ssyncset.done $0x0  }
0x10c: {  	[sflag:s2] =	ssyncadd.s32 $0xFFFFE000  }
0x10d: {  	[spmem:s1] =	stream.indirect.scatter.add.f32 [tilespmem:s28], [sflag:$0x7], $0x80, s6, s21, $0xb8;
	[tilespmem:$0x1E400] =	vst v63  }
0x10e: {  	_ =	swait.ge [sflag:s7], $0x2000  }
0x10f: {  	[sflag:s7] =	ssyncset.done $0x0  }
0x110: {  	[sflag:s7] =	ssyncadd.s32 $0xFFFFE000  }
0x111: {  	[tilespmem:s22], [sflag:$0x1] =	stream.indirect.gather [hbm4b:s4+s21], $0x80, s8, s21, $0xb8;
	[tilespmem:$0x1E400] =	vst v63  }
0x112: {  	_ =	swait.ge [sflag:s9], $0x2000  }
0x113: {  	[sflag:s9] =	ssyncset.done $0x0  }
0x114: {  	[sflag:s9] =	ssyncadd.s32 $0xFFFFE000  }
0x115: {  	[spmem:s1] =	stream.indirect.scatter.add.f32 [tilespmem:s0], [sflag:$0x8], $0x80, s10, s21, $0xb8;
	[tilespmem:$0x1E400] =	vst v63  }
0x116: {  	_ =	swait.ge [sflag:s11], $0x2000  }
0x117: {  	[sflag:s11] =	ssyncset.done $0x0  }
0x118: {  	[sflag:s11] =	ssyncadd.s32 $0xFFFFE000  }
0x119: {  	[tilespmem:s24], [sflag:$0x2] =	stream.indirect.gather [hbm4b:s4+s21], $0x80, s12, s21, $0xb8;
	[tilespmem:$0x1E400] =	vst v63  }
.LBB2_12:
0x11a: {  	_ =	swait.ge [sflag:s25], $0x2000  }
0x11b: {  	s16 =	sshra.s32 s15, $0x2;
	[sflag:s25] =	ssyncset.done $0x0  }
0x11c: {  	s17 =	sadd.s32 $0x1200, s16;
	[sflag:s25] =	ssyncadd.s32 $0xFFFFE000  }
0x11d: {  	[spmem:s1] =	stream.indirect.scatter.add.f32 [tilespmem:s22], [sflag:$0x5], $0x80, s17, s21, $0xb8;
	[tilespmem:$0x1E400] =	vst v63  }
0x11e: {  	_ =	swait.ge [sflag:s13], $0x2000  }
0x11f: {  	[sflag:s13] =	ssyncset.done $0x0  }
0x120: {  	s23 =	sadd.s32 $0x300, s16;
	[sflag:s13] =	ssyncadd.s32 $0xFFFFE000  }
0x121: {  	[tilespmem:s28], [sflag:$0x3] =	stream.indirect.gather [hbm4b:s4+s21], $0x80, s23, s21, $0xb8;
	[tilespmem:$0x1E400] =	vst v63  }
0x122: {  	_ =	swait.ge [sflag:s29], $0x2000  }
0x123: {  	[sflag:s29] =	ssyncset.done $0x0  }
0x124: {  	s23 =	sadd.s32 $0x1280, s16;
	[sflag:s29] =	ssyncadd.s32 $0xFFFFE000  }
0x125: {  	[spmem:s1] =	stream.indirect.scatter.add.f32 [tilespmem:s24], [sflag:$0x6], $0x80, s23, s21, $0xb8;
	[tilespmem:$0x1E400] =	vst v63  }
0x126: {  	_ =	swait.ge [sflag:s14], $0x2000  }
0x127: {  	[sflag:s14] =	ssyncset.done $0x0  }
0x128: {  	s23 =	sadd.s32 $0x380, s16;
	[sflag:s14] =	ssyncadd.s32 $0xFFFFE000  }
0x129: {  	[tilespmem:s0], [sflag:$0x4] =	stream.indirect.gather [hbm4b:s4+s21], $0x80, s23, s21, $0xb8;
	[tilespmem:$0x1E400] =	vst v63  }
0x12a: {  	_ =	swait.ge [sflag:s2], $0x2000  }
0x12b: {  	p0 =	seq.s32 s15, $0x3000;
	[sflag:s2] =	ssyncset.done $0x0  }
.Ltmp8:
0x12c: {  	s23 =	sadd.s32 $0x1300, s16;
	[sflag:s2] =	ssyncadd.s32 $0xFFFFE000;
	(pc) =	sbr.rel @p0 .LBB2_14-.Ltmp8, $4  }
0x12d: {  	[spmem:s1] =	stream.indirect.scatter.add.f32 [tilespmem:s28], [sflag:$0x7], $0x80, s23, s21, $0xb8;
	[tilespmem:$0x1E400] =	vst v63  }
0x12e: {  	_ =	swait.ge [sflag:s7], $0x2000  }
0x12f: {  	[sflag:s7] =	ssyncset.done $0x0  }
0x130: {  	s17 =	sadd.s32 $0x1380, s16;
	[sflag:s7] =	ssyncadd.s32 $0xFFFFE000  }
0x131: {  	s23 =	sadd.s32 $0x400, s16  }
0x132: {  	[tilespmem:s22], [sflag:$0x1] =	stream.indirect.gather [hbm4b:s4+s21], $0x80, s23, s21, $0xb8;
	[tilespmem:$0x1E400] =	vst v63  }
0x133: {  	_ =	swait.ge [sflag:s9], $0x2000  }
0x134: {  	[sflag:s9] =	ssyncset.done $0x0  }
0x135: {  	[sflag:s9] =	ssyncadd.s32 $0xFFFFE000  }
0x136: {  	[spmem:s1] =	stream.indirect.scatter.add.f32 [tilespmem:s0], [sflag:$0x8], $0x80, s17, s21, $0xb8;
	[tilespmem:$0x1E400] =	vst v63  }
.Ltmp9:
0x137: {  	_ = 	snop;
	(pc) =	sbr.rel .LBB2_12-.Ltmp9, $4  }
0x138: {  	_ =	swait.ge [sflag:s11], $0x2000  }
0x139: {  	[sflag:s11] =	ssyncset.done $0x0  }
0x13a: {  	s15 =	sadd.s32 $0x800, s15;
	s23 =	sadd.s32 $0x480, s16;
	[sflag:s11] =	ssyncadd.s32 $0xFFFFE000  }
0x13b: {  	[tilespmem:s24], [sflag:$0x2] =	stream.indirect.gather [hbm4b:s4+s21], $0x80, s23, s21, $0xb8;
	[tilespmem:$0x1E400] =	vst v63  }
.LBB2_14:
0x13c: {  	_ =	swait.ge [sflag:s9], $0x2000  }
0x13d: {  	[sflag:s9] =	ssyncset.done $0x0  }
0x13e: {  	[sflag:s9] =	ssyncadd.s32 $0xFFFFE000  }
0x13f: {  	[spmem:s1] =	stream.indirect.scatter.add.f32 [tilespmem:s0], [sflag:$0x8], $0x80, s17, s21, $0xb8;
	[tilespmem:$0x1E400] =	vst v63  }
0x140: {  	_ =	swait.ge [sflag:s11], $0x2000  }
0x141: {  	[sflag:s11] =	ssyncset.done $0x0  }
0x142: {  	[sflag:s11] =	ssyncadd.s32 $0xFFFFE000  }
0x143: {  	_ =	swait.ge [sflag:s13], $0x2000  }
0x144: {  	[sflag:s13] =	ssyncset.done $0x0  }
0x145: {  	[sflag:s13] =	ssyncadd.s32 $0xFFFFE000  }
0x146: {  	_ =	swait.ge [sflag:s14], $0x2000  }
0x147: {  	[sflag:s14] =	ssyncset.done $0x0  }
0x148: {  	s15 =	simm.s32 $0x0;
	s16 =	rddreg [dreg:$0xa];
	[sflag:s14] =	ssyncadd.s32 $0xFFFFE000  }
0x149: {  	[tilespmem:s15], [sflag:$0x9] =	stream.linear.gather [hbm4b:s16+s15], $0x1000, $0x38;
	[tilespmem:$0x1E400] =	vst v63  }
0x14a: {  	_ =	swait.ge [sflag:s19], $0x1000  }
0x14b: {  	[sflag:s19] =	ssyncset.done $0x0  }
0x14c: {  	s17 =	rddreg [dreg:$0xb];
	[sflag:s19] =	ssyncadd.s32 $0xFFFFF000  }
0x14d: {  	[tilespmem:s20], [sflag:$0x9] =	stream.linear.gather [hbm4b:s17+s15], $0x1000, $0x38;
	[tilespmem:$0x1E400] =	vst v63  }
0x14e: {  	_ =	swait.ge [sflag:s19], $0x1000  }
0x14f: {  	[sflag:s19] =	ssyncset.done $0x0  }
0x150: {  	[sflag:s19] =	ssyncadd.s32 $0xFFFFF000  }
0x151: {  	[tilespmem:s22], [sflag:$0x1] =	stream.indirect.gather [hbm4b:s4+s21], $0x80, s15, s21, $0xb8;
	[tilespmem:$0x1E400] =	vst v63  }
0x152: {  	s23 =	simm.s32 $0x80  }
0x153: {  	[tilespmem:s24], [sflag:$0x2] =	stream.indirect.gather [hbm4b:s4+s21], $0x80, s23, s21, $0xb8;
	[tilespmem:$0x1E400] =	vst v63  }
0x154: {  	_ =	swait.ge [sflag:s25], $0x2000  }
0x155: {  	[sflag:s25] =	ssyncset.done $0x0  }
0x156: {  	[sflag:s25] =	ssyncadd.s32 $0xFFFFE000  }
0x157: {  	[spmem:s1] =	stream.indirect.scatter.add.f32 [tilespmem:s22], [sflag:$0x5], $0x80, s20, s21, $0xb8;
	[tilespmem:$0x1E400] =	vst v63  }
0x158: {  	_ = 	snop  }
0x159: {  	[tilespmem:s28], [sflag:$0x3] =	stream.indirect.gather [hbm4b:s4+s21], $0x80, s26, s21, $0xb8;
	[tilespmem:$0x1E400] =	vst v63  }
0x15a: {  	_ =	swait.ge [sflag:s29], $0x2000  }
0x15b: {  	[sflag:s29] =	ssyncset.done $0x0  }
0x15c: {  	[sflag:s29] =	ssyncadd.s32 $0xFFFFE000  }
0x15d: {  	[spmem:s1] =	stream.indirect.scatter.add.f32 [tilespmem:s24], [sflag:$0x6], $0x80, s30, s21, $0xb8;
	[tilespmem:$0x1E400] =	vst v63  }
0x15e: {  	_ = 	snop  }
0x15f: {  	[tilespmem:s0], [sflag:$0x4] =	stream.indirect.gather [hbm4b:s4+s21], $0x80, s31, s21, $0xb8;
	[tilespmem:$0x1E400] =	vst v63  }
0x160: {  	_ =	swait.ge [sflag:s2], $0x2000  }
0x161: {  	[sflag:s2] =	ssyncset.done $0x0  }
0x162: {  	[sflag:s2] =	ssyncadd.s32 $0xFFFFE000  }
0x163: {  	[spmem:s1] =	stream.indirect.scatter.add.f32 [tilespmem:s28], [sflag:$0x7], $0x80, s6, s21, $0xb8;
	[tilespmem:$0x1E400] =	vst v63  }
0x164: {  	_ =	swait.ge [sflag:s7], $0x2000  }
0x165: {  	[sflag:s7] =	ssyncset.done $0x0  }
0x166: {  	[sflag:s7] =	ssyncadd.s32 $0xFFFFE000  }
0x167: {  	[tilespmem:s22], [sflag:$0x1] =	stream.indirect.gather [hbm4b:s4+s21], $0x80, s8, s21, $0xb8;
	[tilespmem:$0x1E400] =	vst v63  }
0x168: {  	_ =	swait.ge [sflag:s9], $0x2000  }
0x169: {  	[sflag:s9] =	ssyncset.done $0x0  }
0x16a: {  	[sflag:s9] =	ssyncadd.s32 $0xFFFFE000  }
0x16b: {  	[spmem:s1] =	stream.indirect.scatter.add.f32 [tilespmem:s0], [sflag:$0x8], $0x80, s10, s21, $0xb8;
	[tilespmem:$0x1E400] =	vst v63  }
0x16c: {  	_ =	swait.ge [sflag:s11], $0x2000  }
0x16d: {  	[sflag:s11] =	ssyncset.done $0x0  }
0x16e: {  	[sflag:s11] =	ssyncadd.s32 $0xFFFFE000  }
0x16f: {  	[tilespmem:s24], [sflag:$0x2] =	stream.indirect.gather [hbm4b:s4+s21], $0x80, s12, s21, $0xb8;
	[tilespmem:$0x1E400] =	vst v63  }
.LBB2_15:
0x170: {  	_ =	swait.ge [sflag:s25], $0x2000  }
0x171: {  	s16 =	sshra.s32 s15, $0x2;
	[sflag:s25] =	ssyncset.done $0x0  }
0x172: {  	s17 =	sadd.s32 $0x1200, s16;
	[sflag:s25] =	ssyncadd.s32 $0xFFFFE000  }
0x173: {  	[spmem:s1] =	stream.indirect.scatter.add.f32 [tilespmem:s22], [sflag:$0x5], $0x80, s17, s21, $0xb8;
	[tilespmem:$0x1E400] =	vst v63  }
0x174: {  	_ =	swait.ge [sflag:s13], $0x2000  }
0x175: {  	[sflag:s13] =	ssyncset.done $0x0  }
0x176: {  	s23 =	sadd.s32 $0x300, s16;
	[sflag:s13] =	ssyncadd.s32 $0xFFFFE000  }
0x177: {  	[tilespmem:s28], [sflag:$0x3] =	stream.indirect.gather [hbm4b:s4+s21], $0x80, s23, s21, $0xb8;
	[tilespmem:$0x1E400] =	vst v63  }
0x178: {  	_ =	swait.ge [sflag:s29], $0x2000  }
0x179: {  	[sflag:s29] =	ssyncset.done $0x0  }
0x17a: {  	s23 =	sadd.s32 $0x1280, s16;
	[sflag:s29] =	ssyncadd.s32 $0xFFFFE000  }
0x17b: {  	[spmem:s1] =	stream.indirect.scatter.add.f32 [tilespmem:s24], [sflag:$0x6], $0x80, s23, s21, $0xb8;
	[tilespmem:$0x1E400] =	vst v63  }
0x17c: {  	_ =	swait.ge [sflag:s14], $0x2000  }
0x17d: {  	[sflag:s14] =	ssyncset.done $0x0  }
0x17e: {  	s23 =	sadd.s32 $0x380, s16;
	[sflag:s14] =	ssyncadd.s32 $0xFFFFE000  }
0x17f: {  	[tilespmem:s0], [sflag:$0x4] =	stream.indirect.gather [hbm4b:s4+s21], $0x80, s23, s21, $0xb8;
	[tilespmem:$0x1E400] =	vst v63  }
0x180: {  	_ =	swait.ge [sflag:s2], $0x2000  }
0x181: {  	p0 =	seq.s32 s15, $0x3000;
	[sflag:s2] =	ssyncset.done $0x0  }
.Ltmp10:
0x182: {  	s23 =	sadd.s32 $0x1300, s16;
	[sflag:s2] =	ssyncadd.s32 $0xFFFFE000;
	(pc) =	sbr.rel @p0 .LBB2_17-.Ltmp10, $4  }
0x183: {  	[spmem:s1] =	stream.indirect.scatter.add.f32 [tilespmem:s28], [sflag:$0x7], $0x80, s23, s21, $0xb8;
	[tilespmem:$0x1E400] =	vst v63  }
0x184: {  	_ =	swait.ge [sflag:s7], $0x2000  }
0x185: {  	[sflag:s7] =	ssyncset.done $0x0  }
0x186: {  	s17 =	sadd.s32 $0x1380, s16;
	[sflag:s7] =	ssyncadd.s32 $0xFFFFE000  }
0x187: {  	s23 =	sadd.s32 $0x400, s16  }
0x188: {  	[tilespmem:s22], [sflag:$0x1] =	stream.indirect.gather [hbm4b:s4+s21], $0x80, s23, s21, $0xb8;
	[tilespmem:$0x1E400] =	vst v63  }
0x189: {  	_ =	swait.ge [sflag:s9], $0x2000  }
0x18a: {  	[sflag:s9] =	ssyncset.done $0x0  }
0x18b: {  	[sflag:s9] =	ssyncadd.s32 $0xFFFFE000  }
0x18c: {  	[spmem:s1] =	stream.indirect.scatter.add.f32 [tilespmem:s0], [sflag:$0x8], $0x80, s17, s21, $0xb8;
	[tilespmem:$0x1E400] =	vst v63  }
.Ltmp11:
0x18d: {  	_ = 	snop;
	(pc) =	sbr.rel .LBB2_15-.Ltmp11, $4  }
0x18e: {  	_ =	swait.ge [sflag:s11], $0x2000  }
0x18f: {  	[sflag:s11] =	ssyncset.done $0x0  }
0x190: {  	s15 =	sadd.s32 $0x800, s15;
	s23 =	sadd.s32 $0x480, s16;
	[sflag:s11] =	ssyncadd.s32 $0xFFFFE000  }
0x191: {  	[tilespmem:s24], [sflag:$0x2] =	stream.indirect.gather [hbm4b:s4+s21], $0x80, s23, s21, $0xb8;
	[tilespmem:$0x1E400] =	vst v63  }
.LBB2_17:
0x192: {  	_ =	swait.ge [sflag:s9], $0x2000  }
0x193: {  	[sflag:s9] =	ssyncset.done $0x0  }
0x194: {  	[sflag:s9] =	ssyncadd.s32 $0xFFFFE000  }
0x195: {  	[spmem:s1] =	stream.indirect.scatter.add.f32 [tilespmem:s0], [sflag:$0x8], $0x80, s17, s21, $0xb8;
	[tilespmem:$0x1E400] =	vst v63  }
0x196: {  	_ =	swait.ge [sflag:s11], $0x2000  }
0x197: {  	[sflag:s11] =	ssyncset.done $0x0  }
0x198: {  	[sflag:s11] =	ssyncadd.s32 $0xFFFFE000  }
0x199: {  	_ =	swait.ge [sflag:s13], $0x2000  }
0x19a: {  	[sflag:s13] =	ssyncset.done $0x0  }
0x19b: {  	[sflag:s13] =	ssyncadd.s32 $0xFFFFE000  }
0x19c: {  	_ =	swait.ge [sflag:s14], $0x2000  }
0x19d: {  	[sflag:s14] =	ssyncset.done $0x0  }
0x19e: {  	s15 =	simm.s32 $0x0;
	s16 =	rddreg [dreg:$0xc];
	[sflag:s14] =	ssyncadd.s32 $0xFFFFE000  }
0x19f: {  	[tilespmem:s15], [sflag:$0x9] =	stream.linear.gather [hbm4b:s16+s15], $0x1000, $0x38;
	[tilespmem:$0x1E400] =	vst v63  }
0x1a0: {  	_ =	swait.ge [sflag:s19], $0x1000  }
0x1a1: {  	[sflag:s19] =	ssyncset.done $0x0  }
0x1a2: {  	s17 =	rddreg [dreg:$0xd];
	[sflag:s19] =	ssyncadd.s32 $0xFFFFF000  }
0x1a3: {  	[tilespmem:s20], [sflag:$0x9] =	stream.linear.gather [hbm4b:s17+s15], $0x1000, $0x38;
	[tilespmem:$0x1E400] =	vst v63  }
0x1a4: {  	_ =	swait.ge [sflag:s19], $0x1000  }
0x1a5: {  	[sflag:s19] =	ssyncset.done $0x0  }
0x1a6: {  	[sflag:s19] =	ssyncadd.s32 $0xFFFFF000  }
0x1a7: {  	[tilespmem:s22], [sflag:$0x1] =	stream.indirect.gather [hbm4b:s4+s21], $0x80, s15, s21, $0xb8;
	[tilespmem:$0x1E400] =	vst v63  }
0x1a8: {  	s23 =	simm.s32 $0x80  }
0x1a9: {  	[tilespmem:s24], [sflag:$0x2] =	stream.indirect.gather [hbm4b:s4+s21], $0x80, s23, s21, $0xb8;
	[tilespmem:$0x1E400] =	vst v63  }
0x1aa: {  	_ =	swait.ge [sflag:s25], $0x2000  }
0x1ab: {  	[sflag:s25] =	ssyncset.done $0x0  }
0x1ac: {  	[sflag:s25] =	ssyncadd.s32 $0xFFFFE000  }
0x1ad: {  	[spmem:s1] =	stream.indirect.scatter.add.f32 [tilespmem:s22], [sflag:$0x5], $0x80, s20, s21, $0xb8;
	[tilespmem:$0x1E400] =	vst v63  }
0x1ae: {  	_ = 	snop  }
0x1af: {  	[tilespmem:s28], [sflag:$0x3] =	stream.indirect.gather [hbm4b:s4+s21], $0x80, s26, s21, $0xb8;
	[tilespmem:$0x1E400] =	vst v63  }
0x1b0: {  	_ =	swait.ge [sflag:s29], $0x2000  }
0x1b1: {  	[sflag:s29] =	ssyncset.done $0x0  }
0x1b2: {  	[sflag:s29] =	ssyncadd.s32 $0xFFFFE000  }
0x1b3: {  	[spmem:s1] =	stream.indirect.scatter.add.f32 [tilespmem:s24], [sflag:$0x6], $0x80, s30, s21, $0xb8;
	[tilespmem:$0x1E400] =	vst v63  }
0x1b4: {  	_ = 	snop  }
0x1b5: {  	[tilespmem:s0], [sflag:$0x4] =	stream.indirect.gather [hbm4b:s4+s21], $0x80, s31, s21, $0xb8;
	[tilespmem:$0x1E400] =	vst v63  }
0x1b6: {  	_ =	swait.ge [sflag:s2], $0x2000  }
0x1b7: {  	[sflag:s2] =	ssyncset.done $0x0  }
0x1b8: {  	[sflag:s2] =	ssyncadd.s32 $0xFFFFE000  }
0x1b9: {  	[spmem:s1] =	stream.indirect.scatter.add.f32 [tilespmem:s28], [sflag:$0x7], $0x80, s6, s21, $0xb8;
	[tilespmem:$0x1E400] =	vst v63  }
0x1ba: {  	_ =	swait.ge [sflag:s7], $0x2000  }
0x1bb: {  	[sflag:s7] =	ssyncset.done $0x0  }
0x1bc: {  	[sflag:s7] =	ssyncadd.s32 $0xFFFFE000  }
0x1bd: {  	[tilespmem:s22], [sflag:$0x1] =	stream.indirect.gather [hbm4b:s4+s21], $0x80, s8, s21, $0xb8;
	[tilespmem:$0x1E400] =	vst v63  }
0x1be: {  	_ =	swait.ge [sflag:s9], $0x2000  }
0x1bf: {  	[sflag:s9] =	ssyncset.done $0x0  }
0x1c0: {  	[sflag:s9] =	ssyncadd.s32 $0xFFFFE000  }
0x1c1: {  	[spmem:s1] =	stream.indirect.scatter.add.f32 [tilespmem:s0], [sflag:$0x8], $0x80, s10, s21, $0xb8;
	[tilespmem:$0x1E400] =	vst v63  }
0x1c2: {  	_ =	swait.ge [sflag:s11], $0x2000  }
0x1c3: {  	[sflag:s11] =	ssyncset.done $0x0  }
0x1c4: {  	[sflag:s11] =	ssyncadd.s32 $0xFFFFE000  }
0x1c5: {  	[tilespmem:s24], [sflag:$0x2] =	stream.indirect.gather [hbm4b:s4+s21], $0x80, s12, s21, $0xb8;
	[tilespmem:$0x1E400] =	vst v63  }
.LBB2_18:
0x1c6: {  	_ =	swait.ge [sflag:s25], $0x2000  }
0x1c7: {  	s16 =	sshra.s32 s15, $0x2;
	[sflag:s25] =	ssyncset.done $0x0  }
0x1c8: {  	s17 =	sadd.s32 $0x1200, s16;
	[sflag:s25] =	ssyncadd.s32 $0xFFFFE000  }
0x1c9: {  	[spmem:s1] =	stream.indirect.scatter.add.f32 [tilespmem:s22], [sflag:$0x5], $0x80, s17, s21, $0xb8;
	[tilespmem:$0x1E400] =	vst v63  }
0x1ca: {  	_ =	swait.ge [sflag:s13], $0x2000  }
0x1cb: {  	[sflag:s13] =	ssyncset.done $0x0  }
0x1cc: {  	s23 =	sadd.s32 $0x300, s16;
	[sflag:s13] =	ssyncadd.s32 $0xFFFFE000  }
0x1cd: {  	[tilespmem:s28], [sflag:$0x3] =	stream.indirect.gather [hbm4b:s4+s21], $0x80, s23, s21, $0xb8;
	[tilespmem:$0x1E400] =	vst v63  }
0x1ce: {  	_ =	swait.ge [sflag:s29], $0x2000  }
0x1cf: {  	[sflag:s29] =	ssyncset.done $0x0  }
0x1d0: {  	s23 =	sadd.s32 $0x1280, s16;
	[sflag:s29] =	ssyncadd.s32 $0xFFFFE000  }
0x1d1: {  	[spmem:s1] =	stream.indirect.scatter.add.f32 [tilespmem:s24], [sflag:$0x6], $0x80, s23, s21, $0xb8;
	[tilespmem:$0x1E400] =	vst v63  }
0x1d2: {  	_ =	swait.ge [sflag:s14], $0x2000  }
0x1d3: {  	[sflag:s14] =	ssyncset.done $0x0  }
0x1d4: {  	s23 =	sadd.s32 $0x380, s16;
	[sflag:s14] =	ssyncadd.s32 $0xFFFFE000  }
0x1d5: {  	[tilespmem:s0], [sflag:$0x4] =	stream.indirect.gather [hbm4b:s4+s21], $0x80, s23, s21, $0xb8;
	[tilespmem:$0x1E400] =	vst v63  }
0x1d6: {  	_ =	swait.ge [sflag:s2], $0x2000  }
0x1d7: {  	p0 =	seq.s32 s15, $0x3000;
	[sflag:s2] =	ssyncset.done $0x0  }
.Ltmp12:
0x1d8: {  	s23 =	sadd.s32 $0x1300, s16;
	[sflag:s2] =	ssyncadd.s32 $0xFFFFE000;
	(pc) =	sbr.rel @p0 .LBB2_20-.Ltmp12, $4  }
0x1d9: {  	[spmem:s1] =	stream.indirect.scatter.add.f32 [tilespmem:s28], [sflag:$0x7], $0x80, s23, s21, $0xb8;
	[tilespmem:$0x1E400] =	vst v63  }
0x1da: {  	_ =	swait.ge [sflag:s7], $0x2000  }
0x1db: {  	[sflag:s7] =	ssyncset.done $0x0  }
0x1dc: {  	s17 =	sadd.s32 $0x1380, s16;
	[sflag:s7] =	ssyncadd.s32 $0xFFFFE000  }
0x1dd: {  	s23 =	sadd.s32 $0x400, s16  }
0x1de: {  	[tilespmem:s22], [sflag:$0x1] =	stream.indirect.gather [hbm4b:s4+s21], $0x80, s23, s21, $0xb8;
	[tilespmem:$0x1E400] =	vst v63  }
0x1df: {  	_ =	swait.ge [sflag:s9], $0x2000  }
0x1e0: {  	[sflag:s9] =	ssyncset.done $0x0  }
0x1e1: {  	[sflag:s9] =	ssyncadd.s32 $0xFFFFE000  }
0x1e2: {  	[spmem:s1] =	stream.indirect.scatter.add.f32 [tilespmem:s0], [sflag:$0x8], $0x80, s17, s21, $0xb8;
	[tilespmem:$0x1E400] =	vst v63  }
.Ltmp13:
0x1e3: {  	_ = 	snop;
	(pc) =	sbr.rel .LBB2_18-.Ltmp13, $4  }
0x1e4: {  	_ =	swait.ge [sflag:s11], $0x2000  }
0x1e5: {  	[sflag:s11] =	ssyncset.done $0x0  }
0x1e6: {  	s15 =	sadd.s32 $0x800, s15;
	s23 =	sadd.s32 $0x480, s16;
	[sflag:s11] =	ssyncadd.s32 $0xFFFFE000  }
0x1e7: {  	[tilespmem:s24], [sflag:$0x2] =	stream.indirect.gather [hbm4b:s4+s21], $0x80, s23, s21, $0xb8;
	[tilespmem:$0x1E400] =	vst v63  }
.LBB2_21:
0x1e8: {  	_ =	sfence.sel $0x180000  }
0x1e9: {  	[bflag:$0x0] =	sbarrier.arrive $0xFFFF  }
0x1ea: {  	_ =	strace $0x9000004A  }
0x1eb: {  	s0 =	stileid.u32;
	[bflag:$0x2] =	sbarrier.arrive $0xFFFF  }
0x1ec: {  	p0 =	sne.s32 s0, $0x0;
	s0 =	rddreg [dreg:$0x3]  }
0x1ed: {  	s0 =	sadd.s32 @!p0 $0x100000, s0  }
0x1ee: {  	[sflag:s0] =	ssyncadd.tile.s32 @!p0 $0x1;
	_ =	shalt  }
.Lfunc_end2:
_tile_overlayer_lowered:
.L_overlay_start_2:
0x1ef: {  	(tag) =	ssettag $0x2  }
0x1f0: {  	s0 =	rddreg [dreg:$0x0];
	s2 =	stileid.u32  }
0x1f1: {  	s1 =	rddreg [dreg:$0x1];
	p0 =	sne.s32 s2, $0x0  }
0x1f2: {  	s3 =	rddreg [dreg:$0x2];
	[bflag:$0x3] =	sbarrier.arrive $0xFFFF;
	s2 =	simm.s32 @!p0 $0x1C09  }
0x1f3: {  	[timem:s3], [sflag:s2] =	dma.local @!p0 [hbm:s0], s1  }
0x1f4: {  	s0 =	simm.s32 @!p0 $0x9  }
0x1f5: {  	_ =	swait.ge @!p0 [sflag:s0], s1  }
0x1f6: {  	s1 =	ssub.s32 @!p0 $0x0, s1;
	[sflag:s0] =	ssyncset.done @!p0 $0x0  }
0x1f7: {  	[sflag:s0] =	ssyncadd.s32 @!p0 s1  }
0x1f8: {  	[bflag:$0x3] =	sbarrier.arrive $0xFFFF  }
0x1f9: {  	_ =	shalt  }

</sc_bundles>
